<compile_context>
chip_gen: v7x
topology: tpu7x:2x2x1
jax: 0.10.2.dev20260603
libtpu: 0.0.44.dev20260713+nightly
codegen_flags: <defaults>
</compile_context>

<pallas_src>
import functools

import jax
import jax.numpy as jnp
from jax import lax
from jax.experimental import pallas as pl
from jax.experimental.pallas import tpu as pltpu
from jax.experimental.pallas import tpu_sc as plsc

LANES = 16
NUM_CORES = 2
NUM_SUBCORES = 16
NUM_WORKERS = NUM_CORES * NUM_SUBCORES
CHUNK_ROWS = 16
SC_SEGS = 8


def _rsqrt_newton(v):
    i = lax.bitcast_convert_type(v, jnp.int32)
    seed = jnp.full((LANES,), 0x5F3759DF, dtype=jnp.int32)
    y = lax.bitcast_convert_type(seed - (i >> 1), jnp.float32)
    half = v * 0.5
    for _ in range(3):
        y = y * (1.5 - half * y * y)
    return y


def _pool_body(feat, rows_per_worker, x_hbm, out_hbm, buf, acc, sem0, sem1):
    nsub = feat // LANES
    nchunks = rows_per_worker // CHUNK_ROWS

    wid = lax.axis_index("s") * NUM_CORES + lax.axis_index("c")
    base = wid * rows_per_worker

    def zero_body(j, _):
        acc[pl.ds(j * LANES, LANES)] = jnp.zeros((LANES,), jnp.float32)
        return 0
    lax.fori_loop(0, nsub, zero_body, 0)

    def chunk_src(k):
        return x_hbm.at[pl.ds(base + k * CHUNK_ROWS, CHUNK_ROWS)]

    pltpu.async_copy(chunk_src(0), buf.at[0], sem0)
    pltpu.async_copy(chunk_src(1), buf.at[1], sem1)

    lane = lax.iota(jnp.int32, LANES)
    shuffles = [lane ^ d for d in (8, 4, 2, 1)]

    def row_body(bref, r):
        chunks = [bref[r, pl.ds(j * LANES, LANES)] for j in range(nsub)]
        parts = [chunks[j] * chunks[j] for j in range(4)]
        for j in range(4, nsub):
            parts[j % 4] = parts[j % 4] + chunks[j] * chunks[j]
        ssq = (parts[0] + parts[1]) + (parts[2] + parts[3])
        for idx in shuffles:
            ssq = ssq + jnp.take_along_axis(ssq, idx, axis=0)
        inv = _rsqrt_newton(ssq)
        for j in range(nsub):
            plsc.addupdate(acc.at[pl.ds(j * LANES, LANES)], chunks[j] * inv)

    def pair_body(i, _):
        for b, sem in ((0, sem0), (1, sem1)):
            k = 2 * i + b
            pltpu.make_async_copy(chunk_src(k), buf.at[b], sem).wait()
            plsc.parallel_loop(0, CHUNK_ROWS, unroll=2)(
                functools.partial(row_body, buf.at[b]))

            @pl.when(k + 2 < nchunks)
            def _():
                pltpu.async_copy(chunk_src(k + 2), buf.at[b], sem)
        return 0

    lax.fori_loop(0, nchunks // 2, pair_body, 0)

    pltpu.sync_copy(acc, out_hbm.at[wid])


def _tc_pool_body(x_ref, out_ref):
    xs = x_ref[...]
    ssq = jnp.sum(xs * xs, axis=1, keepdims=True)
    inv = lax.rsqrt(jnp.maximum(ssq, 1e-24))
    out_ref[...] = jnp.sum(xs * inv, axis=0).reshape(out_ref.shape)


def _classifier_body(wps, part_sc_ref, part_tc_ref, lens_ref, w_ref, b_ref,
                     means_ref, logits_ref):
    sums_sc = part_sc_ref[:, 0, :]
    for i in range(1, wps):
        sums_sc = sums_sc + part_sc_ref[:, i, :]
    sums = jnp.concatenate([sums_sc, part_tc_ref[...]], axis=0)
    means = sums / lens_ref[...]
    means_ref[...] = means
    logits_ref[...] = (
        lax.dot_general(means, w_ref[...], (((1,), (1,)), ((), ())),
                        preferred_element_type=jnp.float32)
        + b_ref[...]
    )


def kernel(x, lst_lens, W, b):
    total, feat = x.shape
    nseg = lst_lens.shape[0]
    ncls = W.shape[0]
    seg_rows = total // nseg
    sc_rows = SC_SEGS * seg_rows
    rows_per_worker = sc_rows // NUM_WORKERS
    workers_per_seg = NUM_WORKERS // SC_SEGS
    tc_segs = nseg - SC_SEGS

    pool_sc = pl.kernel(
        functools.partial(_pool_body, feat, rows_per_worker),
        out_type=jax.ShapeDtypeStruct((NUM_WORKERS, feat), jnp.float32),
        mesh=plsc.VectorSubcoreMesh(
            core_axis_name="c", subcore_axis_name="s",
            num_cores=NUM_CORES, num_subcores=NUM_SUBCORES),
        scratch_types=[
            pltpu.VMEM((2, CHUNK_ROWS, feat), jnp.float32),
            pltpu.VMEM((feat,), jnp.float32),
            pltpu.SemaphoreType.DMA,
            pltpu.SemaphoreType.DMA,
        ],
    )
    partials_sc = pool_sc(x).reshape(SC_SEGS, workers_per_seg, feat)

    partials_tc = pl.pallas_call(
        _tc_pool_body,
        grid=(tc_segs,),
        in_specs=[pl.BlockSpec((seg_rows, feat), lambda g: (SC_SEGS + g, 0))],
        out_specs=pl.BlockSpec((1, 1, feat), lambda g: (g, 0, 0)),
        out_shape=jax.ShapeDtypeStruct((tc_segs, 1, feat), jnp.float32),
    )(x)
    partials_tc = partials_tc.reshape(tc_segs, feat)

    lens_f = lst_lens.astype(jnp.float32).reshape(nseg, 1)
    b2 = b.reshape(1, ncls)

    means, logits = pl.pallas_call(
        functools.partial(_classifier_body, workers_per_seg),
        out_shape=(
            jax.ShapeDtypeStruct((nseg, feat), jnp.float32),
            jax.ShapeDtypeStruct((nseg, ncls), jnp.float32),
        ),
    )(partials_sc, partials_tc, lens_f, W, b2)
    return (means, logits)

# --- scband reference (transcript-rebuilt; emitter-appended) ---
"""Pipeline reference for scband-pooling-classifier-56289841381417 (READ-ONLY COPY).

The authoritative reference and input builder live on the scoring server;
editing this copy changes nothing except your own understanding.
"""

import jax, jax.numpy as jnp
import numpy as np

FEAT_DIM = 512
NUM_CLASSES = 1000
B = 16
TOTAL = 32768


def setup_inputs(seed: int = 0) -> dict:
    key = jax.random.key(seed)
    k1, k2 = jax.random.split(key, 2)
    x = jax.random.normal(k1, (TOTAL, FEAT_DIM), dtype=jnp.float32)
    # deterministic segment lengths summing exactly to TOTAL (equal ragged split)
    lst_lens = jnp.full((B,), TOTAL // B, dtype=jnp.int32)
    # learned params of nn.Linear(feat_dim, num_classes)
    W = jax.random.normal(k2, (NUM_CLASSES, FEAT_DIM), dtype=jnp.float32) * 0.02
    b = jnp.zeros((NUM_CLASSES,), dtype=jnp.float32)
    return {"x": x, "lst_lens": lst_lens, "W": W, "b": b}


def reference(x, lst_lens, W, b):
    # F.normalize(x): L2 row-normalize with eps=1e-12
    norm = jnp.linalg.norm(x, axis=1, keepdims=True)
    xn = x / jnp.clip(norm, 1e-12)
    # ragged mean-pool per segment (AVE path)
    nseg = lst_lens.shape[0]
    cum = jnp.cumsum(lst_lens)
    total = cum[-1]
    pos = jnp.arange(x.shape[0])
    ids = jnp.searchsorted(cum, pos, side='right')
    mask = (pos < total).astype(xn.dtype)
    ids_c = jnp.clip(ids, 0, nseg - 1)
    sums = jax.ops.segment_sum(xn * mask[:, None], ids_c, num_segments=nseg)
    means = sums / lst_lens[:, None].astype(xn.dtype)
    logits = means @ W.T + b
    return (means, logits)

if __name__ == "__main__":
    import jax
    _d = setup_inputs()
    print(jax.jit(kernel)(*tuple(_d.values())))

</pallas_src>

<mosaic_0001>
#map = affine_map<(d0, d1) -> (0, 0)>
module attributes {stable_mosaic.version = 14 : i64} {
  func.func @_pool_body(%arg0: i32, %arg1: i32, %arg2: memref<32768x512xf32, #tpu.memory_space<hbm>>, %arg3: memref<32x512xf32, #tpu.memory_space<hbm>>, %arg4: memref<2x16x512xf32, #tpu.memory_space<vmem>>, %arg5: memref<512xf32, #tpu.memory_space<vmem>>, %arg6: memref<!tpu.dma_semaphore, #tpu.memory_space<semaphore_mem>>, %arg7: memref<!tpu.dma_semaphore, #tpu.memory_space<semaphore_mem>>) attributes {dimension_semantics = [#tpu.dimension_semantics<core_parallel>, #tpu.dimension_semantics<subcore_parallel>], iteration_bounds = array<i64: 2, 16>, scalar_prefetch = 0 : i64, scratch_operands = 4 : i64, tpu.core_type = #tpu.core_type<sc_vector_subcore>, window_params = [{transform_indices = #map}, {transform_indices = #map}]} {
    %mul3A = arith.constant 2 : i32
    %mul3A_0 = arith.muli %arg1, %mul3A : i32
    %add3A = arith.addi %mul3A_0, %arg0 : i32
    %mul3A_1 = arith.constant 512 : i32
    %mul3A_2 = arith.muli %add3A, %mul3A_1 : i32
    %scan3A = arith.constant 0 : i32
    %scan3A_3 = arith.constant 0 : i32
    %scan3A_4 = arith.constant 32 : i32
    %scan3A_5 = arith.addi %scan3A_3, %scan3A_4 : i32
    %scan3A_6 = arith.constant 1 : i32
    %scan3A_7 = scf.for %scan3A_56 = %scan3A_3 to %scan3A_5 step %scan3A_6 iter_args(%scan3A_57 = %scan3A) -> (i32)  : i32 {
      %broadcast_in_dim3A = arith.constant 0.000000e+00 : f32
      %broadcast_in_dim3A_58 = vector.broadcast %broadcast_in_dim3A : f32 to vector<16xf32>
      %mul3A_59 = arith.constant 16 : i32
      %mul3A_60 = arith.muli %scan3A_56, %mul3A_59 : i32
      %swap3A = arith.index_cast %mul3A_60 : i32 to index
      %swap3A_61 = tpu.vector_load %arg5[%swap3A] {strides = array<i32>} : memref<512xf32, #tpu.memory_space<vmem>>, vector<16xf32>,
      %swap3A_62 = vector.shape_cast %swap3A_61 : vector<16xf32> to vector<16xf32>
      %swap3A_63 = vector.shape_cast %broadcast_in_dim3A_58 : vector<16xf32> to vector<16xf32>
      tpu.vector_store %arg5[%swap3A], %swap3A_63 {strides = array<i32>} : memref<512xf32, #tpu.memory_space<vmem>>, vector<16xf32>,
      %scan3A_64 = arith.constant 0 : i32
      scf.yield %scan3A_64 : i32
    }
    %scan3A_8 = arith.constant 32 : i32
    %add3A_9 = arith.constant 0 : i32
    %add3A_10 = arith.addi %mul3A_2, %add3A_9 : i32
    %dma_start3A = arith.constant 0 : i32
    %dma_start3A_11 = arith.constant 0 : i32
    %dma_start3A_12 = arith.constant 0 : i32
    %dma_start3A_13 = tpu.memref_slice %arg4[%dma_start3A, %dma_start3A_11, %dma_start3A_12] : memref<2x16x512xf32, #tpu.memory_space<vmem>> -> memref<1x16x512xf32, #tpu.memory_space<vmem>>
    %dma_start3A_14 = tpu.memref_squeeze %dma_start3A_13 : memref<1x16x512xf32, #tpu.memory_space<vmem>> -> memref<16x512xf32, #tpu.memory_space<vmem>>
    %dma_start3A_15 = arith.constant 0 : i32
    %dma_start3A_16 = tpu.memref_slice %arg2[%add3A_10, %dma_start3A_15] : memref<32768x512xf32, #tpu.memory_space<hbm>> -> memref<16x512xf32, #tpu.memory_space<hbm>>
    %dma_start3A_17 = arith.constant 0 : i32
    %dma_start3A_18 = arith.constant 0 : i32
    %dma_start3A_19 = tpu.memref_slice %arg4[%dma_start3A, %dma_start3A_17, %dma_start3A_18] : memref<2x16x512xf32, #tpu.memory_space<vmem>> -> memref<1x16x512xf32, #tpu.memory_space<vmem>>
    %dma_start3A_20 = tpu.memref_squeeze %dma_start3A_19 : memref<1x16x512xf32, #tpu.memory_space<vmem>> -> memref<16x512xf32, #tpu.memory_space<vmem>>
    %dma_start3A_21 = arith.constant 0 : i32
    %dma_start3A_22 = tpu.memref_slice %arg2[%add3A_10, %dma_start3A_21] : memref<32768x512xf32, #tpu.memory_space<hbm>> -> memref<16x512xf32, #tpu.memory_space<hbm>>
    tpu.enqueue_dma source(%dma_start3A_22 : memref<16x512xf32, #tpu.memory_space<hbm>>) target(%dma_start3A_20 : memref<16x512xf32, #tpu.memory_space<vmem>>) target_semaphore(%arg6 : memref<!tpu.dma_semaphore, #tpu.memory_space<semaphore_mem>>)
    %add3A_23 = arith.constant 16 : i32
    %add3A_24 = arith.addi %mul3A_2, %add3A_23 : i32
    %dma_start3A_25 = arith.constant 1 : i32
    %dma_start3A_26 = arith.constant 0 : i32
    %dma_start3A_27 = arith.constant 0 : i32
    %dma_start3A_28 = tpu.memref_slice %arg4[%dma_start3A_25, %dma_start3A_26, %dma_start3A_27] : memref<2x16x512xf32, #tpu.memory_space<vmem>> -> memref<1x16x512xf32, #tpu.memory_space<vmem>>
    %dma_start3A_29 = tpu.memref_squeeze %dma_start3A_28 : memref<1x16x512xf32, #tpu.memory_space<vmem>> -> memref<16x512xf32, #tpu.memory_space<vmem>>
    %dma_start3A_30 = arith.constant 0 : i32
    %dma_start3A_31 = tpu.memref_slice %arg2[%add3A_24, %dma_start3A_30] : memref<32768x512xf32, #tpu.memory_space<hbm>> -> memref<16x512xf32, #tpu.memory_space<hbm>>
    %dma_start3A_32 = arith.constant 0 : i32
    %dma_start3A_33 = arith.constant 0 : i32
    %dma_start3A_34 = tpu.memref_slice %arg4[%dma_start3A_25, %dma_start3A_32, %dma_start3A_33] : memref<2x16x512xf32, #tpu.memory_space<vmem>> -> memref<1x16x512xf32, #tpu.memory_space<vmem>>
    %dma_start3A_35 = tpu.memref_squeeze %dma_start3A_34 : memref<1x16x512xf32, #tpu.memory_space<vmem>> -> memref<16x512xf32, #tpu.memory_space<vmem>>
    %dma_start3A_36 = arith.constant 0 : i32
    %dma_start3A_37 = tpu.memref_slice %arg2[%add3A_24, %dma_start3A_36] : memref<32768x512xf32, #tpu.memory_space<hbm>> -> memref<16x512xf32, #tpu.memory_space<hbm>>
    tpu.enqueue_dma source(%dma_start3A_37 : memref<16x512xf32, #tpu.memory_space<hbm>>) target(%dma_start3A_35 : memref<16x512xf32, #tpu.memory_space<vmem>>) target_semaphore(%arg7 : memref<!tpu.dma_semaphore, #tpu.memory_space<semaphore_mem>>)
    %iota3A = tpu.iota {dimensions = array<i32: 0>} : vector<16xi32>
    %xor3A = arith.constant 8 : i32
    %xor3A_38 = vector.broadcast %xor3A : i32 to vector<16xi32>
    %xor3A_39 = arith.xori %iota3A, %xor3A_38 : vector<16xi32>
    %xor3A_40 = arith.constant 4 : i32
    %xor3A_41 = vector.broadcast %xor3A_40 : i32 to vector<16xi32>
    %xor3A_42 = arith.xori %iota3A, %xor3A_41 : vector<16xi32>
    %xor3A_43 = arith.constant 2 : i32
    %xor3A_44 = vector.broadcast %xor3A_43 : i32 to vector<16xi32>
    %xor3A_45 = arith.xori %iota3A, %xor3A_44 : vector<16xi32>
    %xor3A_46 = arith.constant 1 : i32
    %xor3A_47 = vector.broadcast %xor3A_46 : i32 to vector<16xi32>
    %xor3A_48 = arith.xori %iota3A, %xor3A_47 : vector<16xi32>
    %scan3A_49 = arith.constant 0 : i32
    %scan3A_50 = arith.constant 0 : i32
    %scan3A_51 = arith.constant 16 : i32
    %scan3A_52 = arith.addi %scan3A_50, %scan3A_51 : i32
    %scan3A_53 = arith.constant 1 : i32
    %scan3A_54 = scf.for %scan3A_56 = %scan3A_50 to %scan3A_52 step %scan3A_53 iter_args(%scan3A_57 = %scan3A_49) -> (i32)  : i32 {
      %mul3A_58 = arith.constant 2 : i32
      %mul3A_59 = arith.muli %mul3A_58, %scan3A_56 : i32
      %add3A_60 = arith.constant 0 : i32
      %add3A_61 = arith.addi %mul3A_59, %add3A_60 : i32
      %mul3A_62 = arith.constant 16 : i32
      %mul3A_63 = arith.muli %add3A_61, %mul3A_62 : i32
      %add3A_64 = arith.addi %mul3A_2, %mul3A_63 : i32
      %dma_wait3A = arith.constant 0 : i32
      %dma_wait3A_65 = arith.constant 0 : i32
      %dma_wait3A_66 = arith.constant 0 : i32
      %dma_wait3A_67 = tpu.memref_slice %arg4[%dma_wait3A, %dma_wait3A_65, %dma_wait3A_66] : memref<2x16x512xf32, #tpu.memory_space<vmem>> -> memref<1x16x512xf32, #tpu.memory_space<vmem>>
      %dma_wait3A_68 = tpu.memref_squeeze %dma_wait3A_67 : memref<1x16x512xf32, #tpu.memory_space<vmem>> -> memref<16x512xf32, #tpu.memory_space<vmem>>
      %dma_wait3A_69 = arith.constant 0 : i32
      %dma_wait3A_70 = tpu.memref_slice %arg2[%add3A_64, %dma_wait3A_69] : memref<32768x512xf32, #tpu.memory_space<hbm>> -> memref<16x512xf32, #tpu.memory_space<hbm>>
      %dma_wait3A_71 = arith.constant 0 : i32
      %dma_wait3A_72 = arith.constant 0 : i32
      %dma_wait3A_73 = tpu.memref_slice %arg4[%dma_wait3A, %dma_wait3A_71, %dma_wait3A_72] : memref<2x16x512xf32, #tpu.memory_space<vmem>> -> memref<1x16x512xf32, #tpu.memory_space<vmem>>
      %dma_wait3A_74 = tpu.memref_squeeze %dma_wait3A_73 : memref<1x16x512xf32, #tpu.memory_space<vmem>> -> memref<16x512xf32, #tpu.memory_space<vmem>>
      %dma_wait3A_75 = arith.constant 0 : i32
      %dma_wait3A_76 = tpu.memref_slice %arg2[%add3A_64, %dma_wait3A_75] : memref<32768x512xf32, #tpu.memory_space<hbm>> -> memref<16x512xf32, #tpu.memory_space<hbm>>
      tpu.wait_dma2 semaphore(%arg6 : memref<!tpu.dma_semaphore, #tpu.memory_space<semaphore_mem>>) src(%dma_wait3A_76 : memref<16x512xf32, #tpu.memory_space<hbm>>) dst(%dma_wait3A_74 : memref<16x512xf32, #tpu.memory_space<vmem>>)
      %parallel_loop3A = arith.constant 0 : i32
      %parallel_loop3A_77 = arith.constant 16 : i32
      %parallel_loop3A_78 = arith.constant 1 : i32
      %parallel_loop3A_79 = arith.constant 0 : i32
      scf.for %parallel_loop3A_116 = %parallel_loop3A to %parallel_loop3A_77 step %parallel_loop3A_78  : i32 {
        %parallel_loop3A_117 = arith.constant 0 : i32
        %parallel_loop3A_118 = arith.constant 0 : i32
        %parallel_loop3A_119 = tpu.memref_slice %arg4[%parallel_loop3A_79, %parallel_loop3A_117, %parallel_loop3A_118] : memref<2x16x512xf32, #tpu.memory_space<vmem>> -> memref<1x16x512xf32, #tpu.memory_space<vmem>>
        %parallel_loop3A_120 = tpu.memref_squeeze %parallel_loop3A_119 : memref<1x16x512xf32, #tpu.memory_space<vmem>> -> memref<16x512xf32, #tpu.memory_space<vmem>>
        %parallel_loop3A_121 = arith.index_cast %parallel_loop3A_116 : i32 to index
        %parallel_loop3A_122 = arith.constant 0 : index
        %parallel_loop3A_123 = tpu.vector_load %parallel_loop3A_120[%parallel_loop3A_121, %parallel_loop3A_122] {strides = array<i32>} : memref<16x512xf32, #tpu.memory_space<vmem>>, vector<1x16xf32>,
        %parallel_loop3A_124 = vector.shape_cast %parallel_loop3A_123 : vector<1x16xf32> to vector<16xf32>
        %parallel_loop3A_125 = arith.constant 0 : i32
        %parallel_loop3A_126 = arith.constant 0 : i32
        %parallel_loop3A_127 = tpu.memref_slice %arg4[%parallel_loop3A_79, %parallel_loop3A_125, %parallel_loop3A_126] : memref<2x16x512xf32, #tpu.memory_space<vmem>> -> memref<1x16x512xf32, #tpu.memory_space<vmem>>
        %parallel_loop3A_128 = tpu.memref_squeeze %parallel_loop3A_127 : memref<1x16x512xf32, #tpu.memory_space<vmem>> -> memref<16x512xf32, #tpu.memory_space<vmem>>
        %parallel_loop3A_129 = arith.index_cast %parallel_loop3A_116 : i32 to index
        %parallel_loop3A_130 = arith.constant 16 : index
        %parallel_loop3A_131 = tpu.vector_load %parallel_loop3A_128[%parallel_loop3A_129, %parallel_loop3A_130] {strides = array<i32>} : memref<16x512xf32, #tpu.memory_space<vmem>>, vector<1x16xf32>,
        %parallel_loop3A_132 = vector.shape_cast %parallel_loop3A_131 : vector<1x16xf32> to vector<16xf32>
        %parallel_loop3A_133 = arith.constant 0 : i32
        %parallel_loop3A_134 = arith.constant 0 : i32
        %parallel_loop3A_135 = tpu.memref_slice %arg4[%parallel_loop3A_79, %parallel_loop3A_133, %parallel_loop3A_134] : memref<2x16x512xf32, #tpu.memory_space<vmem>> -> memref<1x16x512xf32, #tpu.memory_space<vmem>>
        %parallel_loop3A_136 = tpu.memref_squeeze %parallel_loop3A_135 : memref<1x16x512xf32, #tpu.memory_space<vmem>> -> memref<16x512xf32, #tpu.memory_space<vmem>>
        %parallel_loop3A_137 = arith.index_cast %parallel_loop3A_116 : i32 to index
        %parallel_loop3A_138 = arith.constant 32 : index
        %parallel_loop3A_139 = tpu.vector_load %parallel_loop3A_136[%parallel_loop3A_137, %parallel_loop3A_138] {strides = array<i32>} : memref<16x512xf32, #tpu.memory_space<vmem>>, vector<1x16xf32>,
        %parallel_loop3A_140 = vector.shape_cast %parallel_loop3A_139 : vector<1x16xf32> to vector<16xf32>
        %parallel_loop3A_141 = arith.constant 0 : i32
        %parallel_loop3A_142 = arith.constant 0 : i32
        %parallel_loop3A_143 = tpu.memref_slice %arg4[%parallel_loop3A_79, %parallel_loop3A_141, %parallel_loop3A_142] : memref<2x16x512xf32, #tpu.memory_space<vmem>> -> memref<1x16x512xf32, #tpu.memory_space<vmem>>
        %parallel_loop3A_144 = tpu.memref_squeeze %parallel_loop3A_143 : memref<1x16x512xf32, #tpu.memory_space<vmem>> -> memref<16x512xf32, #tpu.memory_space<vmem>>
        %parallel_loop3A_145 = arith.index_cast %parallel_loop3A_116 : i32 to index
        %parallel_loop3A_146 = arith.constant 48 : index
        %parallel_loop3A_147 = tpu.vector_load %parallel_loop3A_144[%parallel_loop3A_145, %parallel_loop3A_146] {strides = array<i32>} : memref<16x512xf32, #tpu.memory_space<vmem>>, vector<1x16xf32>,
        %parallel_loop3A_148 = vector.shape_cast %parallel_loop3A_147 : vector<1x16xf32> to vector<16xf32>
        %parallel_loop3A_149 = arith.constant 0 : i32
        %parallel_loop3A_150 = arith.constant 0 : i32
        %parallel_loop3A_151 = tpu.memref_slice %arg4[%parallel_loop3A_79, %parallel_loop3A_149, %parallel_loop3A_150] : memref<2x16x512xf32, #tpu.memory_space<vmem>> -> memref<1x16x512xf32, #tpu.memory_space<vmem>>
        %parallel_loop3A_152 = tpu.memref_squeeze %parallel_loop3A_151 : memref<1x16x512xf32, #tpu.memory_space<vmem>> -> memref<16x512xf32, #tpu.memory_space<vmem>>
        %parallel_loop3A_153 = arith.index_cast %parallel_loop3A_116 : i32 to index
        %parallel_loop3A_154 = arith.constant 64 : index
        %parallel_loop3A_155 = tpu.vector_load %parallel_loop3A_152[%parallel_loop3A_153, %parallel_loop3A_154] {strides = array<i32>} : memref<16x512xf32, #tpu.memory_space<vmem>>, vector<1x16xf32>,
        %parallel_loop3A_156 = vector.shape_cast %parallel_loop3A_155 : vector<1x16xf32> to vector<16xf32>
        %parallel_loop3A_157 = arith.constant 0 : i32
        %parallel_loop3A_158 = arith.constant 0 : i32
        %parallel_loop3A_159 = tpu.memref_slice %arg4[%parallel_loop3A_79, %parallel_loop3A_157, %parallel_loop3A_158] : memref<2x16x512xf32, #tpu.memory_space<vmem>> -> memref<1x16x512xf32, #tpu.memory_space<vmem>>
        %parallel_loop3A_160 = tpu.memref_squeeze %parallel_loop3A_159 : memref<1x16x512xf32, #tpu.memory_space<vmem>> -> memref<16x512xf32, #tpu.memory_space<vmem>>
        %parallel_loop3A_161 = arith.index_cast %parallel_loop3A_116 : i32 to index
        %parallel_loop3A_162 = arith.constant 80 : index
        %parallel_loop3A_163 = tpu.vector_load %parallel_loop3A_160[%parallel_loop3A_161, %parallel_loop3A_162] {strides = array<i32>} : memref<16x512xf32, #tpu.memory_space<vmem>>, vector<1x16xf32>,
        %parallel_loop3A_164 = vector.shape_cast %parallel_loop3A_163 : vector<1x16xf32> to vector<16xf32>
        %parallel_loop3A_165 = arith.constant 0 : i32
        %parallel_loop3A_166 = arith.constant 0 : i32
        %parallel_loop3A_167 = tpu.memref_slice %arg4[%parallel_loop3A_79, %parallel_loop3A_165, %parallel_loop3A_166] : memref<2x16x512xf32, #tpu.memory_space<vmem>> -> memref<1x16x512xf32, #tpu.memory_space<vmem>>
        %parallel_loop3A_168 = tpu.memref_squeeze %parallel_loop3A_167 : memref<1x16x512xf32, #tpu.memory_space<vmem>> -> memref<16x512xf32, #tpu.memory_space<vmem>>
        %parallel_loop3A_169 = arith.index_cast %parallel_loop3A_116 : i32 to index
        %parallel_loop3A_170 = arith.constant 96 : index
        %parallel_loop3A_171 = tpu.vector_load %parallel_loop3A_168[%parallel_loop3A_169, %parallel_loop3A_170] {strides = array<i32>} : memref<16x512xf32, #tpu.memory_space<vmem>>, vector<1x16xf32>,
        %parallel_loop3A_172 = vector.shape_cast %parallel_loop3A_171 : vector<1x16xf32> to vector<16xf32>
        %parallel_loop3A_173 = arith.constant 0 : i32
        %parallel_loop3A_174 = arith.constant 0 : i32
        %parallel_loop3A_175 = tpu.memref_slice %arg4[%parallel_loop3A_79, %parallel_loop3A_173, %parallel_loop3A_174] : memref<2x16x512xf32, #tpu.memory_space<vmem>> -> memref<1x16x512xf32, #tpu.memory_space<vmem>>
        %parallel_loop3A_176 = tpu.memref_squeeze %parallel_loop3A_175 : memref<1x16x512xf32, #tpu.memory_space<vmem>> -> memref<16x512xf32, #tpu.memory_space<vmem>>
        %parallel_loop3A_177 = arith.index_cast %parallel_loop3A_116 : i32 to index
        %parallel_loop3A_178 = arith.constant 112 : index
        %parallel_loop3A_179 = tpu.vector_load %parallel_loop3A_176[%parallel_loop3A_177, %parallel_loop3A_178] {strides = array<i32>} : memref<16x512xf32, #tpu.memory_space<vmem>>, vector<1x16xf32>,
        %parallel_loop3A_180 = vector.shape_cast %parallel_loop3A_179 : vector<1x16xf32> to vector<16xf32>
        %parallel_loop3A_181 = arith.constant 0 : i32
        %parallel_loop3A_182 = arith.constant 0 : i32
        %parallel_loop3A_183 = tpu.memref_slice %arg4[%parallel_loop3A_79, %parallel_loop3A_181, %parallel_loop3A_182] : memref<2x16x512xf32, #tpu.memory_space<vmem>> -> memref<1x16x512xf32, #tpu.memory_space<vmem>>
        %parallel_loop3A_184 = tpu.memref_squeeze %parallel_loop3A_183 : memref<1x16x512xf32, #tpu.memory_space<vmem>> -> memref<16x512xf32, #tpu.memory_space<vmem>>
        %parallel_loop3A_185 = arith.index_cast %parallel_loop3A_116 : i32 to index
        %parallel_loop3A_186 = arith.constant 128 : index
        %parallel_loop3A_187 = tpu.vector_load %parallel_loop3A_184[%parallel_loop3A_185, %parallel_loop3A_186] {strides = array<i32>} : memref<16x512xf32, #tpu.memory_space<vmem>>, vector<1x16xf32>,
        %parallel_loop3A_188 = vector.shape_cast %parallel_loop3A_187 : vector<1x16xf32> to vector<16xf32>
        %parallel_loop3A_189 = arith.constant 0 : i32
        %parallel_loop3A_190 = arith.constant 0 : i32
        %parallel_loop3A_191 = tpu.memref_slice %arg4[%parallel_loop3A_79, %parallel_loop3A_189, %parallel_loop3A_190] : memref<2x16x512xf32, #tpu.memory_space<vmem>> -> memref<1x16x512xf32, #tpu.memory_space<vmem>>
        %parallel_loop3A_192 = tpu.memref_squeeze %parallel_loop3A_191 : memref<1x16x512xf32, #tpu.memory_space<vmem>> -> memref<16x512xf32, #tpu.memory_space<vmem>>
        %parallel_loop3A_193 = arith.index_cast %parallel_loop3A_116 : i32 to index
        %parallel_loop3A_194 = arith.constant 144 : index
        %parallel_loop3A_195 = tpu.vector_load %parallel_loop3A_192[%parallel_loop3A_193, %parallel_loop3A_194] {strides = array<i32>} : memref<16x512xf32, #tpu.memory_space<vmem>>, vector<1x16xf32>,
        %parallel_loop3A_196 = vector.shape_cast %parallel_loop3A_195 : vector<1x16xf32> to vector<16xf32>
        %parallel_loop3A_197 = arith.constant 0 : i32
        %parallel_loop3A_198 = arith.constant 0 : i32
        %parallel_loop3A_199 = tpu.memref_slice %arg4[%parallel_loop3A_79, %parallel_loop3A_197, %parallel_loop3A_198] : memref<2x16x512xf32, #tpu.memory_space<vmem>> -> memref<1x16x512xf32, #tpu.memory_space<vmem>>
        %parallel_loop3A_200 = tpu.memref_squeeze %parallel_loop3A_199 : memref<1x16x512xf32, #tpu.memory_space<vmem>> -> memref<16x512xf32, #tpu.memory_space<vmem>>
        %parallel_loop3A_201 = arith.index_cast %parallel_loop3A_116 : i32 to index
        %parallel_loop3A_202 = arith.constant 160 : index
        %parallel_loop3A_203 = tpu.vector_load %parallel_loop3A_200[%parallel_loop3A_201, %parallel_loop3A_202] {strides = array<i32>} : memref<16x512xf32, #tpu.memory_space<vmem>>, vector<1x16xf32>,
        %parallel_loop3A_204 = vector.shape_cast %parallel_loop3A_203 : vector<1x16xf32> to vector<16xf32>
        %parallel_loop3A_205 = arith.constant 0 : i32
        %parallel_loop3A_206 = arith.constant 0 : i32
        %parallel_loop3A_207 = tpu.memref_slice %arg4[%parallel_loop3A_79, %parallel_loop3A_205, %parallel_loop3A_206] : memref<2x16x512xf32, #tpu.memory_space<vmem>> -> memref<1x16x512xf32, #tpu.memory_space<vmem>>
        %parallel_loop3A_208 = tpu.memref_squeeze %parallel_loop3A_207 : memref<1x16x512xf32, #tpu.memory_space<vmem>> -> memref<16x512xf32, #tpu.memory_space<vmem>>
        %parallel_loop3A_209 = arith.index_cast %parallel_loop3A_116 : i32 to index
        %parallel_loop3A_210 = arith.constant 176 : index
        %parallel_loop3A_211 = tpu.vector_load %parallel_loop3A_208[%parallel_loop3A_209, %parallel_loop3A_210] {strides = array<i32>} : memref<16x512xf32, #tpu.memory_space<vmem>>, vector<1x16xf32>,
        %parallel_loop3A_212 = vector.shape_cast %parallel_loop3A_211 : vector<1x16xf32> to vector<16xf32>
        %parallel_loop3A_213 = arith.constant 0 : i32
        %parallel_loop3A_214 = arith.constant 0 : i32
        %parallel_loop3A_215 = tpu.memref_slice %arg4[%parallel_loop3A_79, %parallel_loop3A_213, %parallel_loop3A_214] : memref<2x16x512xf32, #tpu.memory_space<vmem>> -> memref<1x16x512xf32, #tpu.memory_space<vmem>>
        %parallel_loop3A_216 = tpu.memref_squeeze %parallel_loop3A_215 : memref<1x16x512xf32, #tpu.memory_space<vmem>> -> memref<16x512xf32, #tpu.memory_space<vmem>>
        %parallel_loop3A_217 = arith.index_cast %parallel_loop3A_116 : i32 to index
        %parallel_loop3A_218 = arith.constant 192 : index
        %parallel_loop3A_219 = tpu.vector_load %parallel_loop3A_216[%parallel_loop3A_217, %parallel_loop3A_218] {strides = array<i32>} : memref<16x512xf32, #tpu.memory_space<vmem>>, vector<1x16xf32>,
        %parallel_loop3A_220 = vector.shape_cast %parallel_loop3A_219 : vector<1x16xf32> to vector<16xf32>
        %parallel_loop3A_221 = arith.constant 0 : i32
        %parallel_loop3A_222 = arith.constant 0 : i32
        %parallel_loop3A_223 = tpu.memref_slice %arg4[%parallel_loop3A_79, %parallel_loop3A_221, %parallel_loop3A_222] : memref<2x16x512xf32, #tpu.memory_space<vmem>> -> memref<1x16x512xf32, #tpu.memory_space<vmem>>
        %parallel_loop3A_224 = tpu.memref_squeeze %parallel_loop3A_223 : memref<1x16x512xf32, #tpu.memory_space<vmem>> -> memref<16x512xf32, #tpu.memory_space<vmem>>
        %parallel_loop3A_225 = arith.index_cast %parallel_loop3A_116 : i32 to index
        %parallel_loop3A_226 = arith.constant 208 : index
        %parallel_loop3A_227 = tpu.vector_load %parallel_loop3A_224[%parallel_loop3A_225, %parallel_loop3A_226] {strides = array<i32>} : memref<16x512xf32, #tpu.memory_space<vmem>>, vector<1x16xf32>,
        %parallel_loop3A_228 = vector.shape_cast %parallel_loop3A_227 : vector<1x16xf32> to vector<16xf32>
        %parallel_loop3A_229 = arith.constant 0 : i32
        %parallel_loop3A_230 = arith.constant 0 : i32
        %parallel_loop3A_231 = tpu.memref_slice %arg4[%parallel_loop3A_79, %parallel_loop3A_229, %parallel_loop3A_230] : memref<2x16x512xf32, #tpu.memory_space<vmem>> -> memref<1x16x512xf32, #tpu.memory_space<vmem>>
        %parallel_loop3A_232 = tpu.memref_squeeze %parallel_loop3A_231 : memref<1x16x512xf32, #tpu.memory_space<vmem>> -> memref<16x512xf32, #tpu.memory_space<vmem>>
        %parallel_loop3A_233 = arith.index_cast %parallel_loop3A_116 : i32 to index
        %parallel_loop3A_234 = arith.constant 224 : index
        %parallel_loop3A_235 = tpu.vector_load %parallel_loop3A_232[%parallel_loop3A_233, %parallel_loop3A_234] {strides = array<i32>} : memref<16x512xf32, #tpu.memory_space<vmem>>, vector<1x16xf32>,
        %parallel_loop3A_236 = vector.shape_cast %parallel_loop3A_235 : vector<1x16xf32> to vector<16xf32>
        %parallel_loop3A_237 = arith.constant 0 : i32
        %parallel_loop3A_238 = arith.constant 0 : i32
        %parallel_loop3A_239 = tpu.memref_slice %arg4[%parallel_loop3A_79, %parallel_loop3A_237, %parallel_loop3A_238] : memref<2x16x512xf32, #tpu.memory_space<vmem>> -> memref<1x16x512xf32, #tpu.memory_space<vmem>>
        %parallel_loop3A_240 = tpu.memref_squeeze %parallel_loop3A_239 : memref<1x16x512xf32, #tpu.memory_space<vmem>> -> memref<16x512xf32, #tpu.memory_space<vmem>>
        %parallel_loop3A_241 = arith.index_cast %parallel_loop3A_116 : i32 to index
        %parallel_loop3A_242 = arith.constant 240 : index
        %parallel_loop3A_243 = tpu.vector_load %parallel_loop3A_240[%parallel_loop3A_241, %parallel_loop3A_242] {strides = array<i32>} : memref<16x512xf32, #tpu.memory_space<vmem>>, vector<1x16xf32>,
        %parallel_loop3A_244 = vector.shape_cast %parallel_loop3A_243 : vector<1x16xf32> to vector<16xf32>
        %parallel_loop3A_245 = arith.constant 0 : i32
        %parallel_loop3A_246 = arith.constant 0 : i32
        %parallel_loop3A_247 = tpu.memref_slice %arg4[%parallel_loop3A_79, %parallel_loop3A_245, %parallel_loop3A_246] : memref<2x16x512xf32, #tpu.memory_space<vmem>> -> memref<1x16x512xf32, #tpu.memory_space<vmem>>
        %parallel_loop3A_248 = tpu.memref_squeeze %parallel_loop3A_247 : memref<1x16x512xf32, #tpu.memory_space<vmem>> -> memref<16x512xf32, #tpu.memory_space<vmem>>
        %parallel_loop3A_249 = arith.index_cast %parallel_loop3A_116 : i32 to index
        %parallel_loop3A_250 = arith.constant 256 : index
        %parallel_loop3A_251 = tpu.vector_load %parallel_loop3A_248[%parallel_loop3A_249, %parallel_loop3A_250] {strides = array<i32>} : memref<16x512xf32, #tpu.memory_space<vmem>>, vector<1x16xf32>,
        %parallel_loop3A_252 = vector.shape_cast %parallel_loop3A_251 : vector<1x16xf32> to vector<16xf32>
        %parallel_loop3A_253 = arith.constant 0 : i32
        %parallel_loop3A_254 = arith.constant 0 : i32
        %parallel_loop3A_255 = tpu.memref_slice %arg4[%parallel_loop3A_79, %parallel_loop3A_253, %parallel_loop3A_254] : memref<2x16x512xf32, #tpu.memory_space<vmem>> -> memref<1x16x512xf32, #tpu.memory_space<vmem>>
        %parallel_loop3A_256 = tpu.memref_squeeze %parallel_loop3A_255 : memref<1x16x512xf32, #tpu.memory_space<vmem>> -> memref<16x512xf32, #tpu.memory_space<vmem>>
        %parallel_loop3A_257 = arith.index_cast %parallel_loop3A_116 : i32 to index
        %parallel_loop3A_258 = arith.constant 272 : index
        %parallel_loop3A_259 = tpu.vector_load %parallel_loop3A_256[%parallel_loop3A_257, %parallel_loop3A_258] {strides = array<i32>} : memref<16x512xf32, #tpu.memory_space<vmem>>, vector<1x16xf32>,
        %parallel_loop3A_260 = vector.shape_cast %parallel_loop3A_259 : vector<1x16xf32> to vector<16xf32>
        %parallel_loop3A_261 = arith.constant 0 : i32
        %parallel_loop3A_262 = arith.constant 0 : i32
        %parallel_loop3A_263 = tpu.memref_slice %arg4[%parallel_loop3A_79, %parallel_loop3A_261, %parallel_loop3A_262] : memref<2x16x512xf32, #tpu.memory_space<vmem>> -> memref<1x16x512xf32, #tpu.memory_space<vmem>>
        %parallel_loop3A_264 = tpu.memref_squeeze %parallel_loop3A_263 : memref<1x16x512xf32, #tpu.memory_space<vmem>> -> memref<16x512xf32, #tpu.memory_space<vmem>>
        %parallel_loop3A_265 = arith.index_cast %parallel_loop3A_116 : i32 to index
        %parallel_loop3A_266 = arith.constant 288 : index
        %parallel_loop3A_267 = tpu.vector_load %parallel_loop3A_264[%parallel_loop3A_265, %parallel_loop3A_266] {strides = array<i32>} : memref<16x512xf32, #tpu.memory_space<vmem>>, vector<1x16xf32>,
        %parallel_loop3A_268 = vector.shape_cast %parallel_loop3A_267 : vector<1x16xf32> to vector<16xf32>
        %parallel_loop3A_269 = arith.constant 0 : i32
        %parallel_loop3A_270 = arith.constant 0 : i32
        %parallel_loop3A_271 = tpu.memref_slice %arg4[%parallel_loop3A_79, %parallel_loop3A_269, %parallel_loop3A_270] : memref<2x16x512xf32, #tpu.memory_space<vmem>> -> memref<1x16x512xf32, #tpu.memory_space<vmem>>
        %parallel_loop3A_272 = tpu.memref_squeeze %parallel_loop3A_271 : memref<1x16x512xf32, #tpu.memory_space<vmem>> -> memref<16x512xf32, #tpu.memory_space<vmem>>
        %parallel_loop3A_273 = arith.index_cast %parallel_loop3A_116 : i32 to index
        %parallel_loop3A_274 = arith.constant 304 : index
        %parallel_loop3A_275 = tpu.vector_load %parallel_loop3A_272[%parallel_loop3A_273, %parallel_loop3A_274] {strides = array<i32>} : memref<16x512xf32, #tpu.memory_space<vmem>>, vector<1x16xf32>,
        %parallel_loop3A_276 = vector.shape_cast %parallel_loop3A_275 : vector<1x16xf32> to vector<16xf32>
        %parallel_loop3A_277 = arith.constant 0 : i32
        %parallel_loop3A_278 = arith.constant 0 : i32
        %parallel_loop3A_279 = tpu.memref_slice %arg4[%parallel_loop3A_79, %parallel_loop3A_277, %parallel_loop3A_278] : memref<2x16x512xf32, #tpu.memory_space<vmem>> -> memref<1x16x512xf32, #tpu.memory_space<vmem>>
        %parallel_loop3A_280 = tpu.memref_squeeze %parallel_loop3A_279 : memref<1x16x512xf32, #tpu.memory_space<vmem>> -> memref<16x512xf32, #tpu.memory_space<vmem>>
        %parallel_loop3A_281 = arith.index_cast %parallel_loop3A_116 : i32 to index
        %parallel_loop3A_282 = arith.constant 320 : index
        %parallel_loop3A_283 = tpu.vector_load %parallel_loop3A_280[%parallel_loop3A_281, %parallel_loop3A_282] {strides = array<i32>} : memref<16x512xf32, #tpu.memory_space<vmem>>, vector<1x16xf32>,
        %parallel_loop3A_284 = vector.shape_cast %parallel_loop3A_283 : vector<1x16xf32> to vector<16xf32>
        %parallel_loop3A_285 = arith.constant 0 : i32
        %parallel_loop3A_286 = arith.constant 0 : i32
        %parallel_loop3A_287 = tpu.memref_slice %arg4[%parallel_loop3A_79, %parallel_loop3A_285, %parallel_loop3A_286] : memref<2x16x512xf32, #tpu.memory_space<vmem>> -> memref<1x16x512xf32, #tpu.memory_space<vmem>>
        %parallel_loop3A_288 = tpu.memref_squeeze %parallel_loop3A_287 : memref<1x16x512xf32, #tpu.memory_space<vmem>> -> memref<16x512xf32, #tpu.memory_space<vmem>>
        %parallel_loop3A_289 = arith.index_cast %parallel_loop3A_116 : i32 to index
        %parallel_loop3A_290 = arith.constant 336 : index
        %parallel_loop3A_291 = tpu.vector_load %parallel_loop3A_288[%parallel_loop3A_289, %parallel_loop3A_290] {strides = array<i32>} : memref<16x512xf32, #tpu.memory_space<vmem>>, vector<1x16xf32>,
        %parallel_loop3A_292 = vector.shape_cast %parallel_loop3A_291 : vector<1x16xf32> to vector<16xf32>
        %parallel_loop3A_293 = arith.constant 0 : i32
        %parallel_loop3A_294 = arith.constant 0 : i32
        %parallel_loop3A_295 = tpu.memref_slice %arg4[%parallel_loop3A_79, %parallel_loop3A_293, %parallel_loop3A_294] : memref<2x16x512xf32, #tpu.memory_space<vmem>> -> memref<1x16x512xf32, #tpu.memory_space<vmem>>
        %parallel_loop3A_296 = tpu.memref_squeeze %parallel_loop3A_295 : memref<1x16x512xf32, #tpu.memory_space<vmem>> -> memref<16x512xf32, #tpu.memory_space<vmem>>
        %parallel_loop3A_297 = arith.index_cast %parallel_loop3A_116 : i32 to index
        %parallel_loop3A_298 = arith.constant 352 : index
        %parallel_loop3A_299 = tpu.vector_load %parallel_loop3A_296[%parallel_loop3A_297, %parallel_loop3A_298] {strides = array<i32>} : memref<16x512xf32, #tpu.memory_space<vmem>>, vector<1x16xf32>,
        %parallel_loop3A_300 = vector.shape_cast %parallel_loop3A_299 : vector<1x16xf32> to vector<16xf32>
        %parallel_loop3A_301 = arith.constant 0 : i32
        %parallel_loop3A_302 = arith.constant 0 : i32
        %parallel_loop3A_303 = tpu.memref_slice %arg4[%parallel_loop3A_79, %parallel_loop3A_301, %parallel_loop3A_302] : memref<2x16x512xf32, #tpu.memory_space<vmem>> -> memref<1x16x512xf32, #tpu.memory_space<vmem>>
        %parallel_loop3A_304 = tpu.memref_squeeze %parallel_loop3A_303 : memref<1x16x512xf32, #tpu.memory_space<vmem>> -> memref<16x512xf32, #tpu.memory_space<vmem>>
        %parallel_loop3A_305 = arith.index_cast %parallel_loop3A_116 : i32 to index
        %parallel_loop3A_306 = arith.constant 368 : index
        %parallel_loop3A_307 = tpu.vector_load %parallel_loop3A_304[%parallel_loop3A_305, %parallel_loop3A_306] {strides = array<i32>} : memref<16x512xf32, #tpu.memory_space<vmem>>, vector<1x16xf32>,
        %parallel_loop3A_308 = vector.shape_cast %parallel_loop3A_307 : vector<1x16xf32> to vector<16xf32>
        %parallel_loop3A_309 = arith.constant 0 : i32
        %parallel_loop3A_310 = arith.constant 0 : i32
        %parallel_loop3A_311 = tpu.memref_slice %arg4[%parallel_loop3A_79, %parallel_loop3A_309, %parallel_loop3A_310] : memref<2x16x512xf32, #tpu.memory_space<vmem>> -> memref<1x16x512xf32, #tpu.memory_space<vmem>>
        %parallel_loop3A_312 = tpu.memref_squeeze %parallel_loop3A_311 : memref<1x16x512xf32, #tpu.memory_space<vmem>> -> memref<16x512xf32, #tpu.memory_space<vmem>>
        %parallel_loop3A_313 = arith.index_cast %parallel_loop3A_116 : i32 to index
        %parallel_loop3A_314 = arith.constant 384 : index
        %parallel_loop3A_315 = tpu.vector_load %parallel_loop3A_312[%parallel_loop3A_313, %parallel_loop3A_314] {strides = array<i32>} : memref<16x512xf32, #tpu.memory_space<vmem>>, vector<1x16xf32>,
        %parallel_loop3A_316 = vector.shape_cast %parallel_loop3A_315 : vector<1x16xf32> to vector<16xf32>
        %parallel_loop3A_317 = arith.constant 0 : i32
        %parallel_loop3A_318 = arith.constant 0 : i32
        %parallel_loop3A_319 = tpu.memref_slice %arg4[%parallel_loop3A_79, %parallel_loop3A_317, %parallel_loop3A_318] : memref<2x16x512xf32, #tpu.memory_space<vmem>> -> memref<1x16x512xf32, #tpu.memory_space<vmem>>
        %parallel_loop3A_320 = tpu.memref_squeeze %parallel_loop3A_319 : memref<1x16x512xf32, #tpu.memory_space<vmem>> -> memref<16x512xf32, #tpu.memory_space<vmem>>
        %parallel_loop3A_321 = arith.index_cast %parallel_loop3A_116 : i32 to index
        %parallel_loop3A_322 = arith.constant 400 : index
        %parallel_loop3A_323 = tpu.vector_load %parallel_loop3A_320[%parallel_loop3A_321, %parallel_loop3A_322] {strides = array<i32>} : memref<16x512xf32, #tpu.memory_space<vmem>>, vector<1x16xf32>,
        %parallel_loop3A_324 = vector.shape_cast %parallel_loop3A_323 : vector<1x16xf32> to vector<16xf32>
        %parallel_loop3A_325 = arith.constant 0 : i32
        %parallel_loop3A_326 = arith.constant 0 : i32
        %parallel_loop3A_327 = tpu.memref_slice %arg4[%parallel_loop3A_79, %parallel_loop3A_325, %parallel_loop3A_326] : memref<2x16x512xf32, #tpu.memory_space<vmem>> -> memref<1x16x512xf32, #tpu.memory_space<vmem>>
        %parallel_loop3A_328 = tpu.memref_squeeze %parallel_loop3A_327 : memref<1x16x512xf32, #tpu.memory_space<vmem>> -> memref<16x512xf32, #tpu.memory_space<vmem>>
        %parallel_loop3A_329 = arith.index_cast %parallel_loop3A_116 : i32 to index
        %parallel_loop3A_330 = arith.constant 416 : index
        %parallel_loop3A_331 = tpu.vector_load %parallel_loop3A_328[%parallel_loop3A_329, %parallel_loop3A_330] {strides = array<i32>} : memref<16x512xf32, #tpu.memory_space<vmem>>, vector<1x16xf32>,
        %parallel_loop3A_332 = vector.shape_cast %parallel_loop3A_331 : vector<1x16xf32> to vector<16xf32>
        %parallel_loop3A_333 = arith.constant 0 : i32
        %parallel_loop3A_334 = arith.constant 0 : i32
        %parallel_loop3A_335 = tpu.memref_slice %arg4[%parallel_loop3A_79, %parallel_loop3A_333, %parallel_loop3A_334] : memref<2x16x512xf32, #tpu.memory_space<vmem>> -> memref<1x16x512xf32, #tpu.memory_space<vmem>>
        %parallel_loop3A_336 = tpu.memref_squeeze %parallel_loop3A_335 : memref<1x16x512xf32, #tpu.memory_space<vmem>> -> memref<16x512xf32, #tpu.memory_space<vmem>>
        %parallel_loop3A_337 = arith.index_cast %parallel_loop3A_116 : i32 to index
        %parallel_loop3A_338 = arith.constant 432 : index
        %parallel_loop3A_339 = tpu.vector_load %parallel_loop3A_336[%parallel_loop3A_337, %parallel_loop3A_338] {strides = array<i32>} : memref<16x512xf32, #tpu.memory_space<vmem>>, vector<1x16xf32>,
        %parallel_loop3A_340 = vector.shape_cast %parallel_loop3A_339 : vector<1x16xf32> to vector<16xf32>
        %parallel_loop3A_341 = arith.constant 0 : i32
        %parallel_loop3A_342 = arith.constant 0 : i32
        %parallel_loop3A_343 = tpu.memref_slice %arg4[%parallel_loop3A_79, %parallel_loop3A_341, %parallel_loop3A_342] : memref<2x16x512xf32, #tpu.memory_space<vmem>> -> memref<1x16x512xf32, #tpu.memory_space<vmem>>
        %parallel_loop3A_344 = tpu.memref_squeeze %parallel_loop3A_343 : memref<1x16x512xf32, #tpu.memory_space<vmem>> -> memref<16x512xf32, #tpu.memory_space<vmem>>
        %parallel_loop3A_345 = arith.index_cast %parallel_loop3A_116 : i32 to index
        %parallel_loop3A_346 = arith.constant 448 : index
        %parallel_loop3A_347 = tpu.vector_load %parallel_loop3A_344[%parallel_loop3A_345, %parallel_loop3A_346] {strides = array<i32>} : memref<16x512xf32, #tpu.memory_space<vmem>>, vector<1x16xf32>,
        %parallel_loop3A_348 = vector.shape_cast %parallel_loop3A_347 : vector<1x16xf32> to vector<16xf32>
        %parallel_loop3A_349 = arith.constant 0 : i32
        %parallel_loop3A_350 = arith.constant 0 : i32
        %parallel_loop3A_351 = tpu.memref_slice %arg4[%parallel_loop3A_79, %parallel_loop3A_349, %parallel_loop3A_350] : memref<2x16x512xf32, #tpu.memory_space<vmem>> -> memref<1x16x512xf32, #tpu.memory_space<vmem>>
        %parallel_loop3A_352 = tpu.memref_squeeze %parallel_loop3A_351 : memref<1x16x512xf32, #tpu.memory_space<vmem>> -> memref<16x512xf32, #tpu.memory_space<vmem>>
        %parallel_loop3A_353 = arith.index_cast %parallel_loop3A_116 : i32 to index
        %parallel_loop3A_354 = arith.constant 464 : index
        %parallel_loop3A_355 = tpu.vector_load %parallel_loop3A_352[%parallel_loop3A_353, %parallel_loop3A_354] {strides = array<i32>} : memref<16x512xf32, #tpu.memory_space<vmem>>, vector<1x16xf32>,
        %parallel_loop3A_356 = vector.shape_cast %parallel_loop3A_355 : vector<1x16xf32> to vector<16xf32>
        %parallel_loop3A_357 = arith.constant 0 : i32
        %parallel_loop3A_358 = arith.constant 0 : i32
        %parallel_loop3A_359 = tpu.memref_slice %arg4[%parallel_loop3A_79, %parallel_loop3A_357, %parallel_loop3A_358] : memref<2x16x512xf32, #tpu.memory_space<vmem>> -> memref<1x16x512xf32, #tpu.memory_space<vmem>>
        %parallel_loop3A_360 = tpu.memref_squeeze %parallel_loop3A_359 : memref<1x16x512xf32, #tpu.memory_space<vmem>> -> memref<16x512xf32, #tpu.memory_space<vmem>>
        %parallel_loop3A_361 = arith.index_cast %parallel_loop3A_116 : i32 to index
        %parallel_loop3A_362 = arith.constant 480 : index
        %parallel_loop3A_363 = tpu.vector_load %parallel_loop3A_360[%parallel_loop3A_361, %parallel_loop3A_362] {strides = array<i32>} : memref<16x512xf32, #tpu.memory_space<vmem>>, vector<1x16xf32>,
        %parallel_loop3A_364 = vector.shape_cast %parallel_loop3A_363 : vector<1x16xf32> to vector<16xf32>
        %parallel_loop3A_365 = arith.constant 0 : i32
        %parallel_loop3A_366 = arith.constant 0 : i32
        %parallel_loop3A_367 = tpu.memref_slice %arg4[%parallel_loop3A_79, %parallel_loop3A_365, %parallel_loop3A_366] : memref<2x16x512xf32, #tpu.memory_space<vmem>> -> memref<1x16x512xf32, #tpu.memory_space<vmem>>
        %parallel_loop3A_368 = tpu.memref_squeeze %parallel_loop3A_367 : memref<1x16x512xf32, #tpu.memory_space<vmem>> -> memref<16x512xf32, #tpu.memory_space<vmem>>
        %parallel_loop3A_369 = arith.index_cast %parallel_loop3A_116 : i32 to index
        %parallel_loop3A_370 = arith.constant 496 : index
        %parallel_loop3A_371 = tpu.vector_load %parallel_loop3A_368[%parallel_loop3A_369, %parallel_loop3A_370] {strides = array<i32>} : memref<16x512xf32, #tpu.memory_space<vmem>>, vector<1x16xf32>,
        %parallel_loop3A_372 = vector.shape_cast %parallel_loop3A_371 : vector<1x16xf32> to vector<16xf32>
        %parallel_loop3A_373 = arith.mulf %parallel_loop3A_124, %parallel_loop3A_124 : vector<16xf32>
        %parallel_loop3A_374 = arith.mulf %parallel_loop3A_132, %parallel_loop3A_132 : vector<16xf32>
        %parallel_loop3A_375 = arith.mulf %parallel_loop3A_140, %parallel_loop3A_140 : vector<16xf32>
        %parallel_loop3A_376 = arith.mulf %parallel_loop3A_148, %parallel_loop3A_148 : vector<16xf32>
        %parallel_loop3A_377 = arith.mulf %parallel_loop3A_156, %parallel_loop3A_156 : vector<16xf32>
        %parallel_loop3A_378 = arith.addf %parallel_loop3A_373, %parallel_loop3A_377 : vector<16xf32>
        %parallel_loop3A_379 = arith.mulf %parallel_loop3A_164, %parallel_loop3A_164 : vector<16xf32>
        %parallel_loop3A_380 = arith.addf %parallel_loop3A_374, %parallel_loop3A_379 : vector<16xf32>
        %parallel_loop3A_381 = arith.mulf %parallel_loop3A_172, %parallel_loop3A_172 : vector<16xf32>
        %parallel_loop3A_382 = arith.addf %parallel_loop3A_375, %parallel_loop3A_381 : vector<16xf32>
        %parallel_loop3A_383 = arith.mulf %parallel_loop3A_180, %parallel_loop3A_180 : vector<16xf32>
        %parallel_loop3A_384 = arith.addf %parallel_loop3A_376, %parallel_loop3A_383 : vector<16xf32>
        %parallel_loop3A_385 = arith.mulf %parallel_loop3A_188, %parallel_loop3A_188 : vector<16xf32>
        %parallel_loop3A_386 = arith.addf %parallel_loop3A_378, %parallel_loop3A_385 : vector<16xf32>
        %parallel_loop3A_387 = arith.mulf %parallel_loop3A_196, %parallel_loop3A_196 : vector<16xf32>
        %parallel_loop3A_388 = arith.addf %parallel_loop3A_380, %parallel_loop3A_387 : vector<16xf32>
        %parallel_loop3A_389 = arith.mulf %parallel_loop3A_204, %parallel_loop3A_204 : vector<16xf32>
        %parallel_loop3A_390 = arith.addf %parallel_loop3A_382, %parallel_loop3A_389 : vector<16xf32>
        %parallel_loop3A_391 = arith.mulf %parallel_loop3A_212, %parallel_loop3A_212 : vector<16xf32>
        %parallel_loop3A_392 = arith.addf %parallel_loop3A_384, %parallel_loop3A_391 : vector<16xf32>
        %parallel_loop3A_393 = arith.mulf %parallel_loop3A_220, %parallel_loop3A_220 : vector<16xf32>
        %parallel_loop3A_394 = arith.addf %parallel_loop3A_386, %parallel_loop3A_393 : vector<16xf32>
        %parallel_loop3A_395 = arith.mulf %parallel_loop3A_228, %parallel_loop3A_228 : vector<16xf32>
        %parallel_loop3A_396 = arith.addf %parallel_loop3A_388, %parallel_loop3A_395 : vector<16xf32>
        %parallel_loop3A_397 = arith.mulf %parallel_loop3A_236, %parallel_loop3A_236 : vector<16xf32>
        %parallel_loop3A_398 = arith.addf %parallel_loop3A_390, %parallel_loop3A_397 : vector<16xf32>
        %parallel_loop3A_399 = arith.mulf %parallel_loop3A_244, %parallel_loop3A_244 : vector<16xf32>
        %parallel_loop3A_400 = arith.addf %parallel_loop3A_392, %parallel_loop3A_399 : vector<16xf32>
        %parallel_loop3A_401 = arith.mulf %parallel_loop3A_252, %parallel_loop3A_252 : vector<16xf32>
        %parallel_loop3A_402 = arith.addf %parallel_loop3A_394, %parallel_loop3A_401 : vector<16xf32>
        %parallel_loop3A_403 = arith.mulf %parallel_loop3A_260, %parallel_loop3A_260 : vector<16xf32>
        %parallel_loop3A_404 = arith.addf %parallel_loop3A_396, %parallel_loop3A_403 : vector<16xf32>
        %parallel_loop3A_405 = arith.mulf %parallel_loop3A_268, %parallel_loop3A_268 : vector<16xf32>
        %parallel_loop3A_406 = arith.addf %parallel_loop3A_398, %parallel_loop3A_405 : vector<16xf32>
        %parallel_loop3A_407 = arith.mulf %parallel_loop3A_276, %parallel_loop3A_276 : vector<16xf32>
        %parallel_loop3A_408 = arith.addf %parallel_loop3A_400, %parallel_loop3A_407 : vector<16xf32>
        %parallel_loop3A_409 = arith.mulf %parallel_loop3A_284, %parallel_loop3A_284 : vector<16xf32>
        %parallel_loop3A_410 = arith.addf %parallel_loop3A_402, %parallel_loop3A_409 : vector<16xf32>
        %parallel_loop3A_411 = arith.mulf %parallel_loop3A_292, %parallel_loop3A_292 : vector<16xf32>
        %parallel_loop3A_412 = arith.addf %parallel_loop3A_404, %parallel_loop3A_411 : vector<16xf32>
        %parallel_loop3A_413 = arith.mulf %parallel_loop3A_300, %parallel_loop3A_300 : vector<16xf32>
        %parallel_loop3A_414 = arith.addf %parallel_loop3A_406, %parallel_loop3A_413 : vector<16xf32>
        %parallel_loop3A_415 = arith.mulf %parallel_loop3A_308, %parallel_loop3A_308 : vector<16xf32>
        %parallel_loop3A_416 = arith.addf %parallel_loop3A_408, %parallel_loop3A_415 : vector<16xf32>
        %parallel_loop3A_417 = arith.mulf %parallel_loop3A_316, %parallel_loop3A_316 : vector<16xf32>
        %parallel_loop3A_418 = arith.addf %parallel_loop3A_410, %parallel_loop3A_417 : vector<16xf32>
        %parallel_loop3A_419 = arith.mulf %parallel_loop3A_324, %parallel_loop3A_324 : vector<16xf32>
        %parallel_loop3A_420 = arith.addf %parallel_loop3A_412, %parallel_loop3A_419 : vector<16xf32>
        %parallel_loop3A_421 = arith.mulf %parallel_loop3A_332, %parallel_loop3A_332 : vector<16xf32>
        %parallel_loop3A_422 = arith.addf %parallel_loop3A_414, %parallel_loop3A_421 : vector<16xf32>
        %parallel_loop3A_423 = arith.mulf %parallel_loop3A_340, %parallel_loop3A_340 : vector<16xf32>
        %parallel_loop3A_424 = arith.addf %parallel_loop3A_416, %parallel_loop3A_423 : vector<16xf32>
        %parallel_loop3A_425 = arith.mulf %parallel_loop3A_348, %parallel_loop3A_348 : vector<16xf32>
        %parallel_loop3A_426 = arith.addf %parallel_loop3A_418, %parallel_loop3A_425 : vector<16xf32>
        %parallel_loop3A_427 = arith.mulf %parallel_loop3A_356, %parallel_loop3A_356 : vector<16xf32>
        %parallel_loop3A_428 = arith.addf %parallel_loop3A_420, %parallel_loop3A_427 : vector<16xf32>
        %parallel_loop3A_429 = arith.mulf %parallel_loop3A_364, %parallel_loop3A_364 : vector<16xf32>
        %parallel_loop3A_430 = arith.addf %parallel_loop3A_422, %parallel_loop3A_429 : vector<16xf32>
        %parallel_loop3A_431 = arith.mulf %parallel_loop3A_372, %parallel_loop3A_372 : vector<16xf32>
        %parallel_loop3A_432 = arith.addf %parallel_loop3A_424, %parallel_loop3A_431 : vector<16xf32>
        %parallel_loop3A_433 = arith.addf %parallel_loop3A_426, %parallel_loop3A_428 : vector<16xf32>
        %parallel_loop3A_434 = arith.addf %parallel_loop3A_430, %parallel_loop3A_432 : vector<16xf32>
        %parallel_loop3A_435 = arith.addf %parallel_loop3A_433, %parallel_loop3A_434 : vector<16xf32>
        %parallel_loop3A_436 = arith.constant 0 : i32
        %parallel_loop3A_437 = vector.broadcast %parallel_loop3A_436 : i32 to vector<16xi32>
        %parallel_loop3A_438 = arith.cmpi slt, %xor3A_39, %parallel_loop3A_437 : vector<16xi32>
        %parallel_loop3A_439 = arith.constant 16 : i32
        %parallel_loop3A_440 = vector.broadcast %parallel_loop3A_439 : i32 to vector<16xi32>
        %parallel_loop3A_441 = arith.addi %xor3A_39, %parallel_loop3A_440 : vector<16xi32>
        %parallel_loop3A_442 = arith.select %parallel_loop3A_438, %parallel_loop3A_441, %xor3A_39 : vector<16xi1>, vector<16xi32>
        %parallel_loop3A_443 = vector.shape_cast %parallel_loop3A_442 : vector<16xi32> to vector<16x1xi32>
        %parallel_loop3A_444 = vector.shape_cast %parallel_loop3A_443 : vector<16x1xi32> to vector<16xi32>
        %parallel_loop3A_445 = tpu.dynamic_gather %parallel_loop3A_435[%parallel_loop3A_444] in [0] : vector<16xf32>, vector<16xi32> -> vector<16xf32>
        %parallel_loop3A_446 = arith.addf %parallel_loop3A_435, %parallel_loop3A_445 : vector<16xf32>
        %parallel_loop3A_447 = arith.constant 0 : i32
        %parallel_loop3A_448 = vector.broadcast %parallel_loop3A_447 : i32 to vector<16xi32>
        %parallel_loop3A_449 = arith.cmpi slt, %xor3A_42, %parallel_loop3A_448 : vector<16xi32>
        %parallel_loop3A_450 = arith.constant 16 : i32
        %parallel_loop3A_451 = vector.broadcast %parallel_loop3A_450 : i32 to vector<16xi32>
        %parallel_loop3A_452 = arith.addi %xor3A_42, %parallel_loop3A_451 : vector<16xi32>
        %parallel_loop3A_453 = arith.select %parallel_loop3A_449, %parallel_loop3A_452, %xor3A_42 : vector<16xi1>, vector<16xi32>
        %parallel_loop3A_454 = vector.shape_cast %parallel_loop3A_453 : vector<16xi32> to vector<16x1xi32>
        %parallel_loop3A_455 = vector.shape_cast %parallel_loop3A_454 : vector<16x1xi32> to vector<16xi32>
        %parallel_loop3A_456 = tpu.dynamic_gather %parallel_loop3A_446[%parallel_loop3A_455] in [0] : vector<16xf32>, vector<16xi32> -> vector<16xf32>
        %parallel_loop3A_457 = arith.addf %parallel_loop3A_446, %parallel_loop3A_456 : vector<16xf32>
        %parallel_loop3A_458 = arith.constant 0 : i32
        %parallel_loop3A_459 = vector.broadcast %parallel_loop3A_458 : i32 to vector<16xi32>
        %parallel_loop3A_460 = arith.cmpi slt, %xor3A_45, %parallel_loop3A_459 : vector<16xi32>
        %parallel_loop3A_461 = arith.constant 16 : i32
        %parallel_loop3A_462 = vector.broadcast %parallel_loop3A_461 : i32 to vector<16xi32>
        %parallel_loop3A_463 = arith.addi %xor3A_45, %parallel_loop3A_462 : vector<16xi32>
        %parallel_loop3A_464 = arith.select %parallel_loop3A_460, %parallel_loop3A_463, %xor3A_45 : vector<16xi1>, vector<16xi32>
        %parallel_loop3A_465 = vector.shape_cast %parallel_loop3A_464 : vector<16xi32> to vector<16x1xi32>
        %parallel_loop3A_466 = vector.shape_cast %parallel_loop3A_465 : vector<16x1xi32> to vector<16xi32>
        %parallel_loop3A_467 = tpu.dynamic_gather %parallel_loop3A_457[%parallel_loop3A_466] in [0] : vector<16xf32>, vector<16xi32> -> vector<16xf32>
        %parallel_loop3A_468 = arith.addf %parallel_loop3A_457, %parallel_loop3A_467 : vector<16xf32>
        %parallel_loop3A_469 = arith.constant 0 : i32
        %parallel_loop3A_470 = vector.broadcast %parallel_loop3A_469 : i32 to vector<16xi32>
        %parallel_loop3A_471 = arith.cmpi slt, %xor3A_48, %parallel_loop3A_470 : vector<16xi32>
        %parallel_loop3A_472 = arith.constant 16 : i32
        %parallel_loop3A_473 = vector.broadcast %parallel_loop3A_472 : i32 to vector<16xi32>
        %parallel_loop3A_474 = arith.addi %xor3A_48, %parallel_loop3A_473 : vector<16xi32>
        %parallel_loop3A_475 = arith.select %parallel_loop3A_471, %parallel_loop3A_474, %xor3A_48 : vector<16xi1>, vector<16xi32>
        %parallel_loop3A_476 = vector.shape_cast %parallel_loop3A_475 : vector<16xi32> to vector<16x1xi32>
        %parallel_loop3A_477 = vector.shape_cast %parallel_loop3A_476 : vector<16x1xi32> to vector<16xi32>
        %parallel_loop3A_478 = tpu.dynamic_gather %parallel_loop3A_468[%parallel_loop3A_477] in [0] : vector<16xf32>, vector<16xi32> -> vector<16xf32>
        %parallel_loop3A_479 = arith.addf %parallel_loop3A_468, %parallel_loop3A_478 : vector<16xf32>
        %parallel_loop3A_480 = tpu.bitcast %parallel_loop3A_479 : vector<16xf32> -> vector<16xi32>
        %parallel_loop3A_481 = arith.constant 1597463007 : i32
        %parallel_loop3A_482 = vector.broadcast %parallel_loop3A_481 : i32 to vector<16xi32>
        %parallel_loop3A_483 = arith.constant 1 : i32
        %parallel_loop3A_484 = vector.broadcast %parallel_loop3A_483 : i32 to vector<16xi32>
        %parallel_loop3A_485 = arith.shrsi %parallel_loop3A_480, %parallel_loop3A_484 : vector<16xi32>
        %parallel_loop3A_486 = arith.subi %parallel_loop3A_482, %parallel_loop3A_485 : vector<16xi32>
        %parallel_loop3A_487 = tpu.bitcast %parallel_loop3A_486 : vector<16xi32> -> vector<16xf32>
        %parallel_loop3A_488 = arith.constant 5.000000e-01 : f32
        %parallel_loop3A_489 = vector.broadcast %parallel_loop3A_488 : f32 to vector<16xf32>
        %parallel_loop3A_490 = arith.mulf %parallel_loop3A_479, %parallel_loop3A_489 : vector<16xf32>
        %parallel_loop3A_491 = arith.mulf %parallel_loop3A_490, %parallel_loop3A_487 : vector<16xf32>
        %parallel_loop3A_492 = arith.mulf %parallel_loop3A_491, %parallel_loop3A_487 : vector<16xf32>
        %parallel_loop3A_493 = arith.constant 1.500000e+00 : f32
        %parallel_loop3A_494 = vector.broadcast %parallel_loop3A_493 : f32 to vector<16xf32>
        %parallel_loop3A_495 = arith.subf %parallel_loop3A_494, %parallel_loop3A_492 : vector<16xf32>
        %parallel_loop3A_496 = arith.mulf %parallel_loop3A_487, %parallel_loop3A_495 : vector<16xf32>
        %parallel_loop3A_497 = arith.mulf %parallel_loop3A_490, %parallel_loop3A_496 : vector<16xf32>
        %parallel_loop3A_498 = arith.mulf %parallel_loop3A_497, %parallel_loop3A_496 : vector<16xf32>
        %parallel_loop3A_499 = arith.constant 1.500000e+00 : f32
        %parallel_loop3A_500 = vector.broadcast %parallel_loop3A_499 : f32 to vector<16xf32>
        %parallel_loop3A_501 = arith.subf %parallel_loop3A_500, %parallel_loop3A_498 : vector<16xf32>
        %parallel_loop3A_502 = arith.mulf %parallel_loop3A_496, %parallel_loop3A_501 : vector<16xf32>
        %parallel_loop3A_503 = arith.mulf %parallel_loop3A_490, %parallel_loop3A_502 : vector<16xf32>
        %parallel_loop3A_504 = arith.mulf %parallel_loop3A_503, %parallel_loop3A_502 : vector<16xf32>
        %parallel_loop3A_505 = arith.constant 1.500000e+00 : f32
        %parallel_loop3A_506 = vector.broadcast %parallel_loop3A_505 : f32 to vector<16xf32>
        %parallel_loop3A_507 = arith.subf %parallel_loop3A_506, %parallel_loop3A_504 : vector<16xf32>
        %parallel_loop3A_508 = arith.mulf %parallel_loop3A_502, %parallel_loop3A_507 : vector<16xf32>
        %parallel_loop3A_509 = arith.mulf %parallel_loop3A_124, %parallel_loop3A_508 : vector<16xf32>
        %parallel_loop3A_510 = arith.constant 0 : index
        %parallel_loop3A_511 = tpu.vector_load %arg5[%parallel_loop3A_510] {strides = array<i32>} : memref<512xf32, #tpu.memory_space<vmem>>, vector<16xf32>,
        %parallel_loop3A_512 = vector.shape_cast %parallel_loop3A_511 : vector<16xf32> to vector<16xf32>
        %parallel_loop3A_513 = vector.shape_cast %parallel_loop3A_509 : vector<16xf32> to vector<16xf32>
        tpu.vector_store %arg5[%parallel_loop3A_510], %parallel_loop3A_513 {add = true, strides = array<i32>} : memref<512xf32, #tpu.memory_space<vmem>>, vector<16xf32>,
        %parallel_loop3A_514 = arith.mulf %parallel_loop3A_132, %parallel_loop3A_508 : vector<16xf32>
        %parallel_loop3A_515 = arith.constant 16 : index
        %parallel_loop3A_516 = tpu.vector_load %arg5[%parallel_loop3A_515] {strides = array<i32>} : memref<512xf32, #tpu.memory_space<vmem>>, vector<16xf32>,
        %parallel_loop3A_517 = vector.shape_cast %parallel_loop3A_516 : vector<16xf32> to vector<16xf32>
        %parallel_loop3A_518 = vector.shape_cast %parallel_loop3A_514 : vector<16xf32> to vector<16xf32>
        tpu.vector_store %arg5[%parallel_loop3A_515], %parallel_loop3A_518 {add = true, strides = array<i32>} : memref<512xf32, #tpu.memory_space<vmem>>, vector<16xf32>,
        %parallel_loop3A_519 = arith.mulf %parallel_loop3A_140, %parallel_loop3A_508 : vector<16xf32>
        %parallel_loop3A_520 = arith.constant 32 : index
        %parallel_loop3A_521 = tpu.vector_load %arg5[%parallel_loop3A_520] {strides = array<i32>} : memref<512xf32, #tpu.memory_space<vmem>>, vector<16xf32>,
        %parallel_loop3A_522 = vector.shape_cast %parallel_loop3A_521 : vector<16xf32> to vector<16xf32>
        %parallel_loop3A_523 = vector.shape_cast %parallel_loop3A_519 : vector<16xf32> to vector<16xf32>
        tpu.vector_store %arg5[%parallel_loop3A_520], %parallel_loop3A_523 {add = true, strides = array<i32>} : memref<512xf32, #tpu.memory_space<vmem>>, vector<16xf32>,
        %parallel_loop3A_524 = arith.mulf %parallel_loop3A_148, %parallel_loop3A_508 : vector<16xf32>
        %parallel_loop3A_525 = arith.constant 48 : index
        %parallel_loop3A_526 = tpu.vector_load %arg5[%parallel_loop3A_525] {strides = array<i32>} : memref<512xf32, #tpu.memory_space<vmem>>, vector<16xf32>,
        %parallel_loop3A_527 = vector.shape_cast %parallel_loop3A_526 : vector<16xf32> to vector<16xf32>
        %parallel_loop3A_528 = vector.shape_cast %parallel_loop3A_524 : vector<16xf32> to vector<16xf32>
        tpu.vector_store %arg5[%parallel_loop3A_525], %parallel_loop3A_528 {add = true, strides = array<i32>} : memref<512xf32, #tpu.memory_space<vmem>>, vector<16xf32>,
        %parallel_loop3A_529 = arith.mulf %parallel_loop3A_156, %parallel_loop3A_508 : vector<16xf32>
        %parallel_loop3A_530 = arith.constant 64 : index
        %parallel_loop3A_531 = tpu.vector_load %arg5[%parallel_loop3A_530] {strides = array<i32>} : memref<512xf32, #tpu.memory_space<vmem>>, vector<16xf32>,
        %parallel_loop3A_532 = vector.shape_cast %parallel_loop3A_531 : vector<16xf32> to vector<16xf32>
        %parallel_loop3A_533 = vector.shape_cast %parallel_loop3A_529 : vector<16xf32> to vector<16xf32>
        tpu.vector_store %arg5[%parallel_loop3A_530], %parallel_loop3A_533 {add = true, strides = array<i32>} : memref<512xf32, #tpu.memory_space<vmem>>, vector<16xf32>,
        %parallel_loop3A_534 = arith.mulf %parallel_loop3A_164, %parallel_loop3A_508 : vector<16xf32>
        %parallel_loop3A_535 = arith.constant 80 : index
        %parallel_loop3A_536 = tpu.vector_load %arg5[%parallel_loop3A_535] {strides = array<i32>} : memref<512xf32, #tpu.memory_space<vmem>>, vector<16xf32>,
        %parallel_loop3A_537 = vector.shape_cast %parallel_loop3A_536 : vector<16xf32> to vector<16xf32>
        %parallel_loop3A_538 = vector.shape_cast %parallel_loop3A_534 : vector<16xf32> to vector<16xf32>
        tpu.vector_store %arg5[%parallel_loop3A_535], %parallel_loop3A_538 {add = true, strides = array<i32>} : memref<512xf32, #tpu.memory_space<vmem>>, vector<16xf32>,
        %parallel_loop3A_539 = arith.mulf %parallel_loop3A_172, %parallel_loop3A_508 : vector<16xf32>
        %parallel_loop3A_540 = arith.constant 96 : index
        %parallel_loop3A_541 = tpu.vector_load %arg5[%parallel_loop3A_540] {strides = array<i32>} : memref<512xf32, #tpu.memory_space<vmem>>, vector<16xf32>,
        %parallel_loop3A_542 = vector.shape_cast %parallel_loop3A_541 : vector<16xf32> to vector<16xf32>
        %parallel_loop3A_543 = vector.shape_cast %parallel_loop3A_539 : vector<16xf32> to vector<16xf32>
        tpu.vector_store %arg5[%parallel_loop3A_540], %parallel_loop3A_543 {add = true, strides = array<i32>} : memref<512xf32, #tpu.memory_space<vmem>>, vector<16xf32>,
        %parallel_loop3A_544 = arith.mulf %parallel_loop3A_180, %parallel_loop3A_508 : vector<16xf32>
        %parallel_loop3A_545 = arith.constant 112 : index
        %parallel_loop3A_546 = tpu.vector_load %arg5[%parallel_loop3A_545] {strides = array<i32>} : memref<512xf32, #tpu.memory_space<vmem>>, vector<16xf32>,
        %parallel_loop3A_547 = vector.shape_cast %parallel_loop3A_546 : vector<16xf32> to vector<16xf32>
        %parallel_loop3A_548 = vector.shape_cast %parallel_loop3A_544 : vector<16xf32> to vector<16xf32>
        tpu.vector_store %arg5[%parallel_loop3A_545], %parallel_loop3A_548 {add = true, strides = array<i32>} : memref<512xf32, #tpu.memory_space<vmem>>, vector<16xf32>,
        %parallel_loop3A_549 = arith.mulf %parallel_loop3A_188, %parallel_loop3A_508 : vector<16xf32>
        %parallel_loop3A_550 = arith.constant 128 : index
        %parallel_loop3A_551 = tpu.vector_load %arg5[%parallel_loop3A_550] {strides = array<i32>} : memref<512xf32, #tpu.memory_space<vmem>>, vector<16xf32>,
        %parallel_loop3A_552 = vector.shape_cast %parallel_loop3A_551 : vector<16xf32> to vector<16xf32>
        %parallel_loop3A_553 = vector.shape_cast %parallel_loop3A_549 : vector<16xf32> to vector<16xf32>
        tpu.vector_store %arg5[%parallel_loop3A_550], %parallel_loop3A_553 {add = true, strides = array<i32>} : memref<512xf32, #tpu.memory_space<vmem>>, vector<16xf32>,
        %parallel_loop3A_554 = arith.mulf %parallel_loop3A_196, %parallel_loop3A_508 : vector<16xf32>
        %parallel_loop3A_555 = arith.constant 144 : index
        %parallel_loop3A_556 = tpu.vector_load %arg5[%parallel_loop3A_555] {strides = array<i32>} : memref<512xf32, #tpu.memory_space<vmem>>, vector<16xf32>,
        %parallel_loop3A_557 = vector.shape_cast %parallel_loop3A_556 : vector<16xf32> to vector<16xf32>
        %parallel_loop3A_558 = vector.shape_cast %parallel_loop3A_554 : vector<16xf32> to vector<16xf32>
        tpu.vector_store %arg5[%parallel_loop3A_555], %parallel_loop3A_558 {add = true, strides = array<i32>} : memref<512xf32, #tpu.memory_space<vmem>>, vector<16xf32>,
        %parallel_loop3A_559 = arith.mulf %parallel_loop3A_204, %parallel_loop3A_508 : vector<16xf32>
        %parallel_loop3A_560 = arith.constant 160 : index
        %parallel_loop3A_561 = tpu.vector_load %arg5[%parallel_loop3A_560] {strides = array<i32>} : memref<512xf32, #tpu.memory_space<vmem>>, vector<16xf32>,
        %parallel_loop3A_562 = vector.shape_cast %parallel_loop3A_561 : vector<16xf32> to vector<16xf32>
        %parallel_loop3A_563 = vector.shape_cast %parallel_loop3A_559 : vector<16xf32> to vector<16xf32>
        tpu.vector_store %arg5[%parallel_loop3A_560], %parallel_loop3A_563 {add = true, strides = array<i32>} : memref<512xf32, #tpu.memory_space<vmem>>, vector<16xf32>,
        %parallel_loop3A_564 = arith.mulf %parallel_loop3A_212, %parallel_loop3A_508 : vector<16xf32>
        %parallel_loop3A_565 = arith.constant 176 : index
        %parallel_loop3A_566 = tpu.vector_load %arg5[%parallel_loop3A_565] {strides = array<i32>} : memref<512xf32, #tpu.memory_space<vmem>>, vector<16xf32>,
        %parallel_loop3A_567 = vector.shape_cast %parallel_loop3A_566 : vector<16xf32> to vector<16xf32>
        %parallel_loop3A_568 = vector.shape_cast %parallel_loop3A_564 : vector<16xf32> to vector<16xf32>
        tpu.vector_store %arg5[%parallel_loop3A_565], %parallel_loop3A_568 {add = true, strides = array<i32>} : memref<512xf32, #tpu.memory_space<vmem>>, vector<16xf32>,
        %parallel_loop3A_569 = arith.mulf %parallel_loop3A_220, %parallel_loop3A_508 : vector<16xf32>
        %parallel_loop3A_570 = arith.constant 192 : index
        %parallel_loop3A_571 = tpu.vector_load %arg5[%parallel_loop3A_570] {strides = array<i32>} : memref<512xf32, #tpu.memory_space<vmem>>, vector<16xf32>,
        %parallel_loop3A_572 = vector.shape_cast %parallel_loop3A_571 : vector<16xf32> to vector<16xf32>
        %parallel_loop3A_573 = vector.shape_cast %parallel_loop3A_569 : vector<16xf32> to vector<16xf32>
        tpu.vector_store %arg5[%parallel_loop3A_570], %parallel_loop3A_573 {add = true, strides = array<i32>} : memref<512xf32, #tpu.memory_space<vmem>>, vector<16xf32>,
        %parallel_loop3A_574 = arith.mulf %parallel_loop3A_228, %parallel_loop3A_508 : vector<16xf32>
        %parallel_loop3A_575 = arith.constant 208 : index
        %parallel_loop3A_576 = tpu.vector_load %arg5[%parallel_loop3A_575] {strides = array<i32>} : memref<512xf32, #tpu.memory_space<vmem>>, vector<16xf32>,
        %parallel_loop3A_577 = vector.shape_cast %parallel_loop3A_576 : vector<16xf32> to vector<16xf32>
        %parallel_loop3A_578 = vector.shape_cast %parallel_loop3A_574 : vector<16xf32> to vector<16xf32>
        tpu.vector_store %arg5[%parallel_loop3A_575], %parallel_loop3A_578 {add = true, strides = array<i32>} : memref<512xf32, #tpu.memory_space<vmem>>, vector<16xf32>,
        %parallel_loop3A_579 = arith.mulf %parallel_loop3A_236, %parallel_loop3A_508 : vector<16xf32>
        %parallel_loop3A_580 = arith.constant 224 : index
        %parallel_loop3A_581 = tpu.vector_load %arg5[%parallel_loop3A_580] {strides = array<i32>} : memref<512xf32, #tpu.memory_space<vmem>>, vector<16xf32>,
        %parallel_loop3A_582 = vector.shape_cast %parallel_loop3A_581 : vector<16xf32> to vector<16xf32>
        %parallel_loop3A_583 = vector.shape_cast %parallel_loop3A_579 : vector<16xf32> to vector<16xf32>
        tpu.vector_store %arg5[%parallel_loop3A_580], %parallel_loop3A_583 {add = true, strides = array<i32>} : memref<512xf32, #tpu.memory_space<vmem>>, vector<16xf32>,
        %parallel_loop3A_584 = arith.mulf %parallel_loop3A_244, %parallel_loop3A_508 : vector<16xf32>
        %parallel_loop3A_585 = arith.constant 240 : index
        %parallel_loop3A_586 = tpu.vector_load %arg5[%parallel_loop3A_585] {strides = array<i32>} : memref<512xf32, #tpu.memory_space<vmem>>, vector<16xf32>,
        %parallel_loop3A_587 = vector.shape_cast %parallel_loop3A_586 : vector<16xf32> to vector<16xf32>
        %parallel_loop3A_588 = vector.shape_cast %parallel_loop3A_584 : vector<16xf32> to vector<16xf32>
        tpu.vector_store %arg5[%parallel_loop3A_585], %parallel_loop3A_588 {add = true, strides = array<i32>} : memref<512xf32, #tpu.memory_space<vmem>>, vector<16xf32>,
        %parallel_loop3A_589 = arith.mulf %parallel_loop3A_252, %parallel_loop3A_508 : vector<16xf32>
        %parallel_loop3A_590 = arith.constant 256 : index
        %parallel_loop3A_591 = tpu.vector_load %arg5[%parallel_loop3A_590] {strides = array<i32>} : memref<512xf32, #tpu.memory_space<vmem>>, vector<16xf32>,
        %parallel_loop3A_592 = vector.shape_cast %parallel_loop3A_591 : vector<16xf32> to vector<16xf32>
        %parallel_loop3A_593 = vector.shape_cast %parallel_loop3A_589 : vector<16xf32> to vector<16xf32>
        tpu.vector_store %arg5[%parallel_loop3A_590], %parallel_loop3A_593 {add = true, strides = array<i32>} : memref<512xf32, #tpu.memory_space<vmem>>, vector<16xf32>,
        %parallel_loop3A_594 = arith.mulf %parallel_loop3A_260, %parallel_loop3A_508 : vector<16xf32>
        %parallel_loop3A_595 = arith.constant 272 : index
        %parallel_loop3A_596 = tpu.vector_load %arg5[%parallel_loop3A_595] {strides = array<i32>} : memref<512xf32, #tpu.memory_space<vmem>>, vector<16xf32>,
        %parallel_loop3A_597 = vector.shape_cast %parallel_loop3A_596 : vector<16xf32> to vector<16xf32>
        %parallel_loop3A_598 = vector.shape_cast %parallel_loop3A_594 : vector<16xf32> to vector<16xf32>
        tpu.vector_store %arg5[%parallel_loop3A_595], %parallel_loop3A_598 {add = true, strides = array<i32>} : memref<512xf32, #tpu.memory_space<vmem>>, vector<16xf32>,
        %parallel_loop3A_599 = arith.mulf %parallel_loop3A_268, %parallel_loop3A_508 : vector<16xf32>
        %parallel_loop3A_600 = arith.constant 288 : index
        %parallel_loop3A_601 = tpu.vector_load %arg5[%parallel_loop3A_600] {strides = array<i32>} : memref<512xf32, #tpu.memory_space<vmem>>, vector<16xf32>,
        %parallel_loop3A_602 = vector.shape_cast %parallel_loop3A_601 : vector<16xf32> to vector<16xf32>
        %parallel_loop3A_603 = vector.shape_cast %parallel_loop3A_599 : vector<16xf32> to vector<16xf32>
        tpu.vector_store %arg5[%parallel_loop3A_600], %parallel_loop3A_603 {add = true, strides = array<i32>} : memref<512xf32, #tpu.memory_space<vmem>>, vector<16xf32>,
        %parallel_loop3A_604 = arith.mulf %parallel_loop3A_276, %parallel_loop3A_508 : vector<16xf32>
        %parallel_loop3A_605 = arith.constant 304 : index
        %parallel_loop3A_606 = tpu.vector_load %arg5[%parallel_loop3A_605] {strides = array<i32>} : memref<512xf32, #tpu.memory_space<vmem>>, vector<16xf32>,
        %parallel_loop3A_607 = vector.shape_cast %parallel_loop3A_606 : vector<16xf32> to vector<16xf32>
        %parallel_loop3A_608 = vector.shape_cast %parallel_loop3A_604 : vector<16xf32> to vector<16xf32>
        tpu.vector_store %arg5[%parallel_loop3A_605], %parallel_loop3A_608 {add = true, strides = array<i32>} : memref<512xf32, #tpu.memory_space<vmem>>, vector<16xf32>,
        %parallel_loop3A_609 = arith.mulf %parallel_loop3A_284, %parallel_loop3A_508 : vector<16xf32>
        %parallel_loop3A_610 = arith.constant 320 : index
        %parallel_loop3A_611 = tpu.vector_load %arg5[%parallel_loop3A_610] {strides = array<i32>} : memref<512xf32, #tpu.memory_space<vmem>>, vector<16xf32>,
        %parallel_loop3A_612 = vector.shape_cast %parallel_loop3A_611 : vector<16xf32> to vector<16xf32>
        %parallel_loop3A_613 = vector.shape_cast %parallel_loop3A_609 : vector<16xf32> to vector<16xf32>
        tpu.vector_store %arg5[%parallel_loop3A_610], %parallel_loop3A_613 {add = true, strides = array<i32>} : memref<512xf32, #tpu.memory_space<vmem>>, vector<16xf32>,
        %parallel_loop3A_614 = arith.mulf %parallel_loop3A_292, %parallel_loop3A_508 : vector<16xf32>
        %parallel_loop3A_615 = arith.constant 336 : index
        %parallel_loop3A_616 = tpu.vector_load %arg5[%parallel_loop3A_615] {strides = array<i32>} : memref<512xf32, #tpu.memory_space<vmem>>, vector<16xf32>,
        %parallel_loop3A_617 = vector.shape_cast %parallel_loop3A_616 : vector<16xf32> to vector<16xf32>
        %parallel_loop3A_618 = vector.shape_cast %parallel_loop3A_614 : vector<16xf32> to vector<16xf32>
        tpu.vector_store %arg5[%parallel_loop3A_615], %parallel_loop3A_618 {add = true, strides = array<i32>} : memref<512xf32, #tpu.memory_space<vmem>>, vector<16xf32>,
        %parallel_loop3A_619 = arith.mulf %parallel_loop3A_300, %parallel_loop3A_508 : vector<16xf32>
        %parallel_loop3A_620 = arith.constant 352 : index
        %parallel_loop3A_621 = tpu.vector_load %arg5[%parallel_loop3A_620] {strides = array<i32>} : memref<512xf32, #tpu.memory_space<vmem>>, vector<16xf32>,
        %parallel_loop3A_622 = vector.shape_cast %parallel_loop3A_621 : vector<16xf32> to vector<16xf32>
        %parallel_loop3A_623 = vector.shape_cast %parallel_loop3A_619 : vector<16xf32> to vector<16xf32>
        tpu.vector_store %arg5[%parallel_loop3A_620], %parallel_loop3A_623 {add = true, strides = array<i32>} : memref<512xf32, #tpu.memory_space<vmem>>, vector<16xf32>,
        %parallel_loop3A_624 = arith.mulf %parallel_loop3A_308, %parallel_loop3A_508 : vector<16xf32>
        %parallel_loop3A_625 = arith.constant 368 : index
        %parallel_loop3A_626 = tpu.vector_load %arg5[%parallel_loop3A_625] {strides = array<i32>} : memref<512xf32, #tpu.memory_space<vmem>>, vector<16xf32>,
        %parallel_loop3A_627 = vector.shape_cast %parallel_loop3A_626 : vector<16xf32> to vector<16xf32>
        %parallel_loop3A_628 = vector.shape_cast %parallel_loop3A_624 : vector<16xf32> to vector<16xf32>
        tpu.vector_store %arg5[%parallel_loop3A_625], %parallel_loop3A_628 {add = true, strides = array<i32>} : memref<512xf32, #tpu.memory_space<vmem>>, vector<16xf32>,
        %parallel_loop3A_629 = arith.mulf %parallel_loop3A_316, %parallel_loop3A_508 : vector<16xf32>
        %parallel_loop3A_630 = arith.constant 384 : index
        %parallel_loop3A_631 = tpu.vector_load %arg5[%parallel_loop3A_630] {strides = array<i32>} : memref<512xf32, #tpu.memory_space<vmem>>, vector<16xf32>,
        %parallel_loop3A_632 = vector.shape_cast %parallel_loop3A_631 : vector<16xf32> to vector<16xf32>
        %parallel_loop3A_633 = vector.shape_cast %parallel_loop3A_629 : vector<16xf32> to vector<16xf32>
        tpu.vector_store %arg5[%parallel_loop3A_630], %parallel_loop3A_633 {add = true, strides = array<i32>} : memref<512xf32, #tpu.memory_space<vmem>>, vector<16xf32>,
        %parallel_loop3A_634 = arith.mulf %parallel_loop3A_324, %parallel_loop3A_508 : vector<16xf32>
        %parallel_loop3A_635 = arith.constant 400 : index
        %parallel_loop3A_636 = tpu.vector_load %arg5[%parallel_loop3A_635] {strides = array<i32>} : memref<512xf32, #tpu.memory_space<vmem>>, vector<16xf32>,
        %parallel_loop3A_637 = vector.shape_cast %parallel_loop3A_636 : vector<16xf32> to vector<16xf32>
        %parallel_loop3A_638 = vector.shape_cast %parallel_loop3A_634 : vector<16xf32> to vector<16xf32>
        tpu.vector_store %arg5[%parallel_loop3A_635], %parallel_loop3A_638 {add = true, strides = array<i32>} : memref<512xf32, #tpu.memory_space<vmem>>, vector<16xf32>,
        %parallel_loop3A_639 = arith.mulf %parallel_loop3A_332, %parallel_loop3A_508 : vector<16xf32>
        %parallel_loop3A_640 = arith.constant 416 : index
        %parallel_loop3A_641 = tpu.vector_load %arg5[%parallel_loop3A_640] {strides = array<i32>} : memref<512xf32, #tpu.memory_space<vmem>>, vector<16xf32>,
        %parallel_loop3A_642 = vector.shape_cast %parallel_loop3A_641 : vector<16xf32> to vector<16xf32>
        %parallel_loop3A_643 = vector.shape_cast %parallel_loop3A_639 : vector<16xf32> to vector<16xf32>
        tpu.vector_store %arg5[%parallel_loop3A_640], %parallel_loop3A_643 {add = true, strides = array<i32>} : memref<512xf32, #tpu.memory_space<vmem>>, vector<16xf32>,
        %parallel_loop3A_644 = arith.mulf %parallel_loop3A_340, %parallel_loop3A_508 : vector<16xf32>
        %parallel_loop3A_645 = arith.constant 432 : index
        %parallel_loop3A_646 = tpu.vector_load %arg5[%parallel_loop3A_645] {strides = array<i32>} : memref<512xf32, #tpu.memory_space<vmem>>, vector<16xf32>,
        %parallel_loop3A_647 = vector.shape_cast %parallel_loop3A_646 : vector<16xf32> to vector<16xf32>
        %parallel_loop3A_648 = vector.shape_cast %parallel_loop3A_644 : vector<16xf32> to vector<16xf32>
        tpu.vector_store %arg5[%parallel_loop3A_645], %parallel_loop3A_648 {add = true, strides = array<i32>} : memref<512xf32, #tpu.memory_space<vmem>>, vector<16xf32>,
        %parallel_loop3A_649 = arith.mulf %parallel_loop3A_348, %parallel_loop3A_508 : vector<16xf32>
        %parallel_loop3A_650 = arith.constant 448 : index
        %parallel_loop3A_651 = tpu.vector_load %arg5[%parallel_loop3A_650] {strides = array<i32>} : memref<512xf32, #tpu.memory_space<vmem>>, vector<16xf32>,
        %parallel_loop3A_652 = vector.shape_cast %parallel_loop3A_651 : vector<16xf32> to vector<16xf32>
        %parallel_loop3A_653 = vector.shape_cast %parallel_loop3A_649 : vector<16xf32> to vector<16xf32>
        tpu.vector_store %arg5[%parallel_loop3A_650], %parallel_loop3A_653 {add = true, strides = array<i32>} : memref<512xf32, #tpu.memory_space<vmem>>, vector<16xf32>,
        %parallel_loop3A_654 = arith.mulf %parallel_loop3A_356, %parallel_loop3A_508 : vector<16xf32>
        %parallel_loop3A_655 = arith.constant 464 : index
        %parallel_loop3A_656 = tpu.vector_load %arg5[%parallel_loop3A_655] {strides = array<i32>} : memref<512xf32, #tpu.memory_space<vmem>>, vector<16xf32>,
        %parallel_loop3A_657 = vector.shape_cast %parallel_loop3A_656 : vector<16xf32> to vector<16xf32>
        %parallel_loop3A_658 = vector.shape_cast %parallel_loop3A_654 : vector<16xf32> to vector<16xf32>
        tpu.vector_store %arg5[%parallel_loop3A_655], %parallel_loop3A_658 {add = true, strides = array<i32>} : memref<512xf32, #tpu.memory_space<vmem>>, vector<16xf32>,
        %parallel_loop3A_659 = arith.mulf %parallel_loop3A_364, %parallel_loop3A_508 : vector<16xf32>
        %parallel_loop3A_660 = arith.constant 480 : index
        %parallel_loop3A_661 = tpu.vector_load %arg5[%parallel_loop3A_660] {strides = array<i32>} : memref<512xf32, #tpu.memory_space<vmem>>, vector<16xf32>,
        %parallel_loop3A_662 = vector.shape_cast %parallel_loop3A_661 : vector<16xf32> to vector<16xf32>
        %parallel_loop3A_663 = vector.shape_cast %parallel_loop3A_659 : vector<16xf32> to vector<16xf32>
        tpu.vector_store %arg5[%parallel_loop3A_660], %parallel_loop3A_663 {add = true, strides = array<i32>} : memref<512xf32, #tpu.memory_space<vmem>>, vector<16xf32>,
        %parallel_loop3A_664 = arith.mulf %parallel_loop3A_372, %parallel_loop3A_508 : vector<16xf32>
        %parallel_loop3A_665 = arith.constant 496 : index
        %parallel_loop3A_666 = tpu.vector_load %arg5[%parallel_loop3A_665] {strides = array<i32>} : memref<512xf32, #tpu.memory_space<vmem>>, vector<16xf32>,
        %parallel_loop3A_667 = vector.shape_cast %parallel_loop3A_666 : vector<16xf32> to vector<16xf32>
        %parallel_loop3A_668 = vector.shape_cast %parallel_loop3A_664 : vector<16xf32> to vector<16xf32>
        tpu.vector_store %arg5[%parallel_loop3A_665], %parallel_loop3A_668 {add = true, strides = array<i32>} : memref<512xf32, #tpu.memory_space<vmem>>, vector<16xf32>,
      } {sc.loop_unroll_factor = 2 : i64, sc.parallel_access}
      %add3A_80 = arith.constant 2 : i32
      %add3A_81 = arith.addi %add3A_61, %add3A_80 : i32
      %lt3A = arith.constant 32 : i32
      %lt3A_82 = arith.cmpi slt, %add3A_81, %lt3A : i32
      %convert_element_type3A = arith.extui %lt3A_82 : i1 to i32
      %cond3A = arith.constant 0 : i32
      %cond3A_83 = arith.cmpi ne, %convert_element_type3A, %cond3A : i32
      scf.if %cond3A_83 {
        %add3A_116 = arith.constant 2 : i32
        %add3A_117 = arith.addi %add3A_61, %add3A_116 : i32
        %mul3A_118 = arith.constant 16 : i32
        %mul3A_119 = arith.muli %add3A_117, %mul3A_118 : i32
        %add3A_120 = arith.addi %mul3A_2, %mul3A_119 : i32
        %dma_start3A_121 = arith.constant 0 : i32
        %dma_start3A_122 = arith.constant 0 : i32
        %dma_start3A_123 = arith.constant 0 : i32
        %dma_start3A_124 = tpu.memref_slice %arg4[%dma_start3A_121, %dma_start3A_122, %dma_start3A_123] : memref<2x16x512xf32, #tpu.memory_space<vmem>> -> memref<1x16x512xf32, #tpu.memory_space<vmem>>
        %dma_start3A_125 = tpu.memref_squeeze %dma_start3A_124 : memref<1x16x512xf32, #tpu.memory_space<vmem>> -> memref<16x512xf32, #tpu.memory_space<vmem>>
        %dma_start3A_126 = arith.constant 0 : i32
        %dma_start3A_127 = tpu.memref_slice %arg2[%add3A_120, %dma_start3A_126] : memref<32768x512xf32, #tpu.memory_space<hbm>> -> memref<16x512xf32, #tpu.memory_space<hbm>>
        %dma_start3A_128 = arith.constant 0 : i32
        %dma_start3A_129 = arith.constant 0 : i32
        %dma_start3A_130 = tpu.memref_slice %arg4[%dma_start3A_121, %dma_start3A_128, %dma_start3A_129] : memref<2x16x512xf32, #tpu.memory_space<vmem>> -> memref<1x16x512xf32, #tpu.memory_space<vmem>>
        %dma_start3A_131 = tpu.memref_squeeze %dma_start3A_130 : memref<1x16x512xf32, #tpu.memory_space<vmem>> -> memref<16x512xf32, #tpu.memory_space<vmem>>
        %dma_start3A_132 = arith.constant 0 : i32
        %dma_start3A_133 = tpu.memref_slice %arg2[%add3A_120, %dma_start3A_132] : memref<32768x512xf32, #tpu.memory_space<hbm>> -> memref<16x512xf32, #tpu.memory_space<hbm>>
        tpu.enqueue_dma source(%dma_start3A_133 : memref<16x512xf32, #tpu.memory_space<hbm>>) target(%dma_start3A_131 : memref<16x512xf32, #tpu.memory_space<vmem>>) target_semaphore(%arg6 : memref<!tpu.dma_semaphore, #tpu.memory_space<semaphore_mem>>)
      } else {
      }
      %mul3A_84 = arith.constant 2 : i32
      %mul3A_85 = arith.muli %mul3A_84, %scan3A_56 : i32
      %add3A_86 = arith.constant 1 : i32
      %add3A_87 = arith.addi %mul3A_85, %add3A_86 : i32
      %mul3A_88 = arith.constant 16 : i32
      %mul3A_89 = arith.muli %add3A_87, %mul3A_88 : i32
      %add3A_90 = arith.addi %mul3A_2, %mul3A_89 : i32
      %dma_wait3A_91 = arith.constant 1 : i32
      %dma_wait3A_92 = arith.constant 0 : i32
      %dma_wait3A_93 = arith.constant 0 : i32
      %dma_wait3A_94 = tpu.memref_slice %arg4[%dma_wait3A_91, %dma_wait3A_92, %dma_wait3A_93] : memref<2x16x512xf32, #tpu.memory_space<vmem>> -> memref<1x16x512xf32, #tpu.memory_space<vmem>>
      %dma_wait3A_95 = tpu.memref_squeeze %dma_wait3A_94 : memref<1x16x512xf32, #tpu.memory_space<vmem>> -> memref<16x512xf32, #tpu.memory_space<vmem>>
      %dma_wait3A_96 = arith.constant 0 : i32
      %dma_wait3A_97 = tpu.memref_slice %arg2[%add3A_90, %dma_wait3A_96] : memref<32768x512xf32, #tpu.memory_space<hbm>> -> memref<16x512xf32, #tpu.memory_space<hbm>>
      %dma_wait3A_98 = arith.constant 0 : i32
      %dma_wait3A_99 = arith.constant 0 : i32
      %dma_wait3A_100 = tpu.memref_slice %arg4[%dma_wait3A_91, %dma_wait3A_98, %dma_wait3A_99] : memref<2x16x512xf32, #tpu.memory_space<vmem>> -> memref<1x16x512xf32, #tpu.memory_space<vmem>>
      %dma_wait3A_101 = tpu.memref_squeeze %dma_wait3A_100 : memref<1x16x512xf32, #tpu.memory_space<vmem>> -> memref<16x512xf32, #tpu.memory_space<vmem>>
      %dma_wait3A_102 = arith.constant 0 : i32
      %dma_wait3A_103 = tpu.memref_slice %arg2[%add3A_90, %dma_wait3A_102] : memref<32768x512xf32, #tpu.memory_space<hbm>> -> memref<16x512xf32, #tpu.memory_space<hbm>>
      tpu.wait_dma2 semaphore(%arg7 : memref<!tpu.dma_semaphore, #tpu.memory_space<semaphore_mem>>) src(%dma_wait3A_103 : memref<16x512xf32, #tpu.memory_space<hbm>>) dst(%dma_wait3A_101 : memref<16x512xf32, #tpu.memory_space<vmem>>)
      %parallel_loop3A_104 = arith.constant 0 : i32
      %parallel_loop3A_105 = arith.constant 16 : i32
      %parallel_loop3A_106 = arith.constant 1 : i32
      %parallel_loop3A_107 = arith.constant 1 : i32
      scf.for %parallel_loop3A_116 = %parallel_loop3A_104 to %parallel_loop3A_105 step %parallel_loop3A_106  : i32 {
        %parallel_loop3A_117 = arith.constant 0 : i32
        %parallel_loop3A_118 = arith.constant 0 : i32
        %parallel_loop3A_119 = tpu.memref_slice %arg4[%parallel_loop3A_107, %parallel_loop3A_117, %parallel_loop3A_118] : memref<2x16x512xf32, #tpu.memory_space<vmem>> -> memref<1x16x512xf32, #tpu.memory_space<vmem>>
        %parallel_loop3A_120 = tpu.memref_squeeze %parallel_loop3A_119 : memref<1x16x512xf32, #tpu.memory_space<vmem>> -> memref<16x512xf32, #tpu.memory_space<vmem>>
        %parallel_loop3A_121 = arith.index_cast %parallel_loop3A_116 : i32 to index
        %parallel_loop3A_122 = arith.constant 0 : index
        %parallel_loop3A_123 = tpu.vector_load %parallel_loop3A_120[%parallel_loop3A_121, %parallel_loop3A_122] {strides = array<i32>} : memref<16x512xf32, #tpu.memory_space<vmem>>, vector<1x16xf32>,
        %parallel_loop3A_124 = vector.shape_cast %parallel_loop3A_123 : vector<1x16xf32> to vector<16xf32>
        %parallel_loop3A_125 = arith.constant 0 : i32
        %parallel_loop3A_126 = arith.constant 0 : i32
        %parallel_loop3A_127 = tpu.memref_slice %arg4[%parallel_loop3A_107, %parallel_loop3A_125, %parallel_loop3A_126] : memref<2x16x512xf32, #tpu.memory_space<vmem>> -> memref<1x16x512xf32, #tpu.memory_space<vmem>>
        %parallel_loop3A_128 = tpu.memref_squeeze %parallel_loop3A_127 : memref<1x16x512xf32, #tpu.memory_space<vmem>> -> memref<16x512xf32, #tpu.memory_space<vmem>>
        %parallel_loop3A_129 = arith.index_cast %parallel_loop3A_116 : i32 to index
        %parallel_loop3A_130 = arith.constant 16 : index
        %parallel_loop3A_131 = tpu.vector_load %parallel_loop3A_128[%parallel_loop3A_129, %parallel_loop3A_130] {strides = array<i32>} : memref<16x512xf32, #tpu.memory_space<vmem>>, vector<1x16xf32>,
        %parallel_loop3A_132 = vector.shape_cast %parallel_loop3A_131 : vector<1x16xf32> to vector<16xf32>
        %parallel_loop3A_133 = arith.constant 0 : i32
        %parallel_loop3A_134 = arith.constant 0 : i32
        %parallel_loop3A_135 = tpu.memref_slice %arg4[%parallel_loop3A_107, %parallel_loop3A_133, %parallel_loop3A_134] : memref<2x16x512xf32, #tpu.memory_space<vmem>> -> memref<1x16x512xf32, #tpu.memory_space<vmem>>
        %parallel_loop3A_136 = tpu.memref_squeeze %parallel_loop3A_135 : memref<1x16x512xf32, #tpu.memory_space<vmem>> -> memref<16x512xf32, #tpu.memory_space<vmem>>
        %parallel_loop3A_137 = arith.index_cast %parallel_loop3A_116 : i32 to index
        %parallel_loop3A_138 = arith.constant 32 : index
        %parallel_loop3A_139 = tpu.vector_load %parallel_loop3A_136[%parallel_loop3A_137, %parallel_loop3A_138] {strides = array<i32>} : memref<16x512xf32, #tpu.memory_space<vmem>>, vector<1x16xf32>,
        %parallel_loop3A_140 = vector.shape_cast %parallel_loop3A_139 : vector<1x16xf32> to vector<16xf32>
        %parallel_loop3A_141 = arith.constant 0 : i32
        %parallel_loop3A_142 = arith.constant 0 : i32
        %parallel_loop3A_143 = tpu.memref_slice %arg4[%parallel_loop3A_107, %parallel_loop3A_141, %parallel_loop3A_142] : memref<2x16x512xf32, #tpu.memory_space<vmem>> -> memref<1x16x512xf32, #tpu.memory_space<vmem>>
        %parallel_loop3A_144 = tpu.memref_squeeze %parallel_loop3A_143 : memref<1x16x512xf32, #tpu.memory_space<vmem>> -> memref<16x512xf32, #tpu.memory_space<vmem>>
        %parallel_loop3A_145 = arith.index_cast %parallel_loop3A_116 : i32 to index
        %parallel_loop3A_146 = arith.constant 48 : index
        %parallel_loop3A_147 = tpu.vector_load %parallel_loop3A_144[%parallel_loop3A_145, %parallel_loop3A_146] {strides = array<i32>} : memref<16x512xf32, #tpu.memory_space<vmem>>, vector<1x16xf32>,
        %parallel_loop3A_148 = vector.shape_cast %parallel_loop3A_147 : vector<1x16xf32> to vector<16xf32>
        %parallel_loop3A_149 = arith.constant 0 : i32
        %parallel_loop3A_150 = arith.constant 0 : i32
        %parallel_loop3A_151 = tpu.memref_slice %arg4[%parallel_loop3A_107, %parallel_loop3A_149, %parallel_loop3A_150] : memref<2x16x512xf32, #tpu.memory_space<vmem>> -> memref<1x16x512xf32, #tpu.memory_space<vmem>>
        %parallel_loop3A_152 = tpu.memref_squeeze %parallel_loop3A_151 : memref<1x16x512xf32, #tpu.memory_space<vmem>> -> memref<16x512xf32, #tpu.memory_space<vmem>>
        %parallel_loop3A_153 = arith.index_cast %parallel_loop3A_116 : i32 to index
        %parallel_loop3A_154 = arith.constant 64 : index
        %parallel_loop3A_155 = tpu.vector_load %parallel_loop3A_152[%parallel_loop3A_153, %parallel_loop3A_154] {strides = array<i32>} : memref<16x512xf32, #tpu.memory_space<vmem>>, vector<1x16xf32>,
        %parallel_loop3A_156 = vector.shape_cast %parallel_loop3A_155 : vector<1x16xf32> to vector<16xf32>
        %parallel_loop3A_157 = arith.constant 0 : i32
        %parallel_loop3A_158 = arith.constant 0 : i32
        %parallel_loop3A_159 = tpu.memref_slice %arg4[%parallel_loop3A_107, %parallel_loop3A_157, %parallel_loop3A_158] : memref<2x16x512xf32, #tpu.memory_space<vmem>> -> memref<1x16x512xf32, #tpu.memory_space<vmem>>
        %parallel_loop3A_160 = tpu.memref_squeeze %parallel_loop3A_159 : memref<1x16x512xf32, #tpu.memory_space<vmem>> -> memref<16x512xf32, #tpu.memory_space<vmem>>
        %parallel_loop3A_161 = arith.index_cast %parallel_loop3A_116 : i32 to index
        %parallel_loop3A_162 = arith.constant 80 : index
        %parallel_loop3A_163 = tpu.vector_load %parallel_loop3A_160[%parallel_loop3A_161, %parallel_loop3A_162] {strides = array<i32>} : memref<16x512xf32, #tpu.memory_space<vmem>>, vector<1x16xf32>,
        %parallel_loop3A_164 = vector.shape_cast %parallel_loop3A_163 : vector<1x16xf32> to vector<16xf32>
        %parallel_loop3A_165 = arith.constant 0 : i32
        %parallel_loop3A_166 = arith.constant 0 : i32
        %parallel_loop3A_167 = tpu.memref_slice %arg4[%parallel_loop3A_107, %parallel_loop3A_165, %parallel_loop3A_166] : memref<2x16x512xf32, #tpu.memory_space<vmem>> -> memref<1x16x512xf32, #tpu.memory_space<vmem>>
        %parallel_loop3A_168 = tpu.memref_squeeze %parallel_loop3A_167 : memref<1x16x512xf32, #tpu.memory_space<vmem>> -> memref<16x512xf32, #tpu.memory_space<vmem>>
        %parallel_loop3A_169 = arith.index_cast %parallel_loop3A_116 : i32 to index
        %parallel_loop3A_170 = arith.constant 96 : index
        %parallel_loop3A_171 = tpu.vector_load %parallel_loop3A_168[%parallel_loop3A_169, %parallel_loop3A_170] {strides = array<i32>} : memref<16x512xf32, #tpu.memory_space<vmem>>, vector<1x16xf32>,
        %parallel_loop3A_172 = vector.shape_cast %parallel_loop3A_171 : vector<1x16xf32> to vector<16xf32>
        %parallel_loop3A_173 = arith.constant 0 : i32
        %parallel_loop3A_174 = arith.constant 0 : i32
        %parallel_loop3A_175 = tpu.memref_slice %arg4[%parallel_loop3A_107, %parallel_loop3A_173, %parallel_loop3A_174] : memref<2x16x512xf32, #tpu.memory_space<vmem>> -> memref<1x16x512xf32, #tpu.memory_space<vmem>>
        %parallel_loop3A_176 = tpu.memref_squeeze %parallel_loop3A_175 : memref<1x16x512xf32, #tpu.memory_space<vmem>> -> memref<16x512xf32, #tpu.memory_space<vmem>>
        %parallel_loop3A_177 = arith.index_cast %parallel_loop3A_116 : i32 to index
        %parallel_loop3A_178 = arith.constant 112 : index
        %parallel_loop3A_179 = tpu.vector_load %parallel_loop3A_176[%parallel_loop3A_177, %parallel_loop3A_178] {strides = array<i32>} : memref<16x512xf32, #tpu.memory_space<vmem>>, vector<1x16xf32>,
        %parallel_loop3A_180 = vector.shape_cast %parallel_loop3A_179 : vector<1x16xf32> to vector<16xf32>
        %parallel_loop3A_181 = arith.constant 0 : i32
        %parallel_loop3A_182 = arith.constant 0 : i32
        %parallel_loop3A_183 = tpu.memref_slice %arg4[%parallel_loop3A_107, %parallel_loop3A_181, %parallel_loop3A_182] : memref<2x16x512xf32, #tpu.memory_space<vmem>> -> memref<1x16x512xf32, #tpu.memory_space<vmem>>
        %parallel_loop3A_184 = tpu.memref_squeeze %parallel_loop3A_183 : memref<1x16x512xf32, #tpu.memory_space<vmem>> -> memref<16x512xf32, #tpu.memory_space<vmem>>
        %parallel_loop3A_185 = arith.index_cast %parallel_loop3A_116 : i32 to index
        %parallel_loop3A_186 = arith.constant 128 : index
        %parallel_loop3A_187 = tpu.vector_load %parallel_loop3A_184[%parallel_loop3A_185, %parallel_loop3A_186] {strides = array<i32>} : memref<16x512xf32, #tpu.memory_space<vmem>>, vector<1x16xf32>,
        %parallel_loop3A_188 = vector.shape_cast %parallel_loop3A_187 : vector<1x16xf32> to vector<16xf32>
        %parallel_loop3A_189 = arith.constant 0 : i32
        %parallel_loop3A_190 = arith.constant 0 : i32
        %parallel_loop3A_191 = tpu.memref_slice %arg4[%parallel_loop3A_107, %parallel_loop3A_189, %parallel_loop3A_190] : memref<2x16x512xf32, #tpu.memory_space<vmem>> -> memref<1x16x512xf32, #tpu.memory_space<vmem>>
        %parallel_loop3A_192 = tpu.memref_squeeze %parallel_loop3A_191 : memref<1x16x512xf32, #tpu.memory_space<vmem>> -> memref<16x512xf32, #tpu.memory_space<vmem>>
        %parallel_loop3A_193 = arith.index_cast %parallel_loop3A_116 : i32 to index
        %parallel_loop3A_194 = arith.constant 144 : index
        %parallel_loop3A_195 = tpu.vector_load %parallel_loop3A_192[%parallel_loop3A_193, %parallel_loop3A_194] {strides = array<i32>} : memref<16x512xf32, #tpu.memory_space<vmem>>, vector<1x16xf32>,
        %parallel_loop3A_196 = vector.shape_cast %parallel_loop3A_195 : vector<1x16xf32> to vector<16xf32>
        %parallel_loop3A_197 = arith.constant 0 : i32
        %parallel_loop3A_198 = arith.constant 0 : i32
        %parallel_loop3A_199 = tpu.memref_slice %arg4[%parallel_loop3A_107, %parallel_loop3A_197, %parallel_loop3A_198] : memref<2x16x512xf32, #tpu.memory_space<vmem>> -> memref<1x16x512xf32, #tpu.memory_space<vmem>>
        %parallel_loop3A_200 = tpu.memref_squeeze %parallel_loop3A_199 : memref<1x16x512xf32, #tpu.memory_space<vmem>> -> memref<16x512xf32, #tpu.memory_space<vmem>>
        %parallel_loop3A_201 = arith.index_cast %parallel_loop3A_116 : i32 to index
        %parallel_loop3A_202 = arith.constant 160 : index
        %parallel_loop3A_203 = tpu.vector_load %parallel_loop3A_200[%parallel_loop3A_201, %parallel_loop3A_202] {strides = array<i32>} : memref<16x512xf32, #tpu.memory_space<vmem>>, vector<1x16xf32>,
        %parallel_loop3A_204 = vector.shape_cast %parallel_loop3A_203 : vector<1x16xf32> to vector<16xf32>
        %parallel_loop3A_205 = arith.constant 0 : i32
        %parallel_loop3A_206 = arith.constant 0 : i32
        %parallel_loop3A_207 = tpu.memref_slice %arg4[%parallel_loop3A_107, %parallel_loop3A_205, %parallel_loop3A_206] : memref<2x16x512xf32, #tpu.memory_space<vmem>> -> memref<1x16x512xf32, #tpu.memory_space<vmem>>
        %parallel_loop3A_208 = tpu.memref_squeeze %parallel_loop3A_207 : memref<1x16x512xf32, #tpu.memory_space<vmem>> -> memref<16x512xf32, #tpu.memory_space<vmem>>
        %parallel_loop3A_209 = arith.index_cast %parallel_loop3A_116 : i32 to index
        %parallel_loop3A_210 = arith.constant 176 : index
        %parallel_loop3A_211 = tpu.vector_load %parallel_loop3A_208[%parallel_loop3A_209, %parallel_loop3A_210] {strides = array<i32>} : memref<16x512xf32, #tpu.memory_space<vmem>>, vector<1x16xf32>,
        %parallel_loop3A_212 = vector.shape_cast %parallel_loop3A_211 : vector<1x16xf32> to vector<16xf32>
        %parallel_loop3A_213 = arith.constant 0 : i32
        %parallel_loop3A_214 = arith.constant 0 : i32
        %parallel_loop3A_215 = tpu.memref_slice %arg4[%parallel_loop3A_107, %parallel_loop3A_213, %parallel_loop3A_214] : memref<2x16x512xf32, #tpu.memory_space<vmem>> -> memref<1x16x512xf32, #tpu.memory_space<vmem>>
        %parallel_loop3A_216 = tpu.memref_squeeze %parallel_loop3A_215 : memref<1x16x512xf32, #tpu.memory_space<vmem>> -> memref<16x512xf32, #tpu.memory_space<vmem>>
        %parallel_loop3A_217 = arith.index_cast %parallel_loop3A_116 : i32 to index
        %parallel_loop3A_218 = arith.constant 192 : index
        %parallel_loop3A_219 = tpu.vector_load %parallel_loop3A_216[%parallel_loop3A_217, %parallel_loop3A_218] {strides = array<i32>} : memref<16x512xf32, #tpu.memory_space<vmem>>, vector<1x16xf32>,
        %parallel_loop3A_220 = vector.shape_cast %parallel_loop3A_219 : vector<1x16xf32> to vector<16xf32>
        %parallel_loop3A_221 = arith.constant 0 : i32
        %parallel_loop3A_222 = arith.constant 0 : i32
        %parallel_loop3A_223 = tpu.memref_slice %arg4[%parallel_loop3A_107, %parallel_loop3A_221, %parallel_loop3A_222] : memref<2x16x512xf32, #tpu.memory_space<vmem>> -> memref<1x16x512xf32, #tpu.memory_space<vmem>>
        %parallel_loop3A_224 = tpu.memref_squeeze %parallel_loop3A_223 : memref<1x16x512xf32, #tpu.memory_space<vmem>> -> memref<16x512xf32, #tpu.memory_space<vmem>>
        %parallel_loop3A_225 = arith.index_cast %parallel_loop3A_116 : i32 to index
        %parallel_loop3A_226 = arith.constant 208 : index
        %parallel_loop3A_227 = tpu.vector_load %parallel_loop3A_224[%parallel_loop3A_225, %parallel_loop3A_226] {strides = array<i32>} : memref<16x512xf32, #tpu.memory_space<vmem>>, vector<1x16xf32>,
        %parallel_loop3A_228 = vector.shape_cast %parallel_loop3A_227 : vector<1x16xf32> to vector<16xf32>
        %parallel_loop3A_229 = arith.constant 0 : i32
        %parallel_loop3A_230 = arith.constant 0 : i32
        %parallel_loop3A_231 = tpu.memref_slice %arg4[%parallel_loop3A_107, %parallel_loop3A_229, %parallel_loop3A_230] : memref<2x16x512xf32, #tpu.memory_space<vmem>> -> memref<1x16x512xf32, #tpu.memory_space<vmem>>
        %parallel_loop3A_232 = tpu.memref_squeeze %parallel_loop3A_231 : memref<1x16x512xf32, #tpu.memory_space<vmem>> -> memref<16x512xf32, #tpu.memory_space<vmem>>
        %parallel_loop3A_233 = arith.index_cast %parallel_loop3A_116 : i32 to index
        %parallel_loop3A_234 = arith.constant 224 : index
        %parallel_loop3A_235 = tpu.vector_load %parallel_loop3A_232[%parallel_loop3A_233, %parallel_loop3A_234] {strides = array<i32>} : memref<16x512xf32, #tpu.memory_space<vmem>>, vector<1x16xf32>,
        %parallel_loop3A_236 = vector.shape_cast %parallel_loop3A_235 : vector<1x16xf32> to vector<16xf32>
        %parallel_loop3A_237 = arith.constant 0 : i32
        %parallel_loop3A_238 = arith.constant 0 : i32
        %parallel_loop3A_239 = tpu.memref_slice %arg4[%parallel_loop3A_107, %parallel_loop3A_237, %parallel_loop3A_238] : memref<2x16x512xf32, #tpu.memory_space<vmem>> -> memref<1x16x512xf32, #tpu.memory_space<vmem>>
        %parallel_loop3A_240 = tpu.memref_squeeze %parallel_loop3A_239 : memref<1x16x512xf32, #tpu.memory_space<vmem>> -> memref<16x512xf32, #tpu.memory_space<vmem>>
        %parallel_loop3A_241 = arith.index_cast %parallel_loop3A_116 : i32 to index
        %parallel_loop3A_242 = arith.constant 240 : index
        %parallel_loop3A_243 = tpu.vector_load %parallel_loop3A_240[%parallel_loop3A_241, %parallel_loop3A_242] {strides = array<i32>} : memref<16x512xf32, #tpu.memory_space<vmem>>, vector<1x16xf32>,
        %parallel_loop3A_244 = vector.shape_cast %parallel_loop3A_243 : vector<1x16xf32> to vector<16xf32>
        %parallel_loop3A_245 = arith.constant 0 : i32
        %parallel_loop3A_246 = arith.constant 0 : i32
        %parallel_loop3A_247 = tpu.memref_slice %arg4[%parallel_loop3A_107, %parallel_loop3A_245, %parallel_loop3A_246] : memref<2x16x512xf32, #tpu.memory_space<vmem>> -> memref<1x16x512xf32, #tpu.memory_space<vmem>>
        %parallel_loop3A_248 = tpu.memref_squeeze %parallel_loop3A_247 : memref<1x16x512xf32, #tpu.memory_space<vmem>> -> memref<16x512xf32, #tpu.memory_space<vmem>>
        %parallel_loop3A_249 = arith.index_cast %parallel_loop3A_116 : i32 to index
        %parallel_loop3A_250 = arith.constant 256 : index
        %parallel_loop3A_251 = tpu.vector_load %parallel_loop3A_248[%parallel_loop3A_249, %parallel_loop3A_250] {strides = array<i32>} : memref<16x512xf32, #tpu.memory_space<vmem>>, vector<1x16xf32>,
        %parallel_loop3A_252 = vector.shape_cast %parallel_loop3A_251 : vector<1x16xf32> to vector<16xf32>
        %parallel_loop3A_253 = arith.constant 0 : i32
        %parallel_loop3A_254 = arith.constant 0 : i32
        %parallel_loop3A_255 = tpu.memref_slice %arg4[%parallel_loop3A_107, %parallel_loop3A_253, %parallel_loop3A_254] : memref<2x16x512xf32, #tpu.memory_space<vmem>> -> memref<1x16x512xf32, #tpu.memory_space<vmem>>
        %parallel_loop3A_256 = tpu.memref_squeeze %parallel_loop3A_255 : memref<1x16x512xf32, #tpu.memory_space<vmem>> -> memref<16x512xf32, #tpu.memory_space<vmem>>
        %parallel_loop3A_257 = arith.index_cast %parallel_loop3A_116 : i32 to index
        %parallel_loop3A_258 = arith.constant 272 : index
        %parallel_loop3A_259 = tpu.vector_load %parallel_loop3A_256[%parallel_loop3A_257, %parallel_loop3A_258] {strides = array<i32>} : memref<16x512xf32, #tpu.memory_space<vmem>>, vector<1x16xf32>,
        %parallel_loop3A_260 = vector.shape_cast %parallel_loop3A_259 : vector<1x16xf32> to vector<16xf32>
        %parallel_loop3A_261 = arith.constant 0 : i32
        %parallel_loop3A_262 = arith.constant 0 : i32
        %parallel_loop3A_263 = tpu.memref_slice %arg4[%parallel_loop3A_107, %parallel_loop3A_261, %parallel_loop3A_262] : memref<2x16x512xf32, #tpu.memory_space<vmem>> -> memref<1x16x512xf32, #tpu.memory_space<vmem>>
        %parallel_loop3A_264 = tpu.memref_squeeze %parallel_loop3A_263 : memref<1x16x512xf32, #tpu.memory_space<vmem>> -> memref<16x512xf32, #tpu.memory_space<vmem>>
        %parallel_loop3A_265 = arith.index_cast %parallel_loop3A_116 : i32 to index
        %parallel_loop3A_266 = arith.constant 288 : index
        %parallel_loop3A_267 = tpu.vector_load %parallel_loop3A_264[%parallel_loop3A_265, %parallel_loop3A_266] {strides = array<i32>} : memref<16x512xf32, #tpu.memory_space<vmem>>, vector<1x16xf32>,
        %parallel_loop3A_268 = vector.shape_cast %parallel_loop3A_267 : vector<1x16xf32> to vector<16xf32>
        %parallel_loop3A_269 = arith.constant 0 : i32
        %parallel_loop3A_270 = arith.constant 0 : i32
        %parallel_loop3A_271 = tpu.memref_slice %arg4[%parallel_loop3A_107, %parallel_loop3A_269, %parallel_loop3A_270] : memref<2x16x512xf32, #tpu.memory_space<vmem>> -> memref<1x16x512xf32, #tpu.memory_space<vmem>>
        %parallel_loop3A_272 = tpu.memref_squeeze %parallel_loop3A_271 : memref<1x16x512xf32, #tpu.memory_space<vmem>> -> memref<16x512xf32, #tpu.memory_space<vmem>>
        %parallel_loop3A_273 = arith.index_cast %parallel_loop3A_116 : i32 to index
        %parallel_loop3A_274 = arith.constant 304 : index
        %parallel_loop3A_275 = tpu.vector_load %parallel_loop3A_272[%parallel_loop3A_273, %parallel_loop3A_274] {strides = array<i32>} : memref<16x512xf32, #tpu.memory_space<vmem>>, vector<1x16xf32>,
        %parallel_loop3A_276 = vector.shape_cast %parallel_loop3A_275 : vector<1x16xf32> to vector<16xf32>
        %parallel_loop3A_277 = arith.constant 0 : i32
        %parallel_loop3A_278 = arith.constant 0 : i32
        %parallel_loop3A_279 = tpu.memref_slice %arg4[%parallel_loop3A_107, %parallel_loop3A_277, %parallel_loop3A_278] : memref<2x16x512xf32, #tpu.memory_space<vmem>> -> memref<1x16x512xf32, #tpu.memory_space<vmem>>
        %parallel_loop3A_280 = tpu.memref_squeeze %parallel_loop3A_279 : memref<1x16x512xf32, #tpu.memory_space<vmem>> -> memref<16x512xf32, #tpu.memory_space<vmem>>
        %parallel_loop3A_281 = arith.index_cast %parallel_loop3A_116 : i32 to index
        %parallel_loop3A_282 = arith.constant 320 : index
        %parallel_loop3A_283 = tpu.vector_load %parallel_loop3A_280[%parallel_loop3A_281, %parallel_loop3A_282] {strides = array<i32>} : memref<16x512xf32, #tpu.memory_space<vmem>>, vector<1x16xf32>,
        %parallel_loop3A_284 = vector.shape_cast %parallel_loop3A_283 : vector<1x16xf32> to vector<16xf32>
        %parallel_loop3A_285 = arith.constant 0 : i32
        %parallel_loop3A_286 = arith.constant 0 : i32
        %parallel_loop3A_287 = tpu.memref_slice %arg4[%parallel_loop3A_107, %parallel_loop3A_285, %parallel_loop3A_286] : memref<2x16x512xf32, #tpu.memory_space<vmem>> -> memref<1x16x512xf32, #tpu.memory_space<vmem>>
        %parallel_loop3A_288 = tpu.memref_squeeze %parallel_loop3A_287 : memref<1x16x512xf32, #tpu.memory_space<vmem>> -> memref<16x512xf32, #tpu.memory_space<vmem>>
        %parallel_loop3A_289 = arith.index_cast %parallel_loop3A_116 : i32 to index
        %parallel_loop3A_290 = arith.constant 336 : index
        %parallel_loop3A_291 = tpu.vector_load %parallel_loop3A_288[%parallel_loop3A_289, %parallel_loop3A_290] {strides = array<i32>} : memref<16x512xf32, #tpu.memory_space<vmem>>, vector<1x16xf32>,
        %parallel_loop3A_292 = vector.shape_cast %parallel_loop3A_291 : vector<1x16xf32> to vector<16xf32>
        %parallel_loop3A_293 = arith.constant 0 : i32
        %parallel_loop3A_294 = arith.constant 0 : i32
        %parallel_loop3A_295 = tpu.memref_slice %arg4[%parallel_loop3A_107, %parallel_loop3A_293, %parallel_loop3A_294] : memref<2x16x512xf32, #tpu.memory_space<vmem>> -> memref<1x16x512xf32, #tpu.memory_space<vmem>>
        %parallel_loop3A_296 = tpu.memref_squeeze %parallel_loop3A_295 : memref<1x16x512xf32, #tpu.memory_space<vmem>> -> memref<16x512xf32, #tpu.memory_space<vmem>>
        %parallel_loop3A_297 = arith.index_cast %parallel_loop3A_116 : i32 to index
        %parallel_loop3A_298 = arith.constant 352 : index
        %parallel_loop3A_299 = tpu.vector_load %parallel_loop3A_296[%parallel_loop3A_297, %parallel_loop3A_298] {strides = array<i32>} : memref<16x512xf32, #tpu.memory_space<vmem>>, vector<1x16xf32>,
        %parallel_loop3A_300 = vector.shape_cast %parallel_loop3A_299 : vector<1x16xf32> to vector<16xf32>
        %parallel_loop3A_301 = arith.constant 0 : i32
        %parallel_loop3A_302 = arith.constant 0 : i32
        %parallel_loop3A_303 = tpu.memref_slice %arg4[%parallel_loop3A_107, %parallel_loop3A_301, %parallel_loop3A_302] : memref<2x16x512xf32, #tpu.memory_space<vmem>> -> memref<1x16x512xf32, #tpu.memory_space<vmem>>
        %parallel_loop3A_304 = tpu.memref_squeeze %parallel_loop3A_303 : memref<1x16x512xf32, #tpu.memory_space<vmem>> -> memref<16x512xf32, #tpu.memory_space<vmem>>
        %parallel_loop3A_305 = arith.index_cast %parallel_loop3A_116 : i32 to index
        %parallel_loop3A_306 = arith.constant 368 : index
        %parallel_loop3A_307 = tpu.vector_load %parallel_loop3A_304[%parallel_loop3A_305, %parallel_loop3A_306] {strides = array<i32>} : memref<16x512xf32, #tpu.memory_space<vmem>>, vector<1x16xf32>,
        %parallel_loop3A_308 = vector.shape_cast %parallel_loop3A_307 : vector<1x16xf32> to vector<16xf32>
        %parallel_loop3A_309 = arith.constant 0 : i32
        %parallel_loop3A_310 = arith.constant 0 : i32
        %parallel_loop3A_311 = tpu.memref_slice %arg4[%parallel_loop3A_107, %parallel_loop3A_309, %parallel_loop3A_310] : memref<2x16x512xf32, #tpu.memory_space<vmem>> -> memref<1x16x512xf32, #tpu.memory_space<vmem>>
        %parallel_loop3A_312 = tpu.memref_squeeze %parallel_loop3A_311 : memref<1x16x512xf32, #tpu.memory_space<vmem>> -> memref<16x512xf32, #tpu.memory_space<vmem>>
        %parallel_loop3A_313 = arith.index_cast %parallel_loop3A_116 : i32 to index
        %parallel_loop3A_314 = arith.constant 384 : index
        %parallel_loop3A_315 = tpu.vector_load %parallel_loop3A_312[%parallel_loop3A_313, %parallel_loop3A_314] {strides = array<i32>} : memref<16x512xf32, #tpu.memory_space<vmem>>, vector<1x16xf32>,
        %parallel_loop3A_316 = vector.shape_cast %parallel_loop3A_315 : vector<1x16xf32> to vector<16xf32>
        %parallel_loop3A_317 = arith.constant 0 : i32
        %parallel_loop3A_318 = arith.constant 0 : i32
        %parallel_loop3A_319 = tpu.memref_slice %arg4[%parallel_loop3A_107, %parallel_loop3A_317, %parallel_loop3A_318] : memref<2x16x512xf32, #tpu.memory_space<vmem>> -> memref<1x16x512xf32, #tpu.memory_space<vmem>>
        %parallel_loop3A_320 = tpu.memref_squeeze %parallel_loop3A_319 : memref<1x16x512xf32, #tpu.memory_space<vmem>> -> memref<16x512xf32, #tpu.memory_space<vmem>>
        %parallel_loop3A_321 = arith.index_cast %parallel_loop3A_116 : i32 to index
        %parallel_loop3A_322 = arith.constant 400 : index
        %parallel_loop3A_323 = tpu.vector_load %parallel_loop3A_320[%parallel_loop3A_321, %parallel_loop3A_322] {strides = array<i32>} : memref<16x512xf32, #tpu.memory_space<vmem>>, vector<1x16xf32>,
        %parallel_loop3A_324 = vector.shape_cast %parallel_loop3A_323 : vector<1x16xf32> to vector<16xf32>
        %parallel_loop3A_325 = arith.constant 0 : i32
        %parallel_loop3A_326 = arith.constant 0 : i32
        %parallel_loop3A_327 = tpu.memref_slice %arg4[%parallel_loop3A_107, %parallel_loop3A_325, %parallel_loop3A_326] : memref<2x16x512xf32, #tpu.memory_space<vmem>> -> memref<1x16x512xf32, #tpu.memory_space<vmem>>
        %parallel_loop3A_328 = tpu.memref_squeeze %parallel_loop3A_327 : memref<1x16x512xf32, #tpu.memory_space<vmem>> -> memref<16x512xf32, #tpu.memory_space<vmem>>
        %parallel_loop3A_329 = arith.index_cast %parallel_loop3A_116 : i32 to index
        %parallel_loop3A_330 = arith.constant 416 : index
        %parallel_loop3A_331 = tpu.vector_load %parallel_loop3A_328[%parallel_loop3A_329, %parallel_loop3A_330] {strides = array<i32>} : memref<16x512xf32, #tpu.memory_space<vmem>>, vector<1x16xf32>,
        %parallel_loop3A_332 = vector.shape_cast %parallel_loop3A_331 : vector<1x16xf32> to vector<16xf32>
        %parallel_loop3A_333 = arith.constant 0 : i32
        %parallel_loop3A_334 = arith.constant 0 : i32
        %parallel_loop3A_335 = tpu.memref_slice %arg4[%parallel_loop3A_107, %parallel_loop3A_333, %parallel_loop3A_334] : memref<2x16x512xf32, #tpu.memory_space<vmem>> -> memref<1x16x512xf32, #tpu.memory_space<vmem>>
        %parallel_loop3A_336 = tpu.memref_squeeze %parallel_loop3A_335 : memref<1x16x512xf32, #tpu.memory_space<vmem>> -> memref<16x512xf32, #tpu.memory_space<vmem>>
        %parallel_loop3A_337 = arith.index_cast %parallel_loop3A_116 : i32 to index
        %parallel_loop3A_338 = arith.constant 432 : index
        %parallel_loop3A_339 = tpu.vector_load %parallel_loop3A_336[%parallel_loop3A_337, %parallel_loop3A_338] {strides = array<i32>} : memref<16x512xf32, #tpu.memory_space<vmem>>, vector<1x16xf32>,
        %parallel_loop3A_340 = vector.shape_cast %parallel_loop3A_339 : vector<1x16xf32> to vector<16xf32>
        %parallel_loop3A_341 = arith.constant 0 : i32
        %parallel_loop3A_342 = arith.constant 0 : i32
        %parallel_loop3A_343 = tpu.memref_slice %arg4[%parallel_loop3A_107, %parallel_loop3A_341, %parallel_loop3A_342] : memref<2x16x512xf32, #tpu.memory_space<vmem>> -> memref<1x16x512xf32, #tpu.memory_space<vmem>>
        %parallel_loop3A_344 = tpu.memref_squeeze %parallel_loop3A_343 : memref<1x16x512xf32, #tpu.memory_space<vmem>> -> memref<16x512xf32, #tpu.memory_space<vmem>>
        %parallel_loop3A_345 = arith.index_cast %parallel_loop3A_116 : i32 to index
        %parallel_loop3A_346 = arith.constant 448 : index
        %parallel_loop3A_347 = tpu.vector_load %parallel_loop3A_344[%parallel_loop3A_345, %parallel_loop3A_346] {strides = array<i32>} : memref<16x512xf32, #tpu.memory_space<vmem>>, vector<1x16xf32>,
        %parallel_loop3A_348 = vector.shape_cast %parallel_loop3A_347 : vector<1x16xf32> to vector<16xf32>
        %parallel_loop3A_349 = arith.constant 0 : i32
        %parallel_loop3A_350 = arith.constant 0 : i32
        %parallel_loop3A_351 = tpu.memref_slice %arg4[%parallel_loop3A_107, %parallel_loop3A_349, %parallel_loop3A_350] : memref<2x16x512xf32, #tpu.memory_space<vmem>> -> memref<1x16x512xf32, #tpu.memory_space<vmem>>
        %parallel_loop3A_352 = tpu.memref_squeeze %parallel_loop3A_351 : memref<1x16x512xf32, #tpu.memory_space<vmem>> -> memref<16x512xf32, #tpu.memory_space<vmem>>
        %parallel_loop3A_353 = arith.index_cast %parallel_loop3A_116 : i32 to index
        %parallel_loop3A_354 = arith.constant 464 : index
        %parallel_loop3A_355 = tpu.vector_load %parallel_loop3A_352[%parallel_loop3A_353, %parallel_loop3A_354] {strides = array<i32>} : memref<16x512xf32, #tpu.memory_space<vmem>>, vector<1x16xf32>,
        %parallel_loop3A_356 = vector.shape_cast %parallel_loop3A_355 : vector<1x16xf32> to vector<16xf32>
        %parallel_loop3A_357 = arith.constant 0 : i32
        %parallel_loop3A_358 = arith.constant 0 : i32
        %parallel_loop3A_359 = tpu.memref_slice %arg4[%parallel_loop3A_107, %parallel_loop3A_357, %parallel_loop3A_358] : memref<2x16x512xf32, #tpu.memory_space<vmem>> -> memref<1x16x512xf32, #tpu.memory_space<vmem>>
        %parallel_loop3A_360 = tpu.memref_squeeze %parallel_loop3A_359 : memref<1x16x512xf32, #tpu.memory_space<vmem>> -> memref<16x512xf32, #tpu.memory_space<vmem>>
        %parallel_loop3A_361 = arith.index_cast %parallel_loop3A_116 : i32 to index
        %parallel_loop3A_362 = arith.constant 480 : index
        %parallel_loop3A_363 = tpu.vector_load %parallel_loop3A_360[%parallel_loop3A_361, %parallel_loop3A_362] {strides = array<i32>} : memref<16x512xf32, #tpu.memory_space<vmem>>, vector<1x16xf32>,
        %parallel_loop3A_364 = vector.shape_cast %parallel_loop3A_363 : vector<1x16xf32> to vector<16xf32>
        %parallel_loop3A_365 = arith.constant 0 : i32
        %parallel_loop3A_366 = arith.constant 0 : i32
        %parallel_loop3A_367 = tpu.memref_slice %arg4[%parallel_loop3A_107, %parallel_loop3A_365, %parallel_loop3A_366] : memref<2x16x512xf32, #tpu.memory_space<vmem>> -> memref<1x16x512xf32, #tpu.memory_space<vmem>>
        %parallel_loop3A_368 = tpu.memref_squeeze %parallel_loop3A_367 : memref<1x16x512xf32, #tpu.memory_space<vmem>> -> memref<16x512xf32, #tpu.memory_space<vmem>>
        %parallel_loop3A_369 = arith.index_cast %parallel_loop3A_116 : i32 to index
        %parallel_loop3A_370 = arith.constant 496 : index
        %parallel_loop3A_371 = tpu.vector_load %parallel_loop3A_368[%parallel_loop3A_369, %parallel_loop3A_370] {strides = array<i32>} : memref<16x512xf32, #tpu.memory_space<vmem>>, vector<1x16xf32>,
        %parallel_loop3A_372 = vector.shape_cast %parallel_loop3A_371 : vector<1x16xf32> to vector<16xf32>
        %parallel_loop3A_373 = arith.mulf %parallel_loop3A_124, %parallel_loop3A_124 : vector<16xf32>
        %parallel_loop3A_374 = arith.mulf %parallel_loop3A_132, %parallel_loop3A_132 : vector<16xf32>
        %parallel_loop3A_375 = arith.mulf %parallel_loop3A_140, %parallel_loop3A_140 : vector<16xf32>
        %parallel_loop3A_376 = arith.mulf %parallel_loop3A_148, %parallel_loop3A_148 : vector<16xf32>
        %parallel_loop3A_377 = arith.mulf %parallel_loop3A_156, %parallel_loop3A_156 : vector<16xf32>
        %parallel_loop3A_378 = arith.addf %parallel_loop3A_373, %parallel_loop3A_377 : vector<16xf32>
        %parallel_loop3A_379 = arith.mulf %parallel_loop3A_164, %parallel_loop3A_164 : vector<16xf32>
        %parallel_loop3A_380 = arith.addf %parallel_loop3A_374, %parallel_loop3A_379 : vector<16xf32>
        %parallel_loop3A_381 = arith.mulf %parallel_loop3A_172, %parallel_loop3A_172 : vector<16xf32>
        %parallel_loop3A_382 = arith.addf %parallel_loop3A_375, %parallel_loop3A_381 : vector<16xf32>
        %parallel_loop3A_383 = arith.mulf %parallel_loop3A_180, %parallel_loop3A_180 : vector<16xf32>
        %parallel_loop3A_384 = arith.addf %parallel_loop3A_376, %parallel_loop3A_383 : vector<16xf32>
        %parallel_loop3A_385 = arith.mulf %parallel_loop3A_188, %parallel_loop3A_188 : vector<16xf32>
        %parallel_loop3A_386 = arith.addf %parallel_loop3A_378, %parallel_loop3A_385 : vector<16xf32>
        %parallel_loop3A_387 = arith.mulf %parallel_loop3A_196, %parallel_loop3A_196 : vector<16xf32>
        %parallel_loop3A_388 = arith.addf %parallel_loop3A_380, %parallel_loop3A_387 : vector<16xf32>
        %parallel_loop3A_389 = arith.mulf %parallel_loop3A_204, %parallel_loop3A_204 : vector<16xf32>
        %parallel_loop3A_390 = arith.addf %parallel_loop3A_382, %parallel_loop3A_389 : vector<16xf32>
        %parallel_loop3A_391 = arith.mulf %parallel_loop3A_212, %parallel_loop3A_212 : vector<16xf32>
        %parallel_loop3A_392 = arith.addf %parallel_loop3A_384, %parallel_loop3A_391 : vector<16xf32>
        %parallel_loop3A_393 = arith.mulf %parallel_loop3A_220, %parallel_loop3A_220 : vector<16xf32>
        %parallel_loop3A_394 = arith.addf %parallel_loop3A_386, %parallel_loop3A_393 : vector<16xf32>
        %parallel_loop3A_395 = arith.mulf %parallel_loop3A_228, %parallel_loop3A_228 : vector<16xf32>
        %parallel_loop3A_396 = arith.addf %parallel_loop3A_388, %parallel_loop3A_395 : vector<16xf32>
        %parallel_loop3A_397 = arith.mulf %parallel_loop3A_236, %parallel_loop3A_236 : vector<16xf32>
        %parallel_loop3A_398 = arith.addf %parallel_loop3A_390, %parallel_loop3A_397 : vector<16xf32>
        %parallel_loop3A_399 = arith.mulf %parallel_loop3A_244, %parallel_loop3A_244 : vector<16xf32>
        %parallel_loop3A_400 = arith.addf %parallel_loop3A_392, %parallel_loop3A_399 : vector<16xf32>
        %parallel_loop3A_401 = arith.mulf %parallel_loop3A_252, %parallel_loop3A_252 : vector<16xf32>
        %parallel_loop3A_402 = arith.addf %parallel_loop3A_394, %parallel_loop3A_401 : vector<16xf32>
        %parallel_loop3A_403 = arith.mulf %parallel_loop3A_260, %parallel_loop3A_260 : vector<16xf32>
        %parallel_loop3A_404 = arith.addf %parallel_loop3A_396, %parallel_loop3A_403 : vector<16xf32>
        %parallel_loop3A_405 = arith.mulf %parallel_loop3A_268, %parallel_loop3A_268 : vector<16xf32>
        %parallel_loop3A_406 = arith.addf %parallel_loop3A_398, %parallel_loop3A_405 : vector<16xf32>
        %parallel_loop3A_407 = arith.mulf %parallel_loop3A_276, %parallel_loop3A_276 : vector<16xf32>
        %parallel_loop3A_408 = arith.addf %parallel_loop3A_400, %parallel_loop3A_407 : vector<16xf32>
        %parallel_loop3A_409 = arith.mulf %parallel_loop3A_284, %parallel_loop3A_284 : vector<16xf32>
        %parallel_loop3A_410 = arith.addf %parallel_loop3A_402, %parallel_loop3A_409 : vector<16xf32>
        %parallel_loop3A_411 = arith.mulf %parallel_loop3A_292, %parallel_loop3A_292 : vector<16xf32>
        %parallel_loop3A_412 = arith.addf %parallel_loop3A_404, %parallel_loop3A_411 : vector<16xf32>
        %parallel_loop3A_413 = arith.mulf %parallel_loop3A_300, %parallel_loop3A_300 : vector<16xf32>
        %parallel_loop3A_414 = arith.addf %parallel_loop3A_406, %parallel_loop3A_413 : vector<16xf32>
        %parallel_loop3A_415 = arith.mulf %parallel_loop3A_308, %parallel_loop3A_308 : vector<16xf32>
        %parallel_loop3A_416 = arith.addf %parallel_loop3A_408, %parallel_loop3A_415 : vector<16xf32>
        %parallel_loop3A_417 = arith.mulf %parallel_loop3A_316, %parallel_loop3A_316 : vector<16xf32>
        %parallel_loop3A_418 = arith.addf %parallel_loop3A_410, %parallel_loop3A_417 : vector<16xf32>
        %parallel_loop3A_419 = arith.mulf %parallel_loop3A_324, %parallel_loop3A_324 : vector<16xf32>
        %parallel_loop3A_420 = arith.addf %parallel_loop3A_412, %parallel_loop3A_419 : vector<16xf32>
        %parallel_loop3A_421 = arith.mulf %parallel_loop3A_332, %parallel_loop3A_332 : vector<16xf32>
        %parallel_loop3A_422 = arith.addf %parallel_loop3A_414, %parallel_loop3A_421 : vector<16xf32>
        %parallel_loop3A_423 = arith.mulf %parallel_loop3A_340, %parallel_loop3A_340 : vector<16xf32>
        %parallel_loop3A_424 = arith.addf %parallel_loop3A_416, %parallel_loop3A_423 : vector<16xf32>
        %parallel_loop3A_425 = arith.mulf %parallel_loop3A_348, %parallel_loop3A_348 : vector<16xf32>
        %parallel_loop3A_426 = arith.addf %parallel_loop3A_418, %parallel_loop3A_425 : vector<16xf32>
        %parallel_loop3A_427 = arith.mulf %parallel_loop3A_356, %parallel_loop3A_356 : vector<16xf32>
        %parallel_loop3A_428 = arith.addf %parallel_loop3A_420, %parallel_loop3A_427 : vector<16xf32>
        %parallel_loop3A_429 = arith.mulf %parallel_loop3A_364, %parallel_loop3A_364 : vector<16xf32>
        %parallel_loop3A_430 = arith.addf %parallel_loop3A_422, %parallel_loop3A_429 : vector<16xf32>
        %parallel_loop3A_431 = arith.mulf %parallel_loop3A_372, %parallel_loop3A_372 : vector<16xf32>
        %parallel_loop3A_432 = arith.addf %parallel_loop3A_424, %parallel_loop3A_431 : vector<16xf32>
        %parallel_loop3A_433 = arith.addf %parallel_loop3A_426, %parallel_loop3A_428 : vector<16xf32>
        %parallel_loop3A_434 = arith.addf %parallel_loop3A_430, %parallel_loop3A_432 : vector<16xf32>
        %parallel_loop3A_435 = arith.addf %parallel_loop3A_433, %parallel_loop3A_434 : vector<16xf32>
        %parallel_loop3A_436 = arith.constant 0 : i32
        %parallel_loop3A_437 = vector.broadcast %parallel_loop3A_436 : i32 to vector<16xi32>
        %parallel_loop3A_438 = arith.cmpi slt, %xor3A_39, %parallel_loop3A_437 : vector<16xi32>
        %parallel_loop3A_439 = arith.constant 16 : i32
        %parallel_loop3A_440 = vector.broadcast %parallel_loop3A_439 : i32 to vector<16xi32>
        %parallel_loop3A_441 = arith.addi %xor3A_39, %parallel_loop3A_440 : vector<16xi32>
        %parallel_loop3A_442 = arith.select %parallel_loop3A_438, %parallel_loop3A_441, %xor3A_39 : vector<16xi1>, vector<16xi32>
        %parallel_loop3A_443 = vector.shape_cast %parallel_loop3A_442 : vector<16xi32> to vector<16x1xi32>
        %parallel_loop3A_444 = vector.shape_cast %parallel_loop3A_443 : vector<16x1xi32> to vector<16xi32>
        %parallel_loop3A_445 = tpu.dynamic_gather %parallel_loop3A_435[%parallel_loop3A_444] in [0] : vector<16xf32>, vector<16xi32> -> vector<16xf32>
        %parallel_loop3A_446 = arith.addf %parallel_loop3A_435, %parallel_loop3A_445 : vector<16xf32>
        %parallel_loop3A_447 = arith.constant 0 : i32
        %parallel_loop3A_448 = vector.broadcast %parallel_loop3A_447 : i32 to vector<16xi32>
        %parallel_loop3A_449 = arith.cmpi slt, %xor3A_42, %parallel_loop3A_448 : vector<16xi32>
        %parallel_loop3A_450 = arith.constant 16 : i32
        %parallel_loop3A_451 = vector.broadcast %parallel_loop3A_450 : i32 to vector<16xi32>
        %parallel_loop3A_452 = arith.addi %xor3A_42, %parallel_loop3A_451 : vector<16xi32>
        %parallel_loop3A_453 = arith.select %parallel_loop3A_449, %parallel_loop3A_452, %xor3A_42 : vector<16xi1>, vector<16xi32>
        %parallel_loop3A_454 = vector.shape_cast %parallel_loop3A_453 : vector<16xi32> to vector<16x1xi32>
        %parallel_loop3A_455 = vector.shape_cast %parallel_loop3A_454 : vector<16x1xi32> to vector<16xi32>
        %parallel_loop3A_456 = tpu.dynamic_gather %parallel_loop3A_446[%parallel_loop3A_455] in [0] : vector<16xf32>, vector<16xi32> -> vector<16xf32>
        %parallel_loop3A_457 = arith.addf %parallel_loop3A_446, %parallel_loop3A_456 : vector<16xf32>
        %parallel_loop3A_458 = arith.constant 0 : i32
        %parallel_loop3A_459 = vector.broadcast %parallel_loop3A_458 : i32 to vector<16xi32>
        %parallel_loop3A_460 = arith.cmpi slt, %xor3A_45, %parallel_loop3A_459 : vector<16xi32>
        %parallel_loop3A_461 = arith.constant 16 : i32
        %parallel_loop3A_462 = vector.broadcast %parallel_loop3A_461 : i32 to vector<16xi32>
        %parallel_loop3A_463 = arith.addi %xor3A_45, %parallel_loop3A_462 : vector<16xi32>
        %parallel_loop3A_464 = arith.select %parallel_loop3A_460, %parallel_loop3A_463, %xor3A_45 : vector<16xi1>, vector<16xi32>
        %parallel_loop3A_465 = vector.shape_cast %parallel_loop3A_464 : vector<16xi32> to vector<16x1xi32>
        %parallel_loop3A_466 = vector.shape_cast %parallel_loop3A_465 : vector<16x1xi32> to vector<16xi32>
        %parallel_loop3A_467 = tpu.dynamic_gather %parallel_loop3A_457[%parallel_loop3A_466] in [0] : vector<16xf32>, vector<16xi32> -> vector<16xf32>
        %parallel_loop3A_468 = arith.addf %parallel_loop3A_457, %parallel_loop3A_467 : vector<16xf32>
        %parallel_loop3A_469 = arith.constant 0 : i32
        %parallel_loop3A_470 = vector.broadcast %parallel_loop3A_469 : i32 to vector<16xi32>
        %parallel_loop3A_471 = arith.cmpi slt, %xor3A_48, %parallel_loop3A_470 : vector<16xi32>
        %parallel_loop3A_472 = arith.constant 16 : i32
        %parallel_loop3A_473 = vector.broadcast %parallel_loop3A_472 : i32 to vector<16xi32>
        %parallel_loop3A_474 = arith.addi %xor3A_48, %parallel_loop3A_473 : vector<16xi32>
        %parallel_loop3A_475 = arith.select %parallel_loop3A_471, %parallel_loop3A_474, %xor3A_48 : vector<16xi1>, vector<16xi32>
        %parallel_loop3A_476 = vector.shape_cast %parallel_loop3A_475 : vector<16xi32> to vector<16x1xi32>
        %parallel_loop3A_477 = vector.shape_cast %parallel_loop3A_476 : vector<16x1xi32> to vector<16xi32>
        %parallel_loop3A_478 = tpu.dynamic_gather %parallel_loop3A_468[%parallel_loop3A_477] in [0] : vector<16xf32>, vector<16xi32> -> vector<16xf32>
        %parallel_loop3A_479 = arith.addf %parallel_loop3A_468, %parallel_loop3A_478 : vector<16xf32>
        %parallel_loop3A_480 = tpu.bitcast %parallel_loop3A_479 : vector<16xf32> -> vector<16xi32>
        %parallel_loop3A_481 = arith.constant 1597463007 : i32
        %parallel_loop3A_482 = vector.broadcast %parallel_loop3A_481 : i32 to vector<16xi32>
        %parallel_loop3A_483 = arith.constant 1 : i32
        %parallel_loop3A_484 = vector.broadcast %parallel_loop3A_483 : i32 to vector<16xi32>
        %parallel_loop3A_485 = arith.shrsi %parallel_loop3A_480, %parallel_loop3A_484 : vector<16xi32>
        %parallel_loop3A_486 = arith.subi %parallel_loop3A_482, %parallel_loop3A_485 : vector<16xi32>
        %parallel_loop3A_487 = tpu.bitcast %parallel_loop3A_486 : vector<16xi32> -> vector<16xf32>
        %parallel_loop3A_488 = arith.constant 5.000000e-01 : f32
        %parallel_loop3A_489 = vector.broadcast %parallel_loop3A_488 : f32 to vector<16xf32>
        %parallel_loop3A_490 = arith.mulf %parallel_loop3A_479, %parallel_loop3A_489 : vector<16xf32>
        %parallel_loop3A_491 = arith.mulf %parallel_loop3A_490, %parallel_loop3A_487 : vector<16xf32>
        %parallel_loop3A_492 = arith.mulf %parallel_loop3A_491, %parallel_loop3A_487 : vector<16xf32>
        %parallel_loop3A_493 = arith.constant 1.500000e+00 : f32
        %parallel_loop3A_494 = vector.broadcast %parallel_loop3A_493 : f32 to vector<16xf32>
        %parallel_loop3A_495 = arith.subf %parallel_loop3A_494, %parallel_loop3A_492 : vector<16xf32>
        %parallel_loop3A_496 = arith.mulf %parallel_loop3A_487, %parallel_loop3A_495 : vector<16xf32>
        %parallel_loop3A_497 = arith.mulf %parallel_loop3A_490, %parallel_loop3A_496 : vector<16xf32>
        %parallel_loop3A_498 = arith.mulf %parallel_loop3A_497, %parallel_loop3A_496 : vector<16xf32>
        %parallel_loop3A_499 = arith.constant 1.500000e+00 : f32
        %parallel_loop3A_500 = vector.broadcast %parallel_loop3A_499 : f32 to vector<16xf32>
        %parallel_loop3A_501 = arith.subf %parallel_loop3A_500, %parallel_loop3A_498 : vector<16xf32>
        %parallel_loop3A_502 = arith.mulf %parallel_loop3A_496, %parallel_loop3A_501 : vector<16xf32>
        %parallel_loop3A_503 = arith.mulf %parallel_loop3A_490, %parallel_loop3A_502 : vector<16xf32>
        %parallel_loop3A_504 = arith.mulf %parallel_loop3A_503, %parallel_loop3A_502 : vector<16xf32>
        %parallel_loop3A_505 = arith.constant 1.500000e+00 : f32
        %parallel_loop3A_506 = vector.broadcast %parallel_loop3A_505 : f32 to vector<16xf32>
        %parallel_loop3A_507 = arith.subf %parallel_loop3A_506, %parallel_loop3A_504 : vector<16xf32>
        %parallel_loop3A_508 = arith.mulf %parallel_loop3A_502, %parallel_loop3A_507 : vector<16xf32>
        %parallel_loop3A_509 = arith.mulf %parallel_loop3A_124, %parallel_loop3A_508 : vector<16xf32>
        %parallel_loop3A_510 = arith.constant 0 : index
        %parallel_loop3A_511 = tpu.vector_load %arg5[%parallel_loop3A_510] {strides = array<i32>} : memref<512xf32, #tpu.memory_space<vmem>>, vector<16xf32>,
        %parallel_loop3A_512 = vector.shape_cast %parallel_loop3A_511 : vector<16xf32> to vector<16xf32>
        %parallel_loop3A_513 = vector.shape_cast %parallel_loop3A_509 : vector<16xf32> to vector<16xf32>
        tpu.vector_store %arg5[%parallel_loop3A_510], %parallel_loop3A_513 {add = true, strides = array<i32>} : memref<512xf32, #tpu.memory_space<vmem>>, vector<16xf32>,
        %parallel_loop3A_514 = arith.mulf %parallel_loop3A_132, %parallel_loop3A_508 : vector<16xf32>
        %parallel_loop3A_515 = arith.constant 16 : index
        %parallel_loop3A_516 = tpu.vector_load %arg5[%parallel_loop3A_515] {strides = array<i32>} : memref<512xf32, #tpu.memory_space<vmem>>, vector<16xf32>,
        %parallel_loop3A_517 = vector.shape_cast %parallel_loop3A_516 : vector<16xf32> to vector<16xf32>
        %parallel_loop3A_518 = vector.shape_cast %parallel_loop3A_514 : vector<16xf32> to vector<16xf32>
        tpu.vector_store %arg5[%parallel_loop3A_515], %parallel_loop3A_518 {add = true, strides = array<i32>} : memref<512xf32, #tpu.memory_space<vmem>>, vector<16xf32>,
        %parallel_loop3A_519 = arith.mulf %parallel_loop3A_140, %parallel_loop3A_508 : vector<16xf32>
        %parallel_loop3A_520 = arith.constant 32 : index
        %parallel_loop3A_521 = tpu.vector_load %arg5[%parallel_loop3A_520] {strides = array<i32>} : memref<512xf32, #tpu.memory_space<vmem>>, vector<16xf32>,
        %parallel_loop3A_522 = vector.shape_cast %parallel_loop3A_521 : vector<16xf32> to vector<16xf32>
        %parallel_loop3A_523 = vector.shape_cast %parallel_loop3A_519 : vector<16xf32> to vector<16xf32>
        tpu.vector_store %arg5[%parallel_loop3A_520], %parallel_loop3A_523 {add = true, strides = array<i32>} : memref<512xf32, #tpu.memory_space<vmem>>, vector<16xf32>,
        %parallel_loop3A_524 = arith.mulf %parallel_loop3A_148, %parallel_loop3A_508 : vector<16xf32>
        %parallel_loop3A_525 = arith.constant 48 : index
        %parallel_loop3A_526 = tpu.vector_load %arg5[%parallel_loop3A_525] {strides = array<i32>} : memref<512xf32, #tpu.memory_space<vmem>>, vector<16xf32>,
        %parallel_loop3A_527 = vector.shape_cast %parallel_loop3A_526 : vector<16xf32> to vector<16xf32>
        %parallel_loop3A_528 = vector.shape_cast %parallel_loop3A_524 : vector<16xf32> to vector<16xf32>
        tpu.vector_store %arg5[%parallel_loop3A_525], %parallel_loop3A_528 {add = true, strides = array<i32>} : memref<512xf32, #tpu.memory_space<vmem>>, vector<16xf32>,
        %parallel_loop3A_529 = arith.mulf %parallel_loop3A_156, %parallel_loop3A_508 : vector<16xf32>
        %parallel_loop3A_530 = arith.constant 64 : index
        %parallel_loop3A_531 = tpu.vector_load %arg5[%parallel_loop3A_530] {strides = array<i32>} : memref<512xf32, #tpu.memory_space<vmem>>, vector<16xf32>,
        %parallel_loop3A_532 = vector.shape_cast %parallel_loop3A_531 : vector<16xf32> to vector<16xf32>
        %parallel_loop3A_533 = vector.shape_cast %parallel_loop3A_529 : vector<16xf32> to vector<16xf32>
        tpu.vector_store %arg5[%parallel_loop3A_530], %parallel_loop3A_533 {add = true, strides = array<i32>} : memref<512xf32, #tpu.memory_space<vmem>>, vector<16xf32>,
        %parallel_loop3A_534 = arith.mulf %parallel_loop3A_164, %parallel_loop3A_508 : vector<16xf32>
        %parallel_loop3A_535 = arith.constant 80 : index
        %parallel_loop3A_536 = tpu.vector_load %arg5[%parallel_loop3A_535] {strides = array<i32>} : memref<512xf32, #tpu.memory_space<vmem>>, vector<16xf32>,
        %parallel_loop3A_537 = vector.shape_cast %parallel_loop3A_536 : vector<16xf32> to vector<16xf32>
        %parallel_loop3A_538 = vector.shape_cast %parallel_loop3A_534 : vector<16xf32> to vector<16xf32>
        tpu.vector_store %arg5[%parallel_loop3A_535], %parallel_loop3A_538 {add = true, strides = array<i32>} : memref<512xf32, #tpu.memory_space<vmem>>, vector<16xf32>,
        %parallel_loop3A_539 = arith.mulf %parallel_loop3A_172, %parallel_loop3A_508 : vector<16xf32>
        %parallel_loop3A_540 = arith.constant 96 : index
        %parallel_loop3A_541 = tpu.vector_load %arg5[%parallel_loop3A_540] {strides = array<i32>} : memref<512xf32, #tpu.memory_space<vmem>>, vector<16xf32>,
        %parallel_loop3A_542 = vector.shape_cast %parallel_loop3A_541 : vector<16xf32> to vector<16xf32>
        %parallel_loop3A_543 = vector.shape_cast %parallel_loop3A_539 : vector<16xf32> to vector<16xf32>
        tpu.vector_store %arg5[%parallel_loop3A_540], %parallel_loop3A_543 {add = true, strides = array<i32>} : memref<512xf32, #tpu.memory_space<vmem>>, vector<16xf32>,
        %parallel_loop3A_544 = arith.mulf %parallel_loop3A_180, %parallel_loop3A_508 : vector<16xf32>
        %parallel_loop3A_545 = arith.constant 112 : index
        %parallel_loop3A_546 = tpu.vector_load %arg5[%parallel_loop3A_545] {strides = array<i32>} : memref<512xf32, #tpu.memory_space<vmem>>, vector<16xf32>,
        %parallel_loop3A_547 = vector.shape_cast %parallel_loop3A_546 : vector<16xf32> to vector<16xf32>
        %parallel_loop3A_548 = vector.shape_cast %parallel_loop3A_544 : vector<16xf32> to vector<16xf32>
        tpu.vector_store %arg5[%parallel_loop3A_545], %parallel_loop3A_548 {add = true, strides = array<i32>} : memref<512xf32, #tpu.memory_space<vmem>>, vector<16xf32>,
        %parallel_loop3A_549 = arith.mulf %parallel_loop3A_188, %parallel_loop3A_508 : vector<16xf32>
        %parallel_loop3A_550 = arith.constant 128 : index
        %parallel_loop3A_551 = tpu.vector_load %arg5[%parallel_loop3A_550] {strides = array<i32>} : memref<512xf32, #tpu.memory_space<vmem>>, vector<16xf32>,
        %parallel_loop3A_552 = vector.shape_cast %parallel_loop3A_551 : vector<16xf32> to vector<16xf32>
        %parallel_loop3A_553 = vector.shape_cast %parallel_loop3A_549 : vector<16xf32> to vector<16xf32>
        tpu.vector_store %arg5[%parallel_loop3A_550], %parallel_loop3A_553 {add = true, strides = array<i32>} : memref<512xf32, #tpu.memory_space<vmem>>, vector<16xf32>,
        %parallel_loop3A_554 = arith.mulf %parallel_loop3A_196, %parallel_loop3A_508 : vector<16xf32>
        %parallel_loop3A_555 = arith.constant 144 : index
        %parallel_loop3A_556 = tpu.vector_load %arg5[%parallel_loop3A_555] {strides = array<i32>} : memref<512xf32, #tpu.memory_space<vmem>>, vector<16xf32>,
        %parallel_loop3A_557 = vector.shape_cast %parallel_loop3A_556 : vector<16xf32> to vector<16xf32>
        %parallel_loop3A_558 = vector.shape_cast %parallel_loop3A_554 : vector<16xf32> to vector<16xf32>
        tpu.vector_store %arg5[%parallel_loop3A_555], %parallel_loop3A_558 {add = true, strides = array<i32>} : memref<512xf32, #tpu.memory_space<vmem>>, vector<16xf32>,
        %parallel_loop3A_559 = arith.mulf %parallel_loop3A_204, %parallel_loop3A_508 : vector<16xf32>
        %parallel_loop3A_560 = arith.constant 160 : index
        %parallel_loop3A_561 = tpu.vector_load %arg5[%parallel_loop3A_560] {strides = array<i32>} : memref<512xf32, #tpu.memory_space<vmem>>, vector<16xf32>,
        %parallel_loop3A_562 = vector.shape_cast %parallel_loop3A_561 : vector<16xf32> to vector<16xf32>
        %parallel_loop3A_563 = vector.shape_cast %parallel_loop3A_559 : vector<16xf32> to vector<16xf32>
        tpu.vector_store %arg5[%parallel_loop3A_560], %parallel_loop3A_563 {add = true, strides = array<i32>} : memref<512xf32, #tpu.memory_space<vmem>>, vector<16xf32>,
        %parallel_loop3A_564 = arith.mulf %parallel_loop3A_212, %parallel_loop3A_508 : vector<16xf32>
        %parallel_loop3A_565 = arith.constant 176 : index
        %parallel_loop3A_566 = tpu.vector_load %arg5[%parallel_loop3A_565] {strides = array<i32>} : memref<512xf32, #tpu.memory_space<vmem>>, vector<16xf32>,
        %parallel_loop3A_567 = vector.shape_cast %parallel_loop3A_566 : vector<16xf32> to vector<16xf32>
        %parallel_loop3A_568 = vector.shape_cast %parallel_loop3A_564 : vector<16xf32> to vector<16xf32>
        tpu.vector_store %arg5[%parallel_loop3A_565], %parallel_loop3A_568 {add = true, strides = array<i32>} : memref<512xf32, #tpu.memory_space<vmem>>, vector<16xf32>,
        %parallel_loop3A_569 = arith.mulf %parallel_loop3A_220, %parallel_loop3A_508 : vector<16xf32>
        %parallel_loop3A_570 = arith.constant 192 : index
        %parallel_loop3A_571 = tpu.vector_load %arg5[%parallel_loop3A_570] {strides = array<i32>} : memref<512xf32, #tpu.memory_space<vmem>>, vector<16xf32>,
        %parallel_loop3A_572 = vector.shape_cast %parallel_loop3A_571 : vector<16xf32> to vector<16xf32>
        %parallel_loop3A_573 = vector.shape_cast %parallel_loop3A_569 : vector<16xf32> to vector<16xf32>
        tpu.vector_store %arg5[%parallel_loop3A_570], %parallel_loop3A_573 {add = true, strides = array<i32>} : memref<512xf32, #tpu.memory_space<vmem>>, vector<16xf32>,
        %parallel_loop3A_574 = arith.mulf %parallel_loop3A_228, %parallel_loop3A_508 : vector<16xf32>
        %parallel_loop3A_575 = arith.constant 208 : index
        %parallel_loop3A_576 = tpu.vector_load %arg5[%parallel_loop3A_575] {strides = array<i32>} : memref<512xf32, #tpu.memory_space<vmem>>, vector<16xf32>,
        %parallel_loop3A_577 = vector.shape_cast %parallel_loop3A_576 : vector<16xf32> to vector<16xf32>
        %parallel_loop3A_578 = vector.shape_cast %parallel_loop3A_574 : vector<16xf32> to vector<16xf32>
        tpu.vector_store %arg5[%parallel_loop3A_575], %parallel_loop3A_578 {add = true, strides = array<i32>} : memref<512xf32, #tpu.memory_space<vmem>>, vector<16xf32>,
        %parallel_loop3A_579 = arith.mulf %parallel_loop3A_236, %parallel_loop3A_508 : vector<16xf32>
        %parallel_loop3A_580 = arith.constant 224 : index
        %parallel_loop3A_581 = tpu.vector_load %arg5[%parallel_loop3A_580] {strides = array<i32>} : memref<512xf32, #tpu.memory_space<vmem>>, vector<16xf32>,
        %parallel_loop3A_582 = vector.shape_cast %parallel_loop3A_581 : vector<16xf32> to vector<16xf32>
        %parallel_loop3A_583 = vector.shape_cast %parallel_loop3A_579 : vector<16xf32> to vector<16xf32>
        tpu.vector_store %arg5[%parallel_loop3A_580], %parallel_loop3A_583 {add = true, strides = array<i32>} : memref<512xf32, #tpu.memory_space<vmem>>, vector<16xf32>,
        %parallel_loop3A_584 = arith.mulf %parallel_loop3A_244, %parallel_loop3A_508 : vector<16xf32>
        %parallel_loop3A_585 = arith.constant 240 : index
        %parallel_loop3A_586 = tpu.vector_load %arg5[%parallel_loop3A_585] {strides = array<i32>} : memref<512xf32, #tpu.memory_space<vmem>>, vector<16xf32>,
        %parallel_loop3A_587 = vector.shape_cast %parallel_loop3A_586 : vector<16xf32> to vector<16xf32>
        %parallel_loop3A_588 = vector.shape_cast %parallel_loop3A_584 : vector<16xf32> to vector<16xf32>
        tpu.vector_store %arg5[%parallel_loop3A_585], %parallel_loop3A_588 {add = true, strides = array<i32>} : memref<512xf32, #tpu.memory_space<vmem>>, vector<16xf32>,
        %parallel_loop3A_589 = arith.mulf %parallel_loop3A_252, %parallel_loop3A_508 : vector<16xf32>
        %parallel_loop3A_590 = arith.constant 256 : index
        %parallel_loop3A_591 = tpu.vector_load %arg5[%parallel_loop3A_590] {strides = array<i32>} : memref<512xf32, #tpu.memory_space<vmem>>, vector<16xf32>,
        %parallel_loop3A_592 = vector.shape_cast %parallel_loop3A_591 : vector<16xf32> to vector<16xf32>
        %parallel_loop3A_593 = vector.shape_cast %parallel_loop3A_589 : vector<16xf32> to vector<16xf32>
        tpu.vector_store %arg5[%parallel_loop3A_590], %parallel_loop3A_593 {add = true, strides = array<i32>} : memref<512xf32, #tpu.memory_space<vmem>>, vector<16xf32>,
        %parallel_loop3A_594 = arith.mulf %parallel_loop3A_260, %parallel_loop3A_508 : vector<16xf32>
        %parallel_loop3A_595 = arith.constant 272 : index
        %parallel_loop3A_596 = tpu.vector_load %arg5[%parallel_loop3A_595] {strides = array<i32>} : memref<512xf32, #tpu.memory_space<vmem>>, vector<16xf32>,
        %parallel_loop3A_597 = vector.shape_cast %parallel_loop3A_596 : vector<16xf32> to vector<16xf32>
        %parallel_loop3A_598 = vector.shape_cast %parallel_loop3A_594 : vector<16xf32> to vector<16xf32>
        tpu.vector_store %arg5[%parallel_loop3A_595], %parallel_loop3A_598 {add = true, strides = array<i32>} : memref<512xf32, #tpu.memory_space<vmem>>, vector<16xf32>,
        %parallel_loop3A_599 = arith.mulf %parallel_loop3A_268, %parallel_loop3A_508 : vector<16xf32>
        %parallel_loop3A_600 = arith.constant 288 : index
        %parallel_loop3A_601 = tpu.vector_load %arg5[%parallel_loop3A_600] {strides = array<i32>} : memref<512xf32, #tpu.memory_space<vmem>>, vector<16xf32>,
        %parallel_loop3A_602 = vector.shape_cast %parallel_loop3A_601 : vector<16xf32> to vector<16xf32>
        %parallel_loop3A_603 = vector.shape_cast %parallel_loop3A_599 : vector<16xf32> to vector<16xf32>
        tpu.vector_store %arg5[%parallel_loop3A_600], %parallel_loop3A_603 {add = true, strides = array<i32>} : memref<512xf32, #tpu.memory_space<vmem>>, vector<16xf32>,
        %parallel_loop3A_604 = arith.mulf %parallel_loop3A_276, %parallel_loop3A_508 : vector<16xf32>
        %parallel_loop3A_605 = arith.constant 304 : index
        %parallel_loop3A_606 = tpu.vector_load %arg5[%parallel_loop3A_605] {strides = array<i32>} : memref<512xf32, #tpu.memory_space<vmem>>, vector<16xf32>,
        %parallel_loop3A_607 = vector.shape_cast %parallel_loop3A_606 : vector<16xf32> to vector<16xf32>
        %parallel_loop3A_608 = vector.shape_cast %parallel_loop3A_604 : vector<16xf32> to vector<16xf32>
        tpu.vector_store %arg5[%parallel_loop3A_605], %parallel_loop3A_608 {add = true, strides = array<i32>} : memref<512xf32, #tpu.memory_space<vmem>>, vector<16xf32>,
        %parallel_loop3A_609 = arith.mulf %parallel_loop3A_284, %parallel_loop3A_508 : vector<16xf32>
        %parallel_loop3A_610 = arith.constant 320 : index
        %parallel_loop3A_611 = tpu.vector_load %arg5[%parallel_loop3A_610] {strides = array<i32>} : memref<512xf32, #tpu.memory_space<vmem>>, vector<16xf32>,
        %parallel_loop3A_612 = vector.shape_cast %parallel_loop3A_611 : vector<16xf32> to vector<16xf32>
        %parallel_loop3A_613 = vector.shape_cast %parallel_loop3A_609 : vector<16xf32> to vector<16xf32>
        tpu.vector_store %arg5[%parallel_loop3A_610], %parallel_loop3A_613 {add = true, strides = array<i32>} : memref<512xf32, #tpu.memory_space<vmem>>, vector<16xf32>,
        %parallel_loop3A_614 = arith.mulf %parallel_loop3A_292, %parallel_loop3A_508 : vector<16xf32>
        %parallel_loop3A_615 = arith.constant 336 : index
        %parallel_loop3A_616 = tpu.vector_load %arg5[%parallel_loop3A_615] {strides = array<i32>} : memref<512xf32, #tpu.memory_space<vmem>>, vector<16xf32>,
        %parallel_loop3A_617 = vector.shape_cast %parallel_loop3A_616 : vector<16xf32> to vector<16xf32>
        %parallel_loop3A_618 = vector.shape_cast %parallel_loop3A_614 : vector<16xf32> to vector<16xf32>
        tpu.vector_store %arg5[%parallel_loop3A_615], %parallel_loop3A_618 {add = true, strides = array<i32>} : memref<512xf32, #tpu.memory_space<vmem>>, vector<16xf32>,
        %parallel_loop3A_619 = arith.mulf %parallel_loop3A_300, %parallel_loop3A_508 : vector<16xf32>
        %parallel_loop3A_620 = arith.constant 352 : index
        %parallel_loop3A_621 = tpu.vector_load %arg5[%parallel_loop3A_620] {strides = array<i32>} : memref<512xf32, #tpu.memory_space<vmem>>, vector<16xf32>,
        %parallel_loop3A_622 = vector.shape_cast %parallel_loop3A_621 : vector<16xf32> to vector<16xf32>
        %parallel_loop3A_623 = vector.shape_cast %parallel_loop3A_619 : vector<16xf32> to vector<16xf32>
        tpu.vector_store %arg5[%parallel_loop3A_620], %parallel_loop3A_623 {add = true, strides = array<i32>} : memref<512xf32, #tpu.memory_space<vmem>>, vector<16xf32>,
        %parallel_loop3A_624 = arith.mulf %parallel_loop3A_308, %parallel_loop3A_508 : vector<16xf32>
        %parallel_loop3A_625 = arith.constant 368 : index
        %parallel_loop3A_626 = tpu.vector_load %arg5[%parallel_loop3A_625] {strides = array<i32>} : memref<512xf32, #tpu.memory_space<vmem>>, vector<16xf32>,
        %parallel_loop3A_627 = vector.shape_cast %parallel_loop3A_626 : vector<16xf32> to vector<16xf32>
        %parallel_loop3A_628 = vector.shape_cast %parallel_loop3A_624 : vector<16xf32> to vector<16xf32>
        tpu.vector_store %arg5[%parallel_loop3A_625], %parallel_loop3A_628 {add = true, strides = array<i32>} : memref<512xf32, #tpu.memory_space<vmem>>, vector<16xf32>,
        %parallel_loop3A_629 = arith.mulf %parallel_loop3A_316, %parallel_loop3A_508 : vector<16xf32>
        %parallel_loop3A_630 = arith.constant 384 : index
        %parallel_loop3A_631 = tpu.vector_load %arg5[%parallel_loop3A_630] {strides = array<i32>} : memref<512xf32, #tpu.memory_space<vmem>>, vector<16xf32>,
        %parallel_loop3A_632 = vector.shape_cast %parallel_loop3A_631 : vector<16xf32> to vector<16xf32>
        %parallel_loop3A_633 = vector.shape_cast %parallel_loop3A_629 : vector<16xf32> to vector<16xf32>
        tpu.vector_store %arg5[%parallel_loop3A_630], %parallel_loop3A_633 {add = true, strides = array<i32>} : memref<512xf32, #tpu.memory_space<vmem>>, vector<16xf32>,
        %parallel_loop3A_634 = arith.mulf %parallel_loop3A_324, %parallel_loop3A_508 : vector<16xf32>
        %parallel_loop3A_635 = arith.constant 400 : index
        %parallel_loop3A_636 = tpu.vector_load %arg5[%parallel_loop3A_635] {strides = array<i32>} : memref<512xf32, #tpu.memory_space<vmem>>, vector<16xf32>,
        %parallel_loop3A_637 = vector.shape_cast %parallel_loop3A_636 : vector<16xf32> to vector<16xf32>
        %parallel_loop3A_638 = vector.shape_cast %parallel_loop3A_634 : vector<16xf32> to vector<16xf32>
        tpu.vector_store %arg5[%parallel_loop3A_635], %parallel_loop3A_638 {add = true, strides = array<i32>} : memref<512xf32, #tpu.memory_space<vmem>>, vector<16xf32>,
        %parallel_loop3A_639 = arith.mulf %parallel_loop3A_332, %parallel_loop3A_508 : vector<16xf32>
        %parallel_loop3A_640 = arith.constant 416 : index
        %parallel_loop3A_641 = tpu.vector_load %arg5[%parallel_loop3A_640] {strides = array<i32>} : memref<512xf32, #tpu.memory_space<vmem>>, vector<16xf32>,
        %parallel_loop3A_642 = vector.shape_cast %parallel_loop3A_641 : vector<16xf32> to vector<16xf32>
        %parallel_loop3A_643 = vector.shape_cast %parallel_loop3A_639 : vector<16xf32> to vector<16xf32>
        tpu.vector_store %arg5[%parallel_loop3A_640], %parallel_loop3A_643 {add = true, strides = array<i32>} : memref<512xf32, #tpu.memory_space<vmem>>, vector<16xf32>,
        %parallel_loop3A_644 = arith.mulf %parallel_loop3A_340, %parallel_loop3A_508 : vector<16xf32>
        %parallel_loop3A_645 = arith.constant 432 : index
        %parallel_loop3A_646 = tpu.vector_load %arg5[%parallel_loop3A_645] {strides = array<i32>} : memref<512xf32, #tpu.memory_space<vmem>>, vector<16xf32>,
        %parallel_loop3A_647 = vector.shape_cast %parallel_loop3A_646 : vector<16xf32> to vector<16xf32>
        %parallel_loop3A_648 = vector.shape_cast %parallel_loop3A_644 : vector<16xf32> to vector<16xf32>
        tpu.vector_store %arg5[%parallel_loop3A_645], %parallel_loop3A_648 {add = true, strides = array<i32>} : memref<512xf32, #tpu.memory_space<vmem>>, vector<16xf32>,
        %parallel_loop3A_649 = arith.mulf %parallel_loop3A_348, %parallel_loop3A_508 : vector<16xf32>
        %parallel_loop3A_650 = arith.constant 448 : index
        %parallel_loop3A_651 = tpu.vector_load %arg5[%parallel_loop3A_650] {strides = array<i32>} : memref<512xf32, #tpu.memory_space<vmem>>, vector<16xf32>,
        %parallel_loop3A_652 = vector.shape_cast %parallel_loop3A_651 : vector<16xf32> to vector<16xf32>
        %parallel_loop3A_653 = vector.shape_cast %parallel_loop3A_649 : vector<16xf32> to vector<16xf32>
        tpu.vector_store %arg5[%parallel_loop3A_650], %parallel_loop3A_653 {add = true, strides = array<i32>} : memref<512xf32, #tpu.memory_space<vmem>>, vector<16xf32>,
        %parallel_loop3A_654 = arith.mulf %parallel_loop3A_356, %parallel_loop3A_508 : vector<16xf32>
        %parallel_loop3A_655 = arith.constant 464 : index
        %parallel_loop3A_656 = tpu.vector_load %arg5[%parallel_loop3A_655] {strides = array<i32>} : memref<512xf32, #tpu.memory_space<vmem>>, vector<16xf32>,
        %parallel_loop3A_657 = vector.shape_cast %parallel_loop3A_656 : vector<16xf32> to vector<16xf32>
        %parallel_loop3A_658 = vector.shape_cast %parallel_loop3A_654 : vector<16xf32> to vector<16xf32>
        tpu.vector_store %arg5[%parallel_loop3A_655], %parallel_loop3A_658 {add = true, strides = array<i32>} : memref<512xf32, #tpu.memory_space<vmem>>, vector<16xf32>,
        %parallel_loop3A_659 = arith.mulf %parallel_loop3A_364, %parallel_loop3A_508 : vector<16xf32>
        %parallel_loop3A_660 = arith.constant 480 : index
        %parallel_loop3A_661 = tpu.vector_load %arg5[%parallel_loop3A_660] {strides = array<i32>} : memref<512xf32, #tpu.memory_space<vmem>>, vector<16xf32>,
        %parallel_loop3A_662 = vector.shape_cast %parallel_loop3A_661 : vector<16xf32> to vector<16xf32>
        %parallel_loop3A_663 = vector.shape_cast %parallel_loop3A_659 : vector<16xf32> to vector<16xf32>
        tpu.vector_store %arg5[%parallel_loop3A_660], %parallel_loop3A_663 {add = true, strides = array<i32>} : memref<512xf32, #tpu.memory_space<vmem>>, vector<16xf32>,
        %parallel_loop3A_664 = arith.mulf %parallel_loop3A_372, %parallel_loop3A_508 : vector<16xf32>
        %parallel_loop3A_665 = arith.constant 496 : index
        %parallel_loop3A_666 = tpu.vector_load %arg5[%parallel_loop3A_665] {strides = array<i32>} : memref<512xf32, #tpu.memory_space<vmem>>, vector<16xf32>,
        %parallel_loop3A_667 = vector.shape_cast %parallel_loop3A_666 : vector<16xf32> to vector<16xf32>
        %parallel_loop3A_668 = vector.shape_cast %parallel_loop3A_664 : vector<16xf32> to vector<16xf32>
        tpu.vector_store %arg5[%parallel_loop3A_665], %parallel_loop3A_668 {add = true, strides = array<i32>} : memref<512xf32, #tpu.memory_space<vmem>>, vector<16xf32>,
      } {sc.loop_unroll_factor = 2 : i64, sc.parallel_access}
      %add3A_108 = arith.constant 2 : i32
      %add3A_109 = arith.addi %add3A_87, %add3A_108 : i32
      %lt3A_110 = arith.constant 32 : i32
      %lt3A_111 = arith.cmpi slt, %add3A_109, %lt3A_110 : i32
      %convert_element_type3A_112 = arith.extui %lt3A_111 : i1 to i32
      %cond3A_113 = arith.constant 0 : i32
      %cond3A_114 = arith.cmpi ne, %convert_element_type3A_112, %cond3A_113 : i32
      scf.if %cond3A_114 {
        %add3A_116 = arith.constant 2 : i32
        %add3A_117 = arith.addi %add3A_87, %add3A_116 : i32
        %mul3A_118 = arith.constant 16 : i32
        %mul3A_119 = arith.muli %add3A_117, %mul3A_118 : i32
        %add3A_120 = arith.addi %mul3A_2, %mul3A_119 : i32
        %dma_start3A_121 = arith.constant 1 : i32
        %dma_start3A_122 = arith.constant 0 : i32
        %dma_start3A_123 = arith.constant 0 : i32
        %dma_start3A_124 = tpu.memref_slice %arg4[%dma_start3A_121, %dma_start3A_122, %dma_start3A_123] : memref<2x16x512xf32, #tpu.memory_space<vmem>> -> memref<1x16x512xf32, #tpu.memory_space<vmem>>
        %dma_start3A_125 = tpu.memref_squeeze %dma_start3A_124 : memref<1x16x512xf32, #tpu.memory_space<vmem>> -> memref<16x512xf32, #tpu.memory_space<vmem>>
        %dma_start3A_126 = arith.constant 0 : i32
        %dma_start3A_127 = tpu.memref_slice %arg2[%add3A_120, %dma_start3A_126] : memref<32768x512xf32, #tpu.memory_space<hbm>> -> memref<16x512xf32, #tpu.memory_space<hbm>>
        %dma_start3A_128 = arith.constant 0 : i32
        %dma_start3A_129 = arith.constant 0 : i32
        %dma_start3A_130 = tpu.memref_slice %arg4[%dma_start3A_121, %dma_start3A_128, %dma_start3A_129] : memref<2x16x512xf32, #tpu.memory_space<vmem>> -> memref<1x16x512xf32, #tpu.memory_space<vmem>>
        %dma_start3A_131 = tpu.memref_squeeze %dma_start3A_130 : memref<1x16x512xf32, #tpu.memory_space<vmem>> -> memref<16x512xf32, #tpu.memory_space<vmem>>
        %dma_start3A_132 = arith.constant 0 : i32
        %dma_start3A_133 = tpu.memref_slice %arg2[%add3A_120, %dma_start3A_132] : memref<32768x512xf32, #tpu.memory_space<hbm>> -> memref<16x512xf32, #tpu.memory_space<hbm>>
        tpu.enqueue_dma source(%dma_start3A_133 : memref<16x512xf32, #tpu.memory_space<hbm>>) target(%dma_start3A_131 : memref<16x512xf32, #tpu.memory_space<vmem>>) target_semaphore(%arg7 : memref<!tpu.dma_semaphore, #tpu.memory_space<semaphore_mem>>)
      } else {
      }
      %scan3A_115 = arith.constant 0 : i32
      scf.yield %scan3A_115 : i32
    }
    %scan3A_55 = arith.constant 16 : i32
    "tpu.region"() ({
      %run_scoped3A = tpu.sem_alloc : memref<!tpu.dma_semaphore, #tpu.memory_space<semaphore_mem>>
      %dma_start3A_56 = arith.constant 0 : i32
      %dma_start3A_57 = tpu.memref_slice %arg3[%add3A, %dma_start3A_56] : memref<32x512xf32, #tpu.memory_space<hbm>> -> memref<1x512xf32, #tpu.memory_space<hbm>>
      %dma_start3A_58 = tpu.memref_squeeze %dma_start3A_57 : memref<1x512xf32, #tpu.memory_space<hbm>> -> memref<512xf32, #tpu.memory_space<hbm>>
      %dma_start3A_59 = arith.constant 0 : i32
      %dma_start3A_60 = tpu.memref_slice %arg3[%add3A, %dma_start3A_59] : memref<32x512xf32, #tpu.memory_space<hbm>> -> memref<1x512xf32, #tpu.memory_space<hbm>>
      %dma_start3A_61 = tpu.memref_squeeze %dma_start3A_60 : memref<1x512xf32, #tpu.memory_space<hbm>> -> memref<512xf32, #tpu.memory_space<hbm>>
      tpu.enqueue_dma source(%arg5 : memref<512xf32, #tpu.memory_space<vmem>>) target(%dma_start3A_61 : memref<512xf32, #tpu.memory_space<hbm>>) target_semaphore(%run_scoped3A : memref<!tpu.dma_semaphore, #tpu.memory_space<semaphore_mem>>)
      %dma_wait3A = arith.constant 0 : i32
      %dma_wait3A_62 = tpu.memref_slice %arg3[%add3A, %dma_wait3A] : memref<32x512xf32, #tpu.memory_space<hbm>> -> memref<1x512xf32, #tpu.memory_space<hbm>>
      %dma_wait3A_63 = tpu.memref_squeeze %dma_wait3A_62 : memref<1x512xf32, #tpu.memory_space<hbm>> -> memref<512xf32, #tpu.memory_space<hbm>>
      %dma_wait3A_64 = arith.constant 0 : i32
      %dma_wait3A_65 = tpu.memref_slice %arg3[%add3A, %dma_wait3A_64] : memref<32x512xf32, #tpu.memory_space<hbm>> -> memref<1x512xf32, #tpu.memory_space<hbm>>
      %dma_wait3A_66 = tpu.memref_squeeze %dma_wait3A_65 : memref<1x512xf32, #tpu.memory_space<hbm>> -> memref<512xf32, #tpu.memory_space<hbm>>
      tpu.wait_dma2 semaphore(%run_scoped3A : memref<!tpu.dma_semaphore, #tpu.memory_space<semaphore_mem>>) src(%arg5 : memref<512xf32, #tpu.memory_space<vmem>>) dst(%dma_wait3A_66 : memref<512xf32, #tpu.memory_space<hbm>>)
      tpu.yield
    }) : () -> ()
    return
  }
}

module attributes {stable_mosaic.version = 14 : i64} {
  func.func @_classifier_body(%arg0: memref<8x4x512xf32, #tpu.memory_space<vmem>>, %arg1: memref<8x512xf32, #tpu.memory_space<vmem>>, %arg2: memref<16x1xf32, #tpu.memory_space<vmem>>, %arg3: memref<1000x512xf32, #tpu.memory_space<vmem>>, %arg4: memref<1x1000xf32, #tpu.memory_space<vmem>>, %arg5: memref<16x512xf32, #tpu.memory_space<vmem>>, %arg6: memref<16x1000xf32, #tpu.memory_space<vmem>>) attributes {dimension_semantics = [], scalar_prefetch = 0 : i64, scratch_operands = 0 : i64, tpu.core_type = #tpu.core_type<tc>} {
    %get3A = arith.constant 0 : index
    %get3A_0 = arith.constant 0 : index
    %get3A_1 = arith.constant 0 : index
    %get3A_2 = vector.load %arg0[%get3A, %get3A_0, %get3A_1] : memref<8x4x512xf32, #tpu.memory_space<vmem>>, vector<8x1x512xf32>
    %get3A_3 = vector.shape_cast %get3A_2 : vector<8x1x512xf32> to vector<8x512xf32>
    %get3A_4 = arith.constant 0 : index
    %get3A_5 = arith.constant 1 : index
    %get3A_6 = arith.constant 0 : index
    %get3A_7 = vector.load %arg0[%get3A_4, %get3A_5, %get3A_6] : memref<8x4x512xf32, #tpu.memory_space<vmem>>, vector<8x1x512xf32>
    %get3A_8 = vector.shape_cast %get3A_7 : vector<8x1x512xf32> to vector<8x512xf32>
    %add3A = arith.addf %get3A_3, %get3A_8 : vector<8x512xf32>
    %get3A_9 = arith.constant 0 : index
    %get3A_10 = arith.constant 2 : index
    %get3A_11 = arith.constant 0 : index
    %get3A_12 = vector.load %arg0[%get3A_9, %get3A_10, %get3A_11] : memref<8x4x512xf32, #tpu.memory_space<vmem>>, vector<8x1x512xf32>
    %get3A_13 = vector.shape_cast %get3A_12 : vector<8x1x512xf32> to vector<8x512xf32>
    %add3A_14 = arith.addf %add3A, %get3A_13 : vector<8x512xf32>
    %get3A_15 = arith.constant 0 : index
    %get3A_16 = arith.constant 3 : index
    %get3A_17 = arith.constant 0 : index
    %get3A_18 = vector.load %arg0[%get3A_15, %get3A_16, %get3A_17] : memref<8x4x512xf32, #tpu.memory_space<vmem>>, vector<8x1x512xf32>
    %get3A_19 = vector.shape_cast %get3A_18 : vector<8x1x512xf32> to vector<8x512xf32>
    %add3A_20 = arith.addf %add3A_14, %get3A_19 : vector<8x512xf32>
    %get3A_21 = arith.constant 0 : index
    %get3A_22 = arith.constant 0 : index
    %get3A_23 = vector.load %arg1[%get3A_21, %get3A_22] : memref<8x512xf32, #tpu.memory_space<vmem>>, vector<8x512xf32>
    %concatenate3A = tpu.concatenate %add3A_20, %get3A_23 in 0 : vector<8x512xf32>, vector<8x512xf32> -> vector<16x512xf32>
    %get3A_24 = arith.constant 0 : index
    %get3A_25 = arith.constant 0 : index
    %get3A_26 = vector.load %arg2[%get3A_24, %get3A_25] : memref<16x1xf32, #tpu.memory_space<vmem>>, vector<16x1xf32>
    %div3A = vector.broadcast %get3A_26 : vector<16x1xf32> to vector<16x512xf32>
    %div3A_27 = arith.divf %concatenate3A, %div3A : vector<16x512xf32>
    %swap3A = arith.constant 0 : index
    %swap3A_28 = arith.constant 0 : index
    %swap3A_29 = vector.load %arg5[%swap3A, %swap3A_28] : memref<16x512xf32, #tpu.memory_space<vmem>>, vector<16x512xf32>
    tpu.vector_store %arg5[%swap3A, %swap3A_28], %div3A_27 {strides = array<i32>} : memref<16x512xf32, #tpu.memory_space<vmem>>, vector<16x512xf32>,
    %get3A_30 = arith.constant 0 : index
    %get3A_31 = arith.constant 0 : index
    %get3A_32 = vector.load %arg3[%get3A_30, %get3A_31] : memref<1000x512xf32, #tpu.memory_space<vmem>>, vector<1000x512xf32>
    %dot_general3A = arith.constant dense<0.000000e+00> : vector<16x1000xf32>
    %dot_general3A_33 = tpu.matmul %div3A_27, %get3A_32, %dot_general3A {dimension_numbers = #tpu.dot_dimension_numbers<[1], [1], [0], [0], [0, 0, 1, 0], [], []>, transpose_lhs_hint = false} : vector<16x512xf32>, vector<1000x512xf32>, vector<16x1000xf32> -> vector<16x1000xf32>
    %get3A_34 = arith.constant 0 : index
    %get3A_35 = arith.constant 0 : index
    %get3A_36 = vector.load %arg4[%get3A_34, %get3A_35] : memref<1x1000xf32, #tpu.memory_space<vmem>>, vector<1x1000xf32>
    %add3A_37 = vector.broadcast %get3A_36 : vector<1x1000xf32> to vector<16x1000xf32>
    %add3A_38 = arith.addf %dot_general3A_33, %add3A_37 : vector<16x1000xf32>
    %swap3A_39 = arith.constant 0 : index
    %swap3A_40 = arith.constant 0 : index
    %swap3A_41 = vector.load %arg6[%swap3A_39, %swap3A_40] : memref<16x1000xf32, #tpu.memory_space<vmem>>, vector<16x1000xf32>
    tpu.vector_store %arg6[%swap3A_39, %swap3A_40], %add3A_38 {strides = array<i32>} : memref<16x1000xf32, #tpu.memory_space<vmem>>, vector<16x1000xf32>,
    return
  }
}

module attributes {stable_mosaic.version = 14 : i64} {
  func.func @_tc_pool_body(%arg0: i32, %arg1: memref<2048x512xf32, #tpu.memory_space<vmem>>, %arg2: memref<1x1x512xf32, #tpu.memory_space<vmem>>) attributes {dimension_semantics = [#tpu.dimension_semantics<arbitrary>], iteration_bounds = array<i64: 8>, scalar_prefetch = 0 : i64, scratch_operands = 0 : i64, tpu.core_type = #tpu.core_type<tc>, window_params = [{transform_indices = @transform_0, window_bounds = array<i64: 2048, 512>}, {transform_indices = @transform_1, window_bounds = array<i64: 1, 1, 512>}]} {
    %get3A = arith.constant 0 : index
    %get3A_0 = arith.constant 0 : index
    %get3A_1 = vector.load %arg1[%get3A, %get3A_0] : memref<2048x512xf32, #tpu.memory_space<vmem>>, vector<2048x512xf32>
    %mul3A = arith.mulf %get3A_1, %get3A_1 : vector<2048x512xf32>
    %reduce_sum3A = arith.constant dense<0.000000e+00> : vector<2048xf32>
    %reduce_sum3A_2 = vector.multi_reduction <add>, %mul3A, %reduce_sum3A [1] : vector<2048x512xf32> to vector<2048xf32>
    %broadcast_in_dim3A = vector.shape_cast %reduce_sum3A_2 : vector<2048xf32> to vector<2048x1xf32>
    %max3A = arith.constant 1.000000e-24 : f32
    %max3A_3 = vector.broadcast %max3A : f32 to vector<2048x1xf32>
    %max3A_4 = arith.maximumf %broadcast_in_dim3A, %max3A_3 : vector<2048x1xf32>
    %rsqrt3A = math.rsqrt %max3A_4 : vector<2048x1xf32>
    %mul3A_5 = vector.broadcast %rsqrt3A : vector<2048x1xf32> to vector<2048x512xf32>
    %mul3A_6 = arith.mulf %get3A_1, %mul3A_5 : vector<2048x512xf32>
    %reduce_sum3A_7 = arith.constant dense<0.000000e+00> : vector<512xf32>
    %reduce_sum3A_8 = vector.multi_reduction <add>, %mul3A_6, %reduce_sum3A_7 [0] : vector<2048x512xf32> to vector<512xf32>
    %reshape3A = vector.shape_cast %reduce_sum3A_8 : vector<512xf32> to vector<1x1x512xf32>
    %swap3A = arith.constant 0 : index
    %swap3A_9 = arith.constant 0 : index
    %swap3A_10 = arith.constant 0 : index
    %swap3A_11 = vector.load %arg2[%swap3A, %swap3A_9, %swap3A_10] : memref<1x1x512xf32, #tpu.memory_space<vmem>>, vector<1x1x512xf32>
    tpu.vector_store %arg2[%swap3A, %swap3A_9, %swap3A_10], %reshape3A {strides = array<i32>} : memref<1x1x512xf32, #tpu.memory_space<vmem>>, vector<1x1x512xf32>,
    return
  }
  func.func @transform_0(%arg0: i32) -> (i32, i32) {
    %add3A = arith.constant 8 : i32
    %add3A_0 = arith.addi %add3A, %arg0 : i32
    %c0_i32 = arith.constant 0 : i32
    %c0_i32_1 = arith.constant 0 : i32
    return %add3A_0, %c0_i32 : i32, i32
  }
  func.func @transform_1(%arg0: i32) -> (i32, i32, i32) {
    %c0_i32 = arith.constant 0 : i32
    %c0_i32_0 = arith.constant 0 : i32
    %c0_i32_1 = arith.constant 0 : i32
    return %arg0, %c0_i32, %c0_i32_0 : i32, i32, i32
  }
}

</mosaic_0001>

<sc_bundles>
// kernel: kernel.5.cloned.1.call-start
scs
__scs_entry_jumppad:
0x0: {  	(pc) =	sbr.rel $0x88, $3  }
0x1: {  	(tag) =	ssettag $0x0;
	lr =	simm.s32 $0x1  }
0x2: {  	[smem:$0x3F9D] =	sst lr;
	_ =	strace $0xD0000000  }
0x3: {  	_ = 	snop  }
0x4: {  	_ = 	snop  }
0x5: {  	_ = 	snop  }
0x6: {  	_ = 	snop  }
0x7: {  	_ = 	snop  }
__scs_overlays_trampoline_lowered:
0x8: {  	[smem:$0x3FAC] =	sst s0  }
0x9: {  	[smem:$0x3FAD] =	sst s1  }
0xa: {  	[smem:$0x3FAE] =	sst s2  }
0xb: {  	[smem:$0x3FAF] =	sst s3  }
0xc: {  	[smem:$0x3FB0] =	sst s4  }
0xd: {  	[smem:$0x3FB1] =	sst s5  }
0xe: {  	[smem:$0x3FB2] =	sst s6  }
0xf: {  	[smem:$0x3FB3] =	sst s7  }
0x10: {  	[smem:$0x3FB4] =	sst s8  }
0x11: {  	[smem:$0x3FB5] =	sst s9;
	s0 =	simm.s32 @!p0 $0x0  }
0x12: {  	s1 =	sld [smem:$0x3F9B];
	s0 =	simm.s32 @p0 $0x1  }
0x13: {  	[smem:$0x3FB6] =	sst s0;
	s0 =	simm.s32 @!p1 $0x0  }
0x14: {  	s2 =	sld [smem:$0x3F9A];
	s0 =	simm.s32 @p1 $0x1  }
0x15: {  	[smem:$0x3FB7] =	sst s0;
	s0 =	simm.s32 @!p2 $0x0  }
0x16: {  	s3 =	sld [smem:$0x3FDB];
	s0 =	simm.s32 @p2 $0x1  }
0x17: {  	s4 =	simm.s32 $0x1BF5;
	[smem:$0x3FB9] =	sst s0  }
0x18: {  	s0 =	sld [smem:$0x3F9C];
	_ =	swait.ge [sflag:s4], $0x0  }
0x19: {  	s7 =	sld [smem:$0x3F9D]  }
0x1a: {  	s8 =	sadd.s32 $0xFFFFE003, lr  }
0x1b: {  	s9 =	sadd.s32 $0xFFFFFEF7, lr;
	s5 =	simm.s32 $0xFFFFFFFF;
	p2 =	slt.u32 s8, $0xFFFFF086  }
0x1c: {  	p1 =	slt.u32 s9, $0xF7A;
	s5 =	simm.s32 @!p2 $0x0  }
0x1d: {  	s5 =	simm.s32 @p1 $0x1;
	p0 =	seq.s32 s7, s2  }
0x1e: {  	s7 =	smul.u32 @!p0 $0xF7A, s2;
	p2 =	seq.s32 @!p0 s5, $0x0  }
0x1f: {  	s9 =	smul.u32 $0xF7A, s1;
	s8 =	simm.s32 @!p0 $0x1BF5;
	p2 =	por !p2, p0  }
0x20: {  	[sflag:s8] =	ssyncset.s32 @!p0 $0xFFFFF086;
	s6 =	sadd.s32 @!p0 s3, s7;
	s7 =	simm.s32 @!p0 $0x108  }
0x21: {  	s3 =	sadd.s32 s3, s9;
	s6 =	sadd.s32 @!p0 $0x88, s6;
	s7 =	simm.s32 @p2 $0x1082  }
0x22: {  	[simem:s7], [sflag:s8] =	dma.local @!p0 [hbm:s6], $0xF7A  }
0x23: {  	s9 =	sor.u32 $0xD0000000, s2;
	s6 =	simm.s32 $0x108;
	_ =	swait.ge @!p0 [sflag:s8], $0x0  }
0x24: {  	s3 =	sadd.s32 $0x88, s3;
	s6 =	simm.s32 @!p1 $0x1082;
	[sflag:s4] =	ssyncset.s32 $0xFFFFF086  }
0x25: {  	[simem:s6], [sflag:s4] =	dma.local [hbm:s3], $0xF7A  }
0x26: {  	[smem:$0x3F9D] =	sst s1;
	(tag) =	ssettag s2;
	_ =	strace s9  }
0x27: {  	s1 =	sld [smem:$0x3FAD]  }
0x28: {  	s2 =	sld [smem:$0x3FAE]  }
0x29: {  	s4 =	sld [smem:$0x3FB0]  }
0x2a: {  	p0 =	seq.s32 s5, $0x0;
	s5 =	sld [smem:$0x3FB1]  }
0x2b: {  	s6 =	sld [smem:$0x3FB2]  }
0x2c: {  	s7 =	sld [smem:$0x3FB3]  }
0x2d: {  	s3 =	simm.s32 $0x108;
	s8 =	sld [smem:$0x3FB4]  }
0x2e: {  	s3 =	simm.s32 @!p0 $0x1082;
	s9 =	sld [smem:$0x3FB5]  }
0x2f: {  	lr =	sadd.s32 s0, s3;
	s0 =	sld [smem:$0x3FAC]  }
0x30: {  	s3 =	sld [smem:$0x3FAF]  }
0x31: {  	[smem:$0x3FB8] =	sst s10  }
0x32: {  	s10 =	sld [smem:$0x3FB6];
	_ =	sdelay $0x3  }
0x33: {  	p0 =	seq.s32 s10, $0x1;
	s10 =	sld [smem:$0x3FB8];
	_ =	sdelay $0x3  }
0x34: {  	[smem:$0x3FB8] =	sst s10  }
0x35: {  	s10 =	sld [smem:$0x3FB7];
	_ =	sdelay $0x3  }
0x36: {  	p1 =	seq.s32 s10, $0x1;
	s10 =	sld [smem:$0x3FB8];
	_ =	sdelay $0x3  }
0x37: {  	[smem:$0x3FB8] =	sst s10  }
0x38: {  	s10 =	sld [smem:$0x3FB9]  }
0x39: {  	_ = 	snop;
	(pc) =	sbr.ind lr, $3  }
0x3a: {  	_ = 	snop  }
0x3b: {  	_ = 	snop  }
0x3c: {  	p2 =	seq.s32 s10, $0x1;
	s10 =	sld [smem:$0x3FB8]  }
0x3d: {  	_ =	shalt  }
0x3e: {  	_ =	shalt  }
0x3f: {  	_ =	shalt  }
0x40: {  	_ =	shalt  }
0x41: {  	_ =	shalt  }
0x42: {  	_ =	shalt  }
0x43: {  	_ =	shalt  }
0x44: {  	_ =	shalt  }
0x45: {  	_ =	shalt  }
0x46: {  	_ =	shalt  }
0x47: {  	_ =	shalt  }
0x48: {  	_ =	shalt  }
0x49: {  	_ =	shalt  }
0x4a: {  	_ =	shalt  }
0x4b: {  	_ =	shalt  }
0x4c: {  	_ =	shalt  }
0x4d: {  	_ =	shalt  }
0x4e: {  	_ =	shalt  }
0x4f: {  	_ =	shalt  }
0x50: {  	_ =	shalt  }
0x51: {  	_ =	shalt  }
0x52: {  	_ =	shalt  }
0x53: {  	_ =	shalt  }
0x54: {  	_ =	shalt  }
0x55: {  	_ =	shalt  }
0x56: {  	_ =	shalt  }
0x57: {  	_ =	shalt  }
0x58: {  	_ =	shalt  }
0x59: {  	_ =	shalt  }
0x5a: {  	_ =	shalt  }
0x5b: {  	_ =	shalt  }
0x5c: {  	_ =	shalt  }
0x5d: {  	_ =	shalt  }
0x5e: {  	_ =	shalt  }
0x5f: {  	_ =	shalt  }
0x60: {  	_ =	shalt  }
0x61: {  	_ =	shalt  }
0x62: {  	_ =	shalt  }
0x63: {  	_ =	shalt  }
0x64: {  	_ =	shalt  }
0x65: {  	_ =	shalt  }
0x66: {  	_ =	shalt  }
0x67: {  	_ =	shalt  }
0x68: {  	_ =	shalt  }
0x69: {  	_ =	shalt  }
0x6a: {  	_ =	shalt  }
0x6b: {  	_ =	shalt  }
0x6c: {  	_ =	shalt  }
0x6d: {  	_ =	shalt  }
0x6e: {  	_ =	shalt  }
0x6f: {  	_ =	shalt  }
0x70: {  	_ =	shalt  }
0x71: {  	_ =	shalt  }
0x72: {  	_ =	shalt  }
0x73: {  	_ =	shalt  }
0x74: {  	_ =	shalt  }
0x75: {  	_ =	shalt  }
0x76: {  	_ =	shalt  }
0x77: {  	_ =	shalt  }
0x78: {  	_ =	shalt  }
0x79: {  	_ =	shalt  }
0x7a: {  	_ =	shalt  }
0x7b: {  	_ =	shalt  }
0x7c: {  	_ =	shalt  }
0x7d: {  	_ =	shalt  }
0x7e: {  	_ =	shalt  }
0x7f: {  	_ =	shalt  }
0x80: {  	_ =	shalt  }
0x81: {  	_ =	shalt  }
0x82: {  	_ =	shalt  }
0x83: {  	_ =	shalt  }
0x84: {  	_ =	shalt  }
0x85: {  	_ =	shalt  }
0x86: {  	_ =	shalt  }
0x87: {  	_ =	shalt  }
.Lfunc_end0:
.L_simem_size_0:
called_computation_lowered:
.L_overlay_start_0:
0x88: {  	s2 =	sld [smem:$0x3FD9]  }
0x89: {  	s3 =	sld [smem:$0x3FFE];
	_ =	sdelay $0x1  }
0x8a: {  	s1 =	srdreg.scid  }
0x8b: {  	s0 =	sand.u32 $0x1, s1  }
0x8c: {  	s15 =	sshll.u32 s0, $0xA;
	s2 =	sadd.s32 s3, s2  }
0x8d: {  	s2 =	sadd.s32 s2, s15  }
0x8e: {  	[smem:$0x3FC4] =	sst s2  }
0x8f: {  	_ = 	snop  }
0x90: {  	s2 =	sld [smem:$0x3FD0];
	_ =	sdelay $0x2  }
0x91: {  	s4 =	simm.s32 $0xA;
	s5 =	simm.s32 $0x10;
	s16 =	sld [smem:$0x3FC9]  }
0x92: {  	[smem:s5], [sflag:s4] =	dma.local [hbm:s2], $0x1  }
0x93: {  	_ =	swait.eq [sflag:s4], $0x1  }
0x94: {  	[sflag:s4] =	ssyncset.done $0x0  }
0x95: {  	[sflag:s4] =	ssyncadd.s32 $0xFFFFFFFF  }
0x96: {  	s17 =	sld [smem:$0x11];
	(tm) =	ssettm $0x1  }
0x97: {  	s18 =	sld [smem:$0x3FFB];
	_ =	sdelay $0x3  }
0x98: {  	_ =	strace s18  }
0x99: {  	s4 =	sld [smem:$0x3FFC];
	_ =	sdelay $0x3  }
0x9a: {  	_ =	strace s4  }
0x9b: {  	s4 =	sld [smem:$0x3FFD];
	_ =	sdelay $0x3  }
0x9c: {  	_ =	strace s4  }
0x9d: {  	_ =	strace $0x8FFFFFFF  }
0x9e: {  	s19 =	sld [smem:$0x3FDB];
	_ =	sdelay $0x1  }
0x9f: {  	s20 =	simm.s32 $_scs_section_size  }
0xa0: {  	s6 =	simm.s32 $_size__tile_overlayer_lowered;
	s7 =	simm.s32 $_tile_overlayer_lowered  }
0xa1: {  	s23 =	simm.s32 $0x1BFF;
	s22 =	sshll.u32 s7, $0x1;
	s4 =	sadd.s32 s20, s19  }
0xa2: {  	s8 =	simm.s32 $0x0;
	s21 =	sshll.u32 s6, $0x1;
	s6 =	sadd.s32 s22, s4  }
0xa3: {  	[timem:s8], [sflag:s23] =	dma.local [hbm:s6], s21  }
0xa4: {  	_ =	swait.ge [sflag:s23], s21  }
0xa5: {  	s5 =	ssub.s32 $0x0, s21;
	[sflag:s23] =	ssyncset.done $0x0  }
0xa6: {  	[sflag:s23] =	ssyncadd.s32 s5;
	_ =	sdelay $0x1  }
0xa7: {  	s24 =	simm.s32 $0x1B8B  }
0xa8: {  	_ =	swait.ge [sflag:s24], $0x1  }
0xa9: {  	[sflag:s24] =	ssyncset.done $0x0  }
0xaa: {  	s25 =	simm.s32 $0x1B8E;
	[sflag:s24] =	ssyncadd.s32 $0xFFFFFFFF  }
0xab: {  	s26 =	simm.s32 $execute0_lowered;
	[smem:$0x3FD2] =	sst s25  }
0xac: {  	s5 =	sshll.u32 s26, $0x1;
	_ =	strace $0x80000046;
	[dreg:$0x1] =	wrdreg $0xFFFFFFFF  }
0xad: {  	s28 =	simm.s32 $_size_execute0_lowered;
	s4 =	sadd.s32 s4, s5;
	[dreg:$0x0] =	wrdreg $0x0  }
0xae: {  	s5 =	sshll.u32 s28, $0x1;
	[dreg:$0x2] =	wrdreg s4  }
0xaf: {  	[dreg:$0x3] =	wrdreg s5  }
0xb0: {  	[dreg:$0x4] =	wrdreg $0xC0  }
0xb1: {  	_ =	task [dreg:s8], $0x5FFFF  }
0xb2: {  	[dreg:$0x1] =	wrdreg $0xFFFFFFFF  }
0xb3: {  	[dreg:$0x0] =	wrdreg $0x60  }
0xb4: {  	[dreg:$0x2] =	wrdreg s16  }
0xb5: {  	[dreg:$0x3] =	wrdreg s17  }
0xb6: {  	[dreg:$0x4] =	wrdreg $0x9  }
0xb7: {  	_ =	task.clear_ibuf [dreg:s8], $0x5FFFF;
	_ =	strace $0x90000046  }
0xb8: {  	s29 =	simm.s32 $0x9;
	_ =	strace $0x80000048  }
0xb9: {  	_ =	swait.ge [sflag:s29], $0x1  }
0xba: {  	[sflag:s29] =	ssyncadd.s32 $0xFFFFFFFF  }
0xbb: {  	_ =	strace $0x90000048  }
0xbc: {  	_ =	sfence  }
0xbd: {  	s30 =	sld [smem:$0x0];
	_ =	sdelay $0x2  }
0xbe: {  	s31 =	sshll.u32 s1, $0xD;
	s1 =	sshrl.u32 s1, $0x2  }
0xbf: {  	s3 =	sand.u32 $0x4000, s31;
	s1 =	sadd.s32 s1, s30  }
0xc0: {  	s0 =	sor.u32 s3, s0;
	s1 =	sshll.u32 s1, $0x11  }
0xc1: {  	s0 =	sor.u32 s1, s0  }
0xc2: {  	s0 =	sadd.s32 $0x8F2B, s0  }
0xc3: {  	[sflag:s0] =	ssyncadd.remote.s32 $0x1  }
0xc4: {  	_ =	sfence.sel $0xFFFF  }
0xc5: {  	[dreg:$0x0] =	wrdreg $0xFFFFFFFF;
	(pc) =	sbr.abs _section_cstart, $3  }
0xc6: {  	[dreg:$0x1] =	wrdreg $0xFFFFFFFF  }
0xc7: {  	_ =	task.clear_ibuf [dreg:s8], $0x2FFFF;
	_ =	strace $0x9FFFFFFF  }
0xc8: {  	(tm) =	ssettm $0x7FFFFFFF  }
0xc9: {  	_ =	shalt  }
tec
execute0_lowered:
.L_overlay_start_1:
0x0: {  	(tag) =	ssettag $0x1  }
0x1: {  	s0 =	rddreg [dreg:$0x0]  }
0x2: {  	s1 =	rddreg [dreg:$0x1];
	v0 =	vimm.s32 $0x76543210;
	v1 =	vimm.s32 $0xFEDCBA98;
	v2 =	vimm.s32 $0xBA98FEDC  }
0x3: {  	s2 =	srdreg.scid;
	s6 =	stileid.u32;
	v3 =	vimm.s32 $0x32107654;
	v4 =	vimm.s32 $0xDCFE98BA;
	v5 =	vimm.s32 $0x54761032  }
0x4: {  	s4 =	simm.s32 $0x0;
	s8 =	simm.s32 $0x4000;
	s7 =	simm.s32 $0x4020;
	v6 =	vimm.s32 $0xEFCDAB89;
	v7 =	vimm.s32 $0x67452301;
	v1 =	vunpack.c.l.s4.s8 v1  }
0x5: {  	s2 =	sand.u32 $0x1, s2;
	s3 =	sshll.u32 s6, $0x1;
	[smem:$0x7FF] =	sst s4;
	v0 =	vunpack.c.l.s4.s8 v0;
	v2 =	vunpack.c.l.s4.s8 v2;
	v3 =	vunpack.c.l.s4.s8 v3  }
0x6: {  	s28 =	sshll.u32 s6, $0x7;
	s6 =	simm.s32 $0x4010;
	s4 =	simm.s32 $0x4080;
	v4 =	vunpack.c.l.s4.s8 v4;
	v5 =	vunpack.c.l.s4.s8 v5;
	v6 =	vunpack.c.l.s4.s8 v6  }
0x7: {  	v7 =	vunpack.c.l.s4.s8 v7;
	s24 =	ssub.s32 $0x2, s2;
	s2 =	sor.u32 s2, s3;
	_ =	strace $0x80000047;
	v1 =	vunpack.c.0.s8.s32 v1;
	v2 =	vunpack.c.0.s8.s32 v2  }
0x8: {  	s25 =	sshrl.u32 s24, $0x1;
	s5 =	sshll.u32 s2, $0xF;
	s2 =	sshll.u32 s2, $0x4;
	v3 =	vunpack.c.0.s8.s32 v3;
	v4 =	vunpack.c.0.s8.s32 v4;
	v0 =	vunpack.c.0.s8.s32 v0  }
0x9: {  	v5 =	vunpack.c.0.s8.s32 v5;
	v6 =	vunpack.c.0.s8.s32 v6;
	s3 =	ssub.s32 s24, s25;
	s26 =	sadd.s32 s0, s5;
	s0 =	sand.u32 $0x600, s28;
	v1 =	vand.u32 $0xF, v1  }
0xa: {  	v7 =	vunpack.c.0.s8.s32 v7;
	s2 =	sand.u32 $0x70, s2;
	s5 =	sadd.s32 $0x400, s26;
	[dreg:$0x3] =	wrdreg s26;
	v2 =	vcombine.low v3, v2;
	v28 =	vcombine.low v1, v0  }
.Ltmp0:
0xb: {  	s29 =	sadd.s32 $0x800, s26;
	v62 =	vcombine.low v5, v4;
	[dreg:$0x4] =	wrdreg s5;
	(pc) =	sbr.rel .LBB2_1-.Ltmp0, $4  }
0xc: {  	s0 =	sadd.s32 s1, s0;
	s30 =	sadd.s32 $0xC00, s26;
	v63 =	vcombine.low v7, v6;
	[dreg:$0x5] =	wrdreg s29;
	v26 =	vand.u32 $0xF, v2;
	[tilespmem:$0x1FFC0] =	vst v28  }
0xd: {  	s31 =	smax.u32 s3, $0x1;
	s3 =	simm.s32 $0x4090;
	[dreg:$0x6] =	wrdreg s30;
	v25 =	vand.u32 $0xF, v62;
	[tilespmem:$0x1FFD0] =	vst v26  }
0xe: {  	s1 =	simm.s32 $0x0;
	s0 =	sadd.s32 s2, s0;
	[dreg:$0x8] =	wrdreg s31;
	v27 =	vand.u32 $0xF, v63;
	[tilespmem:$0x1FFE0] =	vst v25  }
0xf: {  	s5 =	simm.s32 $0x4050;
	s2 =	simm.s32 $0x40A0;
	[dreg:$0x7] =	wrdreg s0;
	[tilespmem:$0x1FFF0] =	vst v27  }
.LBB2_8:
0x10: {  	s12 =	rddreg [dreg:$0x7];
	s0 =	simm.s32 $0x80  }
0x11: {  	s1 =	simm.s32 $0x400;
	s8 =	simm.s32 $0x4000;
	s29 =	simm.s32 $0x3  }
0x12: {  	[hbm4b:s12+s0] =	stream.strided.scatter [tilespmem:s8], [sflag:$0x3], $0x200, s1, s0, $0x38;
	[tilespmem:$0x4200] =	vst v63  }
0x13: {  	_ =	swait.ge [sflag:s29], $0x200  }
0x14: {  	s30 =	rddreg [dreg:$0x9]  }
0x15: {  	s31 =	rddreg [dreg:$0x8];
	s1 =	sadd.s32 $0x1, s30  }
0x16: {  	p0 =	sne.s32 s1, s31  }
.Ltmp1:
0x17: {  	_ = 	snop;
	(pc) =	sbr.rel @!p0 .LBB2_9-.Ltmp1, $3  }
0x18: {  	_ =	sdelay $0x1  }
0x19: {  	s5 =	simm.s32 $0x4050;
	[sflag:s29] =	ssyncset.done $0x0  }
0x1a: {  	v25 =	vmov v5;
	s6 =	simm.s32 $0x4010;
	s7 =	simm.s32 $0x4020;
	[sflag:s29] =	ssyncadd.s32 $0xFFFFFE00  }
.LBB2_1:
0x1b: {  	v0 =	vimm.f32 $0.0e+00  }
0x1c: {  	[tilespmem:$0x4000] =	vst v0  }
0x1d: {  	[tilespmem:$0x4010] =	vst v0  }
0x1e: {  	[tilespmem:$0x4020] =	vst v0  }
0x1f: {  	[tilespmem:$0x4030] =	vst v0  }
0x20: {  	[tilespmem:$0x4040] =	vst v0  }
0x21: {  	[tilespmem:$0x4050] =	vst v0  }
0x22: {  	[tilespmem:$0x4060] =	vst v0  }
0x23: {  	[tilespmem:$0x4070] =	vst v0  }
0x24: {  	[tilespmem:$0x4080] =	vst v0  }
0x25: {  	[tilespmem:$0x4090] =	vst v0  }
0x26: {  	[tilespmem:$0x40A0] =	vst v0  }
0x27: {  	[tilespmem:$0x40B0] =	vst v0  }
0x28: {  	[tilespmem:$0x40C0] =	vst v0  }
0x29: {  	[tilespmem:$0x40D0] =	vst v0  }
0x2a: {  	[tilespmem:$0x40E0] =	vst v0  }
0x2b: {  	[tilespmem:$0x40F0] =	vst v0  }
0x2c: {  	[tilespmem:$0x4100] =	vst v0  }
0x2d: {  	[tilespmem:$0x4110] =	vst v0  }
0x2e: {  	[tilespmem:$0x4120] =	vst v0  }
0x2f: {  	[tilespmem:$0x4130] =	vst v0  }
0x30: {  	[tilespmem:$0x4140] =	vst v0  }
0x31: {  	[tilespmem:$0x4150] =	vst v0  }
0x32: {  	[tilespmem:$0x4160] =	vst v0  }
0x33: {  	[tilespmem:$0x4170] =	vst v0  }
0x34: {  	[tilespmem:$0x4180] =	vst v0  }
0x35: {  	[tilespmem:$0x4190] =	vst v0  }
0x36: {  	[tilespmem:$0x41A0] =	vst v0  }
0x37: {  	[tilespmem:$0x41B0] =	vst v0  }
0x38: {  	[tilespmem:$0x41C0] =	vst v0  }
0x39: {  	[dreg:$0x9] =	wrdreg s1;
	[tilespmem:$0x41D0] =	vst v0  }
0x3a: {  	s13 =	rddreg [dreg:$0x3];
	[tilespmem:$0x41E0] =	vst v0  }
0x3b: {  	s12 =	simm.s32 $0x0;
	s31 =	rddreg [dreg:$0x4];
	s0 =	simm.s32 $0x0;
	[tilespmem:$0x41F0] =	vst v0  }
0x3c: {  	[tilespmem:s12], [sflag:$0x1] =	stream.linear.gather [hbm4b:s13+s12], $0x2000, $0x38;
	[tilespmem:$0x4200] =	vst v63  }
0x3d: {  	s14 =	simm.s32 $0x2000;
	[dreg:$0xa] =	wrdreg s0  }
0x3e: {  	[tilespmem:s14], [sflag:$0x2] =	stream.linear.gather [hbm4b:s31+s12], $0x2000, $0x38;
	[tilespmem:$0x4200] =	vst v63  }
.LBB2_2:
0x3f: {  	s15 =	simm.s32 $0x1  }
0x40: {  	s1 =	simm.s32 $0x0;
	_ =	swait.ge [sflag:s15], $0x2000  }
0x41: {  	s13 =	sand.u32 $0x1000, s1;
	s14 =	sand.u32 $0x300, s1;
	[sflag:s15] =	ssyncset.done $0x0  }
0x42: {  	s13 =	sor.u32 s14, s13;
	[sflag:s15] =	ssyncadd.s32 $0xFFFFE000  }
0x43: {  	v0 =	vld [tilespmem:s13+$0x8C0];
	_ =	sdelay $0x4  }
0x44: {  	[tilespmem:$0x1FF60] =	vst v0  }
0x45: {  	v7 =	vld [tilespmem:s13+$0x8D0];
	_ =	sdelay $0x4  }
0x46: {  	[tilespmem:$0x1FF70] =	vst v7  }
0x47: {  	v4 =	vld [tilespmem:s13+$0x8E0];
	_ =	sdelay $0x4  }
0x48: {  	[tilespmem:$0x1FF80] =	vst v4  }
0x49: {  	v3 =	vld [tilespmem:s13+$0x8F0];
	_ =	sdelay $0x4  }
0x4a: {  	[tilespmem:$0x1FF90] =	vst v3  }
0x4b: {  	v9 =	vld [tilespmem:s13+$0x880];
	_ =	sdelay $0x4  }
0x4c: {  	[tilespmem:$0x1FF20] =	vst v9  }
0x4d: {  	v11 =	vld [tilespmem:s13+$0x890];
	_ =	sdelay $0x4  }
0x4e: {  	[tilespmem:$0x1FF30] =	vst v11  }
0x4f: {  	v12 =	vld [tilespmem:s13+$0x8A0];
	_ =	sdelay $0x4  }
0x50: {  	[tilespmem:$0x1FF40] =	vst v12  }
0x51: {  	v13 =	vld [tilespmem:s13+$0x8B0];
	_ =	sdelay $0x4  }
0x52: {  	[tilespmem:$0x1FF50] =	vst v13  }
0x53: {  	v14 =	vld [tilespmem:s13+$0x4C0];
	_ =	sdelay $0x4  }
0x54: {  	[tilespmem:$0x1FF00] =	vst v14  }
0x55: {  	v15 =	vld [tilespmem:s13+$0x4D0];
	_ =	sdelay $0x4  }
0x56: {  	[tilespmem:$0x1FF10] =	vst v15  }
0x57: {  	v16 =	vld [tilespmem:s13+$0x480];
	_ =	sdelay $0x4  }
0x58: {  	[tilespmem:$0x1FEE0] =	vst v16  }
0x59: {  	v17 =	vld [tilespmem:s13+$0x490];
	_ =	sdelay $0x4  }
0x5a: {  	[tilespmem:$0x1FEF0] =	vst v17  }
0x5b: {  	v43 =	vld [tilespmem:s13+$0x80]  }
0x5c: {  	v47 =	vld [tilespmem:s13+$0x90]  }
0x5d: {  	s10 =	sand.u32 $0x3, s1;
	v45 =	vld [tilespmem:s13+$0xA0]  }
0x5e: {  	s14 =	sshll.u32 s10, $0x8;
	v39 =	vld [tilespmem:s13+$0xB0]  }
0x5f: {  	s14 =	sadd.s32 $0x0, s14;
	v40 =	vld [tilespmem:s13+$0xC0]  }
0x60: {  	s11 =	sadd.s32 $0x80, s14;
	v44 =	vld [tilespmem:s13+$0xD0]  }
0x61: {  	s16 =	sor.u32 $0xC40, s11;
	v41 =	vld [tilespmem:s13+$0xE0]  }
0x62: {  	v63 =	vld [tilespmem:s16+$0x0]  }
0x63: {  	v6 =	vmul.f32 v7, v7;
	v42 =	vld [tilespmem:s13+$0xF0]  }
0x64: {  	v7 =	vmul.f32 v4, v4;
	v10 =	vmul.f32 v11, v11;
	v37 =	vld [tilespmem:s13+$0x4A0]  }
0x65: {  	v11 =	vmul.f32 v12, v12;
	v12 =	vmul.f32 v13, v13;
	v38 =	vld [tilespmem:s13+$0x4B0]  }
0x66: {  	v13 =	vmul.f32 v14, v14;
	v14 =	vmul.f32 v15, v15;
	v33 =	vld [tilespmem:s13+$0x4E0]  }
0x67: {  	s12 =	sor.u32 $0xC50, s11;
	v15 =	vmul.f32 v16, v16;
	v16 =	vmul.f32 v17, v17;
	v36 =	vld [tilespmem:s13+$0x4F0];
	[tilespmem:$0x1FFA0] =	vst v63  }
0x68: {  	v17 =	vmul.f32 v43, v43;
	v18 =	vmul.f32 v47, v47;
	v4 =	vld [tilespmem:s12+$0x0]  }
0x69: {  	v19 =	vmul.f32 v45, v45;
	v20 =	vmul.f32 v39, v39  }
0x6a: {  	v29 =	vmul.f32 v40, v40;
	v30 =	vmul.f32 v44, v44  }
0x6b: {  	v31 =	vmul.f32 v41, v41;
	v32 =	vmul.f32 v42, v42  }
0x6c: {  	v34 =	vmul.f32 v37, v37;
	v17 =	vadd.f32 v29, v17;
	v18 =	vadd.f32 v30, v18  }
0x6d: {  	s17 =	sor.u32 $0xC00, s11;
	v2 =	vmul.f32 v38, v38;
	v19 =	vadd.f32 v31, v19;
	v20 =	vadd.f32 v32, v20;
	[tilespmem:$0x1FFB0] =	vst v4  }
0x6e: {  	s18 =	sor.u32 $0xC10, s11;
	v15 =	vadd.f32 v15, v17;
	v16 =	vadd.f32 v16, v18;
	v17 =	vmul.f32 v33, v33;
	v58 =	vld [tilespmem:s17+$0x0]  }
0x6f: {  	s19 =	sor.u32 $0xC20, s11;
	v18 =	vadd.f32 v34, v19;
	v19 =	vadd.f32 v2, v20;
	v20 =	vmul.f32 v36, v36;
	v30 =	vld [tilespmem:s18+$0x0]  }
0x70: {  	s20 =	sor.u32 $0xC30, s11;
	v9 =	vmul.f32 v9, v9;
	v13 =	vadd.f32 v13, v15;
	v14 =	vadd.f32 v14, v16;
	v31 =	vld [tilespmem:s19+$0x0]  }
0x71: {  	s21 =	sor.u32 $0xC60, s11;
	v0 =	vmul.f32 v0, v0;
	v16 =	vadd.f32 v17, v18;
	v17 =	vadd.f32 v20, v19;
	v34 =	vld [tilespmem:s20+$0x0]  }
0x72: {  	s15 =	sor.u32 $0xC70, s11;
	v8 =	vmul.f32 v3, v3;
	v32 =	vld [tilespmem:s21+$0x0];
	v9 =	vadd.f32 v9, v13;
	v10 =	vadd.f32 v10, v14  }
0x73: {  	v15 =	vmul.f32 v63, v63;
	v35 =	vld [tilespmem:s15+$0x0];
	v11 =	vadd.f32 v11, v16;
	v12 =	vadd.f32 v12, v17  }
0x74: {  	v18 =	vmul.f32 v4, v4;
	v0 =	vadd.f32 v0, v9;
	v6 =	vadd.f32 v6, v10  }
0x75: {  	v7 =	vadd.f32 v7, v11;
	v13 =	vmul.f32 v58, v58;
	v14 =	vmul.f32 v30, v30  }
0x76: {  	v48 =	vld [tilespmem:s13+$0x0];
	v8 =	vadd.f32 v8, v12;
	v9 =	vmul.f32 v31, v31;
	v10 =	vmul.f32 v34, v34  }
0x77: {  	v51 =	vld [tilespmem:s13+$0x10];
	v11 =	vmul.f32 v32, v32;
	v0 =	vadd.f32 v13, v0;
	v6 =	vadd.f32 v14, v6  }
0x78: {  	v46 =	vld [tilespmem:s13+$0x20];
	v7 =	vadd.f32 v9, v7;
	v8 =	vadd.f32 v10, v8;
	v9 =	vmul.f32 v35, v35  }
0x79: {  	v50 =	vld [tilespmem:s13+$0x30];
	v0 =	vadd.f32 v15, v0;
	v6 =	vadd.f32 v18, v6  }
0x7a: {  	v54 =	vld [tilespmem:s13+$0x420];
	v7 =	vadd.f32 v11, v7;
	v8 =	vadd.f32 v9, v8  }
0x7b: {  	v59 =	vld [tilespmem:s13+$0x430]  }
0x7c: {  	v49 =	vld [tilespmem:s13+$0x50];
	v0 =	vadd.f32 v6, v0;
	v6 =	vadd.f32 v8, v7  }
0x7d: {  	v52 =	vld [tilespmem:s13+$0x40]  }
0x7e: {  	v56 =	vld [tilespmem:s13+$0x60];
	v0 =	vadd.f32 v6, v0  }
0x7f: {  	v57 =	vld [tilespmem:s13+$0x70];
	v16 =	vmul.f32 v54, v54  }
0x80: {  	v53 =	vld [tilespmem:s13+$0x400];
	v17 =	vmul.f32 v59, v59;
	v6 =	vperm.xlane v0, v28  }
0x81: {  	v61 =	vld [tilespmem:s13+$0x410];
	v10 =	vmul.f32 v50, v50;
	v13 =	vmul.f32 v49, v49  }
0x82: {  	v60 =	vld [tilespmem:s13+$0x440];
	v11 =	vmul.f32 v52, v52;
	v7 =	vmul.f32 v48, v48;
	v6 =	vadd.f32 v0, v6  }
0x83: {  	v63 =	vld [tilespmem:s13+$0x450];
	v14 =	vmul.f32 v56, v56;
	v8 =	vmul.f32 v51, v51  }
0x84: {  	v62 =	vld [tilespmem:s13+$0x460];
	v9 =	vmul.f32 v46, v46;
	v11 =	vadd.f32 v11, v7;
	v12 =	vperm.xlane v6, v26  }
0x85: {  	v29 =	vld [tilespmem:s13+$0x470];
	v7 =	vmul.f32 v57, v57;
	v13 =	vadd.f32 v13, v8;
	v8 =	vmul.f32 v53, v53  }
0x86: {  	v55 =	vld [tilespmem:s13+$0x800];
	v14 =	vadd.f32 v14, v9;
	v9 =	vmul.f32 v61, v61;
	v12 =	vadd.f32 v6, v12  }
0x87: {  	v18 =	vmul.f32 v60, v60;
	v10 =	vadd.f32 v7, v10;
	v11 =	vadd.f32 v8, v11;
	v8 =	vld [tilespmem:s13+$0x830]  }
0x88: {  	v14 =	vadd.f32 v16, v14;
	v7 =	vld [tilespmem:s13+$0x820];
	v13 =	vadd.f32 v9, v13;
	v15 =	vperm.xlane v12, v25  }
0x89: {  	v9 =	vld [tilespmem:s13+$0x840];
	v16 =	vadd.f32 v17, v10;
	v17 =	vadd.f32 v18, v11;
	v18 =	vmul.f32 v62, v62  }
0x8a: {  	v10 =	vld [tilespmem:s13+$0x850];
	v0 =	vmul.f32 v29, v29;
	v15 =	vadd.f32 v12, v15  }
0x8b: {  	v21 =	vadd.f32 v18, v14;
	v6 =	vld [tilespmem:s13+$0x810]  }
0x8c: {  	s23 =	sor.u32 $0xC10, s14;
	v11 =	vld [tilespmem:s13+$0x860];
	v18 =	vadd.f32 v0, v16;
	v2 =	vmul.f32 v8, v8;
	v19 =	vperm.xlane v15, v27  }
0x8d: {  	s28 =	sor.u32 $0xC50, s14;
	v1 =	vmul.f32 v55, v55;
	v14 =	vld [tilespmem:s23+$0x0];
	v12 =	vmul.f32 v63, v63  }
0x8e: {  	v24 =	vadd.f32 v2, v18;
	v18 =	vld [tilespmem:s28+$0x0];
	v15 =	vadd.f32 v15, v19  }
0x8f: {  	s22 =	sor.u32 $0xC00, s14;
	v20 =	vadd.f32 v12, v13;
	v12 =	vld [tilespmem:s13+$0x870];
	v19 =	vadd.f32 v1, v17  }
0x90: {  	s24 =	sor.u32 $0xC20, s14;
	v13 =	vld [tilespmem:s22+$0x0];
	v17 =	vmul.f32 v6, v6;
	v16 =	vshra.s32 v15, $0x1;
	v23 =	vmul.f32 $5.000000000e-01, v15  }
0x91: {  	s26 =	sor.u32 $0xC40, s14;
	v1 =	vmul.f32 v7, v7;
	v15 =	vld [tilespmem:s24+$0x0];
	v0 =	vsub.s32 $0x5F3759DF, v16  }
0x92: {  	s25 =	sor.u32 $0xC30, s14;
	v3 =	vmul.f32 v9, v9;
	v20 =	vadd.f32 v17, v20;
	v17 =	vld [tilespmem:s26+$0x0];
	v4 =	vmul.f32 v0, v23  }
0x93: {  	s29 =	sor.u32 $0xC60, s14;
	v22 =	vadd.f32 v1, v21;
	v21 =	vmul.f32 v10, v10;
	v16 =	vld [tilespmem:s25+$0x0]  }
0x94: {  	s30 =	sor.u32 $0xC70, s14;
	v5 =	vadd.f32 v3, v19;
	v1 =	vmul.f32 v11, v11;
	v19 =	vld [tilespmem:s29+$0x0];
	v4 =	vmul.f32 v0, v4  }
0x95: {  	v2 =	vmul.f32 v12, v12;
	v3 =	vmul.f32 v13, v13;
	v21 =	vadd.f32 v21, v20;
	v20 =	vld [tilespmem:s30+$0x0]  }
0x96: {  	v1 =	vadd.f32 v1, v22;
	v22 =	vmul.f32 v14, v14;
	v4 =	vsub.f32 $1.500000000e+00, v4  }
0x97: {  	v2 =	vadd.f32 v2, v24;
	v3 =	vadd.f32 v3, v5;
	v5 =	vmul.f32 v15, v15  }
0x98: {  	v21 =	vadd.f32 v22, v21;
	v0 =	vmul.f32 v0, v4;
	v4 =	vmul.f32 v16, v16  }
0x99: {  	v22 =	vmul.f32 v18, v18;
	v1 =	vadd.f32 v5, v1;
	v5 =	vmul.f32 v17, v17  }
0x9a: {  	v24 =	vmul.f32 v20, v20;
	v2 =	vadd.f32 v4, v2;
	v4 =	vmul.f32 v19, v19  }
0x9b: {  	v3 =	vadd.f32 v5, v3;
	v5 =	vadd.f32 v22, v21  }
0x9c: {  	v1 =	vadd.f32 v4, v1;
	v2 =	vadd.f32 v24, v2;
	v4 =	vmul.f32 v0, v23;
	_ =	sdelay $0x1  }
0x9d: {  	v3 =	vadd.f32 v5, v3;
	v1 =	vadd.f32 v2, v1;
	v2 =	vmul.f32 v4, v0;
	_ =	sdelay $0x1  }
0x9e: {  	v1 =	vadd.f32 v1, v3;
	v2 =	vsub.f32 $1.500000000e+00, v2;
	_ =	sdelay $0x1  }
0x9f: {  	v0 =	vmul.f32 v2, v0;
	v28 =	vperm.xlane v1, v28;
	_ =	sdelay $0x1  }
0xa0: {  	v1 =	vadd.f32 v1, v28;
	v28 =	vmul.f32 v0, v23;
	_ =	sdelay $0x1  }
0xa1: {  	v2 =	vmul.f32 v28, v0;
	_ =	sdelay $0x1  }
0xa2: {  	v28 =	vperm.xlane v1, v26;
	v2 =	vsub.f32 $1.500000000e+00, v2;
	_ =	sdelay $0x1  }
0xa3: {  	v1 =	vadd.f32 v1, v28;
	v0 =	vmul.f32 v2, v0;
	_ =	sdelay $0x1  }
0xa4: {  	v28 =	vperm.xlane v1, v25;
	v43 =	vmul.f32 v0, v43  }
0xa5: {  	v47 =	vmul.f32 v0, v47  }
0xa6: {  	v1 =	vadd.f32 v1, v28;
	v28 =	vmul.f32 v0, v45;
	[tilespmem:s8+$0x0] =	vst.add.f32.msk $0xffff, v43  }
0xa7: {  	v43 =	vmul.f32 v0, v39;
	[tilespmem:s6+$0x0] =	vst.add.f32.msk $0xffff, v47  }
0xa8: {  	s9 =	simm.s32 $0x4030;
	v45 =	vmul.f32 v0, v40;
	v4 =	vperm.xlane v1, v27;
	[tilespmem:s7+$0x0] =	vst.add.f32.msk $0xffff, v28  }
0xa9: {  	s10 =	simm.s32 $0x4040;
	v47 =	vmul.f32 v0, v44;
	[tilespmem:s9+$0x0] =	vst.add.f32.msk $0xffff, v43  }
0xaa: {  	v1 =	vadd.f32 v1, v4;
	v4 =	vmul.f32 v0, v41;
	[tilespmem:s10+$0x0] =	vst.add.f32.msk $0xffff, v45  }
0xab: {  	s0 =	simm.s32 $0x4060;
	[tilespmem:s5+$0x0] =	vst.add.f32.msk $0xffff, v47  }
0xac: {  	v39 =	vmul.f32 v0, v42;
	[tilespmem:s0+$0x0] =	vst.add.f32.msk $0xffff, v4  }
0xad: {  	s31 =	simm.s32 $0x4070;
	v5 =	vld [tilespmem:$0x1FEE0]  }
0xae: {  	[tilespmem:s31+$0x0] =	vst.add.f32.msk $0xffff, v39  }
0xaf: {  	v3 =	vld [tilespmem:$0x1FEF0];
	_ =	sdelay $0x3  }
0xb0: {  	v5 =	vmul.f32 v0, v5  }
0xb1: {  	v3 =	vmul.f32 v0, v3  }
0xb2: {  	[tilespmem:s4+$0x0] =	vst.add.f32.msk $0xffff, v5;
	v5 =	vmul.f32 v0, v37  }
0xb3: {  	[tilespmem:s3+$0x0] =	vst.add.f32.msk $0xffff, v3  }
0xb4: {  	v40 =	vmul.f32 v0, v38;
	[tilespmem:s2+$0x0] =	vst.add.f32.msk $0xffff, v5  }
0xb5: {  	v28 =	vshra.s32 v1, $0x1;
	v1 =	vmul.f32 $5.000000000e-01, v1;
	s4 =	simm.s32 $0x40B0;
	v5 =	vld [tilespmem:$0x1FF00]  }
0xb6: {  	v2 =	vsub.s32 $0x5F3759DF, v28;
	[tilespmem:s4+$0x0] =	vst.add.f32.msk $0xffff, v40  }
0xb7: {  	v4 =	vmul.f32 v2, v1;
	v3 =	vld [tilespmem:$0x1FF10];
	_ =	sdelay $0x1  }
0xb8: {  	v4 =	vmul.f32 v2, v4;
	_ =	sdelay $0x1  }
0xb9: {  	v4 =	vsub.f32 $1.500000000e+00, v4;
	v5 =	vmul.f32 v0, v5  }
0xba: {  	s11 =	simm.s32 $0x40C0;
	v3 =	vmul.f32 v0, v3  }
0xbb: {  	s12 =	simm.s32 $0x40D0;
	v2 =	vmul.f32 v2, v4;
	v4 =	vmul.f32 v0, v33;
	[tilespmem:s11+$0x0] =	vst.add.f32.msk $0xffff, v5  }
0xbc: {  	s13 =	simm.s32 $0x40E0;
	[tilespmem:s12+$0x0] =	vst.add.f32.msk $0xffff, v3  }
0xbd: {  	v41 =	vmul.f32 v0, v36;
	[tilespmem:s13+$0x0] =	vst.add.f32.msk $0xffff, v4  }
0xbe: {  	s14 =	simm.s32 $0x40F0;
	v5 =	vld [tilespmem:$0x1FF20]  }
0xbf: {  	[tilespmem:s14+$0x0] =	vst.add.f32.msk $0xffff, v41  }
0xc0: {  	v3 =	vld [tilespmem:$0x1FF30];
	_ =	sdelay $0x2  }
0xc1: {  	v5 =	vmul.f32 v0, v5  }
0xc2: {  	s15 =	simm.s32 $0x4100  }
0xc3: {  	v3 =	vmul.f32 v0, v3;
	[tilespmem:s15+$0x0] =	vst.add.f32.msk $0xffff, v5  }
0xc4: {  	s16 =	simm.s32 $0x4110;
	v5 =	vld [tilespmem:$0x1FF40]  }
0xc5: {  	[tilespmem:s16+$0x0] =	vst.add.f32.msk $0xffff, v3  }
0xc6: {  	v3 =	vld [tilespmem:$0x1FF50];
	_ =	sdelay $0x2  }
0xc7: {  	v5 =	vmul.f32 v0, v5  }
0xc8: {  	s17 =	simm.s32 $0x4120  }
0xc9: {  	v3 =	vmul.f32 v0, v3;
	[tilespmem:s17+$0x0] =	vst.add.f32.msk $0xffff, v5  }
0xca: {  	s18 =	simm.s32 $0x4130;
	v5 =	vld [tilespmem:$0x1FF60]  }
0xcb: {  	[tilespmem:s18+$0x0] =	vst.add.f32.msk $0xffff, v3  }
0xcc: {  	v4 =	vmul.f32 v2, v1;
	v3 =	vld [tilespmem:$0x1FF70];
	_ =	sdelay $0x1  }
0xcd: {  	v4 =	vmul.f32 v4, v2  }
0xce: {  	v5 =	vmul.f32 v0, v5  }
0xcf: {  	s19 =	simm.s32 $0x4140;
	v4 =	vsub.f32 $1.500000000e+00, v4  }
0xd0: {  	v3 =	vmul.f32 v0, v3;
	[tilespmem:s19+$0x0] =	vst.add.f32.msk $0xffff, v5  }
0xd1: {  	s20 =	simm.s32 $0x4150;
	v2 =	vmul.f32 v4, v2;
	v4 =	vld [tilespmem:$0x1FF80]  }
0xd2: {  	[tilespmem:s20+$0x0] =	vst.add.f32.msk $0xffff, v3  }
0xd3: {  	v3 =	vld [tilespmem:$0x1FF90];
	_ =	sdelay $0x3  }
0xd4: {  	v1 =	vmul.f32 v2, v1;
	v4 =	vmul.f32 v0, v4  }
0xd5: {  	s21 =	simm.s32 $0x4160;
	v3 =	vmul.f32 v0, v3  }
0xd6: {  	s22 =	simm.s32 $0x4170;
	v1 =	vmul.f32 v1, v2;
	[tilespmem:s21+$0x0] =	vst.add.f32.msk $0xffff, v4;
	v4 =	vmul.f32 v0, v58  }
0xd7: {  	s23 =	simm.s32 $0x4180;
	v42 =	vmul.f32 v0, v30;
	[tilespmem:s22+$0x0] =	vst.add.f32.msk $0xffff, v3  }
0xd8: {  	s24 =	simm.s32 $0x4190;
	v1 =	vsub.f32 $1.500000000e+00, v1;
	[tilespmem:s23+$0x0] =	vst.add.f32.msk $0xffff, v4;
	v4 =	vmul.f32 v0, v31  }
0xd9: {  	s25 =	simm.s32 $0x41A0;
	[tilespmem:s24+$0x0] =	vst.add.f32.msk $0xffff, v42  }
0xda: {  	v43 =	vmul.f32 v0, v34;
	v25 =	vmul.f32 v1, v2;
	[tilespmem:s25+$0x0] =	vst.add.f32.msk $0xffff, v4  }
0xdb: {  	s26 =	simm.s32 $0x41B0;
	v4 =	vld [tilespmem:$0x1FFA0]  }
0xdc: {  	v45 =	vmul.f32 v25, v48;
	[tilespmem:s26+$0x0] =	vst.add.f32.msk $0xffff, v43  }
0xdd: {  	v2 =	vmul.f32 v25, v51;
	v3 =	vld [tilespmem:$0x1FFB0]  }
0xde: {  	v46 =	vmul.f32 v25, v46;
	[tilespmem:s8+$0x0] =	vst.add.f32.msk $0xffff, v45  }
0xdf: {  	v47 =	vmul.f32 v25, v50;
	[tilespmem:s6+$0x0] =	vst.add.f32.msk $0xffff, v2  }
0xe0: {  	v44 =	vmul.f32 v0, v32;
	v52 =	vmul.f32 v25, v52;
	[tilespmem:s7+$0x0] =	vst.add.f32.msk $0xffff, v46  }
0xe1: {  	v23 =	vmul.f32 v25, v56;
	[tilespmem:s9+$0x0] =	vst.add.f32.msk $0xffff, v47;
	v4 =	vmul.f32 v0, v4  }
0xe2: {  	s28 =	simm.s32 $0x41C0;
	v22 =	vmul.f32 v25, v57;
	[tilespmem:s10+$0x0] =	vst.add.f32.msk $0xffff, v52;
	v3 =	vmul.f32 v0, v3  }
0xe3: {  	s29 =	simm.s32 $0x41D0;
	v50 =	vmul.f32 v25, v61;
	v41 =	vmul.f32 v25, v59;
	[tilespmem:s28+$0x0] =	vst.add.f32.msk $0xffff, v4  }
0xe4: {  	s30 =	simm.s32 $0x41E0;
	v39 =	vmul.f32 v25, v60;
	v4 =	vmul.f32 v25, v49;
	[tilespmem:s29+$0x0] =	vst.add.f32.msk $0xffff, v3  }
0xe5: {  	v37 =	vmul.f32 v25, v63;
	v0 =	vmul.f32 v0, v35;
	[tilespmem:s30+$0x0] =	vst.add.f32.msk $0xffff, v44  }
0xe6: {  	s31 =	simm.s32 $0x41F0;
	v36 =	vmul.f32 v25, v62;
	v58 =	vmul.f32 v25, v53;
	[tilespmem:s5+$0x0] =	vst.add.f32.msk $0xffff, v4  }
0xe7: {  	s13 =	simm.s32 $0x0;
	s14 =	simm.s32 $0x100;
	s15 =	simm.s32 $0x400;
	v47 =	vmul.f32 v25, v54;
	v35 =	vmul.f32 v25, v29;
	[tilespmem:s31+$0x0] =	vst.add.f32.msk $0xffff, v0  }
.LBB2_3:
0xe8: {  	s0 =	simm.s32 $0x4060  }
0xe9: {  	s16 =	sand.u32 $0x1000, s15;
	s17 =	sand.u32 $0x300, s14;
	s4 =	simm.s32 $0x4070;
	[tilespmem:s0+$0x0] =	vst.add.f32.msk $0xffff, v23  }
0xea: {  	s16 =	sor.u32 s17, s16;
	[tilespmem:s4+$0x0] =	vst.add.f32.msk $0xffff, v22  }
0xeb: {  	v42 =	vld [tilespmem:s16+$0x8C0]  }
0xec: {  	v2 =	vld [tilespmem:s16+$0x8D0]  }
0xed: {  	v3 =	vld [tilespmem:s16+$0x8E0]  }
0xee: {  	v4 =	vld [tilespmem:s16+$0x8F0]  }
0xef: {  	v5 =	vld [tilespmem:s16+$0x880]  }
0xf0: {  	v0 =	vmul.f32 v25, v55;
	v34 =	vmul.f32 v25, v6;
	v6 =	vld [tilespmem:s16+$0x890]  }
0xf1: {  	v38 =	vmul.f32 v25, v7;
	v40 =	vmul.f32 v25, v8;
	v7 =	vld [tilespmem:s16+$0x8A0]  }
0xf2: {  	v1 =	vmul.f32 v25, v9;
	v43 =	vmul.f32 v25, v10;
	v8 =	vld [tilespmem:s16+$0x8B0]  }
0xf3: {  	v44 =	vmul.f32 v25, v11;
	v45 =	vmul.f32 v25, v12;
	v9 =	vld [tilespmem:s16+$0x4C0]  }
0xf4: {  	v46 =	vmul.f32 v25, v13;
	v48 =	vmul.f32 v25, v14;
	v10 =	vld [tilespmem:s16+$0x4D0]  }
0xf5: {  	v49 =	vmul.f32 v25, v15;
	v51 =	vmul.f32 v25, v16;
	v11 =	vld [tilespmem:s16+$0x480]  }
0xf6: {  	v52 =	vmul.f32 v25, v17;
	v53 =	vmul.f32 v25, v18;
	v12 =	vld [tilespmem:s16+$0x490]  }
0xf7: {  	v54 =	vmul.f32 v25, v19;
	v55 =	vmul.f32 v25, v20;
	[tilespmem:$0x1FC80] =	vst v0;
	v25 =	vld [tilespmem:s16+$0x80]  }
0xf8: {  	[tilespmem:$0x1FC90] =	vst v34;
	v27 =	vld [tilespmem:s16+$0x90]  }
0xf9: {  	[tilespmem:$0x1FCB0] =	vst v40;
	v30 =	vld [tilespmem:s16+$0xA0]  }
0xfa: {  	[tilespmem:$0x1FD00] =	vst v46;
	v32 =	vld [tilespmem:s16+$0xB0]  }
0xfb: {  	[tilespmem:$0x1FD20] =	vst v49;
	v33 =	vld [tilespmem:s16+$0xC0]  }
0xfc: {  	v31 =	vld [tilespmem:s16+$0xD0];
	[tilespmem:$0x1FE40] =	vst v4  }
0xfd: {  	v34 =	vld [tilespmem:s16+$0xE0];
	[tilespmem:$0x1FDD0] =	vst v5  }
0xfe: {  	v29 =	vld [tilespmem:s16+$0xF0];
	[tilespmem:$0x1FDE0] =	vst v6;
	v0 =	vmul.f32 v42, v42;
	v56 =	vmul.f32 v2, v2  }
0xff: {  	v60 =	vld [tilespmem:s16+$0x4A0];
	[tilespmem:$0x1FDF0] =	vst v7;
	v57 =	vmul.f32 v3, v3;
	v59 =	vmul.f32 v4, v4  }
0x100: {  	v40 =	vld [tilespmem:s16+$0x4B0];
	[tilespmem:$0x1FE00] =	vst v8;
	v4 =	vmul.f32 v5, v5;
	v5 =	vmul.f32 v6, v6  }
0x101: {  	s1 =	sadd.s32 $0x1, s1;
	v23 =	vld [tilespmem:s16+$0x4E0];
	[tilespmem:$0x1FDA0] =	vst v9;
	v6 =	vmul.f32 v7, v7;
	v7 =	vmul.f32 v8, v8  }
0x102: {  	s5 =	sand.u32 $0x3, s1;
	v62 =	vld [tilespmem:s16+$0x4F0];
	[tilespmem:$0x1FDB0] =	vst v10;
	v8 =	vmul.f32 v9, v9;
	v9 =	vmul.f32 v10, v10  }
0x103: {  	s17 =	sshll.u32 s5, $0x8;
	v46 =	vld [tilespmem:$0x1FFC0];
	[tilespmem:$0x1FD80] =	vst v11;
	v10 =	vmul.f32 v11, v11;
	v11 =	vmul.f32 v12, v12  }
0x104: {  	v49 =	vld [tilespmem:$0x1FFD0];
	s17 =	sadd.s32 s17, s15;
	[tilespmem:$0x1FD90] =	vst v12;
	v12 =	vmul.f32 v25, v25;
	v13 =	vmul.f32 v27, v27  }
0x105: {  	[tilespmem:$0x1FD50] =	vst v53;
	v53 =	vld [tilespmem:$0x1FFE0];
	s25 =	sadd.s32 $0x80, s17;
	v14 =	vmul.f32 v30, v30;
	v15 =	vmul.f32 v32, v32  }
0x106: {  	[tilespmem:$0x1FD60] =	vst v54;
	v54 =	vld [tilespmem:$0x1FFF0];
	s19 =	sor.u32 $0xC40, s25;
	v16 =	vmul.f32 v33, v33;
	v17 =	vmul.f32 v31, v31  }
0x107: {  	s26 =	sor.u32 $0xC50, s25;
	v20 =	vld [tilespmem:s19+$0x0];
	v18 =	vmul.f32 v34, v34;
	v19 =	vmul.f32 v29, v29  }
0x108: {  	s28 =	sor.u32 $0xC00, s25;
	v21 =	vld [tilespmem:s26+$0x0];
	v12 =	vadd.f32 v16, v12;
	v13 =	vadd.f32 v17, v13;
	v16 =	vmul.f32 v60, v60  }
0x109: {  	s7 =	sor.u32 $0xC10, s25;
	v22 =	vld [tilespmem:s28+$0x0];
	v14 =	vadd.f32 v18, v14;
	v15 =	vadd.f32 v19, v15;
	v17 =	vmul.f32 v40, v40  }
0x10a: {  	s8 =	sor.u32 $0xC20, s25;
	v18 =	vld [tilespmem:s7+$0x0];
	v10 =	vadd.f32 v10, v12;
	v11 =	vadd.f32 v11, v13;
	v12 =	vmul.f32 v23, v23  }
0x10b: {  	s9 =	sor.u32 $0xC30, s25;
	v19 =	vld [tilespmem:s8+$0x0];
	v13 =	vadd.f32 v16, v14;
	v14 =	vadd.f32 v17, v15;
	v15 =	vmul.f32 v62, v62  }
0x10c: {  	s10 =	sor.u32 $0xC60, s25;
	v17 =	vld [tilespmem:s9+$0x0];
	v8 =	vadd.f32 v8, v10;
	v9 =	vadd.f32 v9, v11;
	v10 =	vmul.f32 v20, v20  }
0x10d: {  	s25 =	sor.u32 $0xC70, s25;
	v16 =	vld [tilespmem:s10+$0x0];
	v11 =	vadd.f32 v12, v13;
	v12 =	vadd.f32 v15, v14;
	v13 =	vmul.f32 v21, v21  }
0x10e: {  	[tilespmem:$0x1FCA0] =	vst v38;
	v14 =	vld [tilespmem:s25+$0x0];
	v4 =	vadd.f32 v4, v8;
	v5 =	vadd.f32 v5, v9;
	v8 =	vmul.f32 v22, v22  }
0x10f: {  	[tilespmem:$0x1FCC0] =	vst v1;
	v63 =	vld [tilespmem:s16+$0x10];
	v6 =	vadd.f32 v6, v11;
	v7 =	vadd.f32 v7, v12;
	v9 =	vmul.f32 v18, v18  }
0x110: {  	v38 =	vld [tilespmem:s16+$0x20];
	[tilespmem:$0x1FE20] =	vst v2;
	v0 =	vadd.f32 v0, v4;
	v1 =	vadd.f32 v56, v5;
	v4 =	vmul.f32 v19, v19  }
0x111: {  	v28 =	vld [tilespmem:s16+$0x30];
	[tilespmem:$0x1FE30] =	vst v3;
	v2 =	vadd.f32 v57, v6;
	v3 =	vadd.f32 v59, v7;
	v5 =	vmul.f32 v17, v17  }
0x112: {  	v26 =	vld [tilespmem:s16+$0x40];
	v6 =	vmul.f32 v16, v16;
	v0 =	vadd.f32 v8, v0;
	v1 =	vadd.f32 v9, v1  }
0x113: {  	v24 =	vld [tilespmem:s16+$0x50];
	v2 =	vadd.f32 v4, v2;
	v3 =	vadd.f32 v5, v3;
	v4 =	vmul.f32 v14, v14  }
0x114: {  	[tilespmem:$0x1FD70] =	vst v55;
	v15 =	vld [tilespmem:s16+$0x0];
	v0 =	vadd.f32 v10, v0;
	v1 =	vadd.f32 v13, v1  }
0x115: {  	v55 =	vld [tilespmem:s16+$0x800];
	[tilespmem:$0x1FE10] =	vst v42;
	v2 =	vadd.f32 v6, v2;
	v3 =	vadd.f32 v4, v3  }
0x116: {  	[tilespmem:$0x1FDC0] =	vst v23;
	v23 =	vld [tilespmem:s16+$0x60]  }
0x117: {  	[tilespmem:$0x1FE50] =	vst v22;
	v22 =	vld [tilespmem:s16+$0x70];
	v0 =	vadd.f32 v1, v0;
	v42 =	vadd.f32 v3, v2  }
0x118: {  	[tilespmem:$0x1FEA0] =	vst v21;
	v21 =	vld [tilespmem:s16+$0x400];
	v7 =	vmul.f32 v63, v63  }
0x119: {  	v5 =	vmul.f32 v15, v15;
	v9 =	vmul.f32 v26, v26;
	v4 =	vld [tilespmem:s16+$0x410];
	v11 =	vadd.f32 v42, v0  }
0x11a: {  	v6 =	vmul.f32 v38, v38;
	v10 =	vmul.f32 v24, v24;
	v3 =	vld [tilespmem:s16+$0x420]  }
0x11b: {  	v9 =	vadd.f32 v9, v5;
	v5 =	vmul.f32 v23, v23;
	v2 =	vld [tilespmem:s16+$0x430];
	v12 =	vperm.xlane v11, v46  }
0x11c: {  	v8 =	vmul.f32 v28, v28;
	v1 =	vld [tilespmem:s16+$0x440];
	v7 =	vadd.f32 v10, v7;
	v10 =	vmul.f32 v22, v22  }
0x11d: {  	v13 =	vadd.f32 v5, v6;
	v0 =	vld [tilespmem:s16+$0x450];
	v11 =	vadd.f32 v11, v12  }
0x11e: {  	v59 =	vld [tilespmem:s16+$0x470];
	v6 =	vmul.f32 v21, v21;
	v8 =	vadd.f32 v10, v8;
	v10 =	vmul.f32 v4, v4  }
0x11f: {  	[tilespmem:$0x1FED0] =	vst v15;
	v5 =	vld [tilespmem:s16+$0x460];
	v12 =	vmul.f32 v3, v3;
	v15 =	vperm.xlane v11, v49  }
0x120: {  	[tilespmem:$0x1FEC0] =	vst v14;
	v9 =	vadd.f32 v6, v9;
	v6 =	vld [tilespmem:s16+$0x810];
	v10 =	vadd.f32 v10, v7;
	v14 =	vmul.f32 v2, v2  }
0x121: {  	[tilespmem:$0x1FE60] =	vst v18;
	v7 =	vld [tilespmem:s16+$0x820];
	v12 =	vadd.f32 v12, v13;
	v13 =	vmul.f32 v1, v1;
	v15 =	vadd.f32 v11, v15  }
0x122: {  	[tilespmem:$0x1FEB0] =	vst v16;
	v14 =	vadd.f32 v14, v8;
	v16 =	vmul.f32 v0, v0;
	v8 =	vld [tilespmem:s16+$0x830]  }
0x123: {  	[tilespmem:$0x1FE80] =	vst v17;
	v17 =	vmul.f32 v59, v59;
	v13 =	vadd.f32 v13, v9;
	v9 =	vld [tilespmem:s16+$0x840];
	v18 =	vperm.xlane v15, v53  }
0x124: {  	v16 =	vadd.f32 v16, v10;
	v11 =	vmul.f32 v5, v5  }
0x125: {  	[tilespmem:$0x1FE90] =	vst v20;
	v10 =	vld [tilespmem:s16+$0x850];
	v17 =	vadd.f32 v17, v14;
	v14 =	vmul.f32 v6, v6;
	v18 =	vadd.f32 v15, v18  }
0x126: {  	s21 =	sor.u32 $0xC10, s17;
	v20 =	vmul.f32 v55, v55;
	[tilespmem:$0x1FE70] =	vst v19;
	v19 =	vadd.f32 v11, v12;
	v11 =	vld [tilespmem:s16+$0x860]  }
0x127: {  	v61 =	vadd.f32 v14, v16;
	v14 =	vld [tilespmem:s21+$0x0];
	v16 =	vmul.f32 v8, v8;
	v57 =	vperm.xlane v18, v54  }
0x128: {  	[tilespmem:$0x1FCF0] =	vst v45;
	s24 =	sor.u32 $0xC00, s17;
	v12 =	vld [tilespmem:s16+$0x870];
	v20 =	vadd.f32 v20, v13;
	v15 =	vmul.f32 v7, v7;
	v56 =	vmul.f32 v9, v9  }
0x129: {  	[tilespmem:$0x1FD40] =	vst v52;
	s20 =	sor.u32 $0xC30, s17;
	v13 =	vld [tilespmem:s24+$0x0];
	v52 =	vadd.f32 v16, v17;
	v18 =	vadd.f32 v18, v57  }
0x12a: {  	[tilespmem:$0x1FD30] =	vst v51;
	s23 =	sor.u32 $0xC20, s17;
	v51 =	vmul.f32 v10, v10;
	v16 =	vld [tilespmem:s20+$0x0];
	v19 =	vadd.f32 v15, v19;
	v56 =	vadd.f32 v56, v20  }
0x12b: {  	[tilespmem:$0x1FD10] =	vst v48;
	s22 =	sor.u32 $0xC40, s17;
	v15 =	vld [tilespmem:s23+$0x0];
	v20 =	vmul.f32 v11, v11;
	v48 =	vshra.s32 v18, $0x1;
	v45 =	vmul.f32 $5.000000000e-01, v18  }
0x12c: {  	[tilespmem:$0x1FCD0] =	vst v43;
	s6 =	sor.u32 $0xC60, s17;
	v17 =	vld [tilespmem:s22+$0x0];
	v51 =	vadd.f32 v51, v61;
	v48 =	vsub.s32 $0x5F3759DF, v48  }
0x12d: {  	[tilespmem:$0x1FCE0] =	vst v44;
	s18 =	sor.u32 $0xC50, s17;
	v43 =	vmul.f32 v12, v12;
	v61 =	vadd.f32 v20, v19;
	v19 =	vld [tilespmem:s6+$0x0];
	v44 =	vmul.f32 v48, v45  }
0x12e: {  	v57 =	vmul.f32 v13, v13;
	v18 =	vld [tilespmem:s18+$0x0]  }
0x12f: {  	s17 =	sor.u32 $0xC70, s17;
	v52 =	vadd.f32 v43, v52;
	v44 =	vmul.f32 v48, v44  }
0x130: {  	s2 =	simm.s32 $0x4080;
	v20 =	vld [tilespmem:s17+$0x0];
	v56 =	vadd.f32 v57, v56;
	v57 =	vmul.f32 v16, v16;
	v43 =	vmul.f32 v15, v15  }
0x131: {  	s11 =	simm.s32 $0x4090;
	v42 =	vmul.f32 v14, v14;
	[tilespmem:s2+$0x0] =	vst.add.f32.msk $0xffff, v58;
	v58 =	vmul.f32 v17, v17;
	v44 =	vsub.f32 $1.500000000e+00, v44  }
0x132: {  	[tilespmem:s11+$0x0] =	vst.add.f32.msk $0xffff, v50;
	v50 =	vadd.f32 v57, v52;
	v43 =	vadd.f32 v43, v61;
	v57 =	vmul.f32 v19, v19  }
0x133: {  	v42 =	vadd.f32 v42, v51;
	s18 =	simm.s32 $0x40A0;
	v61 =	vmul.f32 v18, v18;
	v44 =	vmul.f32 v48, v44  }
0x134: {  	[tilespmem:s18+$0x0] =	vst.add.f32.msk $0xffff, v47;
	v47 =	vadd.f32 v58, v56;
	v52 =	vadd.f32 v57, v43  }
0x135: {  	s16 =	simm.s32 $0x40B0;
	v58 =	vadd.f32 v61, v42;
	v61 =	vmul.f32 v20, v20;
	v57 =	vmul.f32 v44, v45  }
0x136: {  	s4 =	simm.s32 $0x40C0;
	[tilespmem:s16+$0x0] =	vst.add.f32.msk $0xffff, v41  }
0x137: {  	s7 =	simm.s32 $0x40D0;
	[tilespmem:s4+$0x0] =	vst.add.f32.msk $0xffff, v39;
	v56 =	vadd.f32 v61, v50;
	v61 =	vmul.f32 v57, v44  }
0x138: {  	s8 =	simm.s32 $0x40E0;
	[tilespmem:s7+$0x0] =	vst.add.f32.msk $0xffff, v37  }
0x139: {  	[tilespmem:s8+$0x0] =	vst.add.f32.msk $0xffff, v36;
	v36 =	vsub.f32 $1.500000000e+00, v61;
	_ =	sdelay $0x1  }
0x13a: {  	v36 =	vmul.f32 v36, v44;
	_ =	sdelay $0x1  }
0x13b: {  	v41 =	vadd.f32 v58, v47;
	v58 =	vadd.f32 v56, v52;
	v56 =	vmul.f32 v36, v45;
	_ =	sdelay $0x1  }
0x13c: {  	v37 =	vmul.f32 v56, v36;
	_ =	sdelay $0x1  }
0x13d: {  	v37 =	vsub.f32 $1.500000000e+00, v37;
	_ =	sdelay $0x1  }
0x13e: {  	v36 =	vmul.f32 v37, v36;
	_ =	sdelay $0x1  }
0x13f: {  	v25 =	vmul.f32 v36, v25  }
0x140: {  	s12 =	simm.s32 $0x4000;
	v27 =	vmul.f32 v36, v27  }
0x141: {  	s23 =	simm.s32 $0x4010;
	[tilespmem:s12+$0x0] =	vst.add.f32.msk $0xffff, v25;
	v25 =	vmul.f32 v36, v30  }
0x142: {  	s20 =	simm.s32 $0x4020;
	[tilespmem:s23+$0x0] =	vst.add.f32.msk $0xffff, v27;
	v27 =	vmul.f32 v36, v32  }
0x143: {  	s23 =	simm.s32 $0x4030;
	[tilespmem:s20+$0x0] =	vst.add.f32.msk $0xffff, v25;
	v25 =	vmul.f32 v36, v33  }
0x144: {  	s20 =	simm.s32 $0x4040;
	[tilespmem:s23+$0x0] =	vst.add.f32.msk $0xffff, v27;
	v27 =	vmul.f32 v36, v31  }
0x145: {  	[tilespmem:s20+$0x0] =	vst.add.f32.msk $0xffff, v25;
	v25 =	vmul.f32 v36, v34;
	s20 =	simm.s32 $0x4050  }
0x146: {  	s23 =	simm.s32 $0x4060;
	[tilespmem:s20+$0x0] =	vst.add.f32.msk $0xffff, v27  }
0x147: {  	v27 =	vmul.f32 v36, v29;
	[tilespmem:s23+$0x0] =	vst.add.f32.msk $0xffff, v25  }
0x148: {  	v25 =	vld [tilespmem:$0x1FD80];
	s23 =	simm.s32 $0x4070  }
0x149: {  	[tilespmem:s23+$0x0] =	vst.add.f32.msk $0xffff, v27  }
0x14a: {  	v27 =	vld [tilespmem:$0x1FD90];
	_ =	sdelay $0x3  }
0x14b: {  	v25 =	vmul.f32 v36, v25  }
0x14c: {  	s24 =	simm.s32 $0x4080;
	v27 =	vmul.f32 v36, v27  }
0x14d: {  	s17 =	simm.s32 $0x4090;
	[tilespmem:s24+$0x0] =	vst.add.f32.msk $0xffff, v25;
	v25 =	vmul.f32 v36, v60  }
0x14e: {  	[tilespmem:s17+$0x0] =	vst.add.f32.msk $0xffff, v27  }
0x14f: {  	[tilespmem:s18+$0x0] =	vst.add.f32.msk $0xffff, v25  }
0x150: {  	v25 =	vld [tilespmem:$0x1FDA0];
	_ =	sdelay $0x2  }
0x151: {  	v27 =	vmul.f32 v36, v40;
	_ =	sdelay $0x1  }
0x152: {  	[tilespmem:s16+$0x0] =	vst.add.f32.msk $0xffff, v27;
	v25 =	vmul.f32 v36, v25  }
0x153: {  	v27 =	vld [tilespmem:$0x1FDB0]  }
0x154: {  	[tilespmem:s4+$0x0] =	vst.add.f32.msk $0xffff, v25  }
0x155: {  	v25 =	vld [tilespmem:$0x1FDC0];
	_ =	sdelay $0x2  }
0x156: {  	v51 =	vld [tilespmem:$0x1FCC0]  }
0x157: {  	s2 =	simm.s32 $0x40F0;
	v43 =	vld [tilespmem:$0x1FC90];
	v27 =	vmul.f32 v36, v27  }
0x158: {  	[tilespmem:s2+$0x0] =	vst.add.f32.msk $0xffff, v35;
	v25 =	vmul.f32 v36, v25  }
0x159: {  	[tilespmem:s7+$0x0] =	vst.add.f32.msk $0xffff, v27  }
0x15a: {  	[tilespmem:s8+$0x0] =	vst.add.f32.msk $0xffff, v25  }
0x15b: {  	v25 =	vld [tilespmem:$0x1FDD0]  }
0x15c: {  	v42 =	vld [tilespmem:$0x1FC80]  }
0x15d: {  	v48 =	vld [tilespmem:$0x1FCB0]  }
0x15e: {  	v47 =	vld [tilespmem:$0x1FCA0];
	v27 =	vmul.f32 v36, v62  }
0x15f: {  	v52 =	vld [tilespmem:$0x1FCD0]  }
0x160: {  	[tilespmem:s2+$0x0] =	vst.add.f32.msk $0xffff, v27;
	v25 =	vmul.f32 v36, v25  }
0x161: {  	s3 =	simm.s32 $0x4100;
	v27 =	vld [tilespmem:$0x1FDE0]  }
0x162: {  	[tilespmem:s3+$0x0] =	vst.add.f32.msk $0xffff, v25  }
0x163: {  	v25 =	vld [tilespmem:$0x1FDF0]  }
0x164: {  	[tilespmem:s3+$0x0] =	vst.add.f32.msk $0xffff, v42  }
0x165: {  	s9 =	simm.s32 $0x4110;
	v57 =	vld [tilespmem:$0x1FCE0]  }
0x166: {  	[tilespmem:s9+$0x0] =	vst.add.f32.msk $0xffff, v43;
	v27 =	vmul.f32 v36, v27  }
0x167: {  	v35 =	vadd.f32 v58, v41;
	v58 =	vld [tilespmem:$0x1FCF0]  }
0x168: {  	[tilespmem:s9+$0x0] =	vst.add.f32.msk $0xffff, v27;
	v25 =	vmul.f32 v36, v25  }
0x169: {  	s5 =	simm.s32 $0x4120;
	v27 =	vld [tilespmem:$0x1FE00]  }
0x16a: {  	[tilespmem:s5+$0x0] =	vst.add.f32.msk $0xffff, v25  }
0x16b: {  	v25 =	vld [tilespmem:$0x1FE10]  }
0x16c: {  	[tilespmem:s5+$0x0] =	vst.add.f32.msk $0xffff, v47  }
0x16d: {  	s6 =	simm.s32 $0x4130;
	v47 =	vld [tilespmem:$0x1FD30]  }
0x16e: {  	[tilespmem:s6+$0x0] =	vst.add.f32.msk $0xffff, v48;
	v50 =	vperm.xlane v35, v46;
	v27 =	vmul.f32 v36, v27  }
0x16f: {  	v46 =	vld [tilespmem:$0x1FD20]  }
0x170: {  	v35 =	vadd.f32 v35, v50;
	[tilespmem:s6+$0x0] =	vst.add.f32.msk $0xffff, v27;
	v25 =	vmul.f32 v36, v25  }
0x171: {  	s10 =	simm.s32 $0x4140;
	v27 =	vld [tilespmem:$0x1FE20]  }
0x172: {  	v61 =	vperm.xlane v35, v49;
	[tilespmem:s10+$0x0] =	vst.add.f32.msk $0xffff, v25  }
0x173: {  	v25 =	vld [tilespmem:$0x1FE30]  }
0x174: {  	[tilespmem:s10+$0x0] =	vst.add.f32.msk $0xffff, v51;
	v35 =	vadd.f32 v35, v61  }
0x175: {  	v44 =	vld [tilespmem:$0x1FD00]  }
0x176: {  	s11 =	simm.s32 $0x4150;
	v51 =	vld [tilespmem:$0x1FD60];
	v48 =	vperm.xlane v35, v53;
	v27 =	vmul.f32 v36, v27  }
0x177: {  	[tilespmem:s11+$0x0] =	vst.add.f32.msk $0xffff, v52  }
0x178: {  	v35 =	vadd.f32 v35, v48;
	[tilespmem:s11+$0x0] =	vst.add.f32.msk $0xffff, v27;
	v25 =	vmul.f32 v36, v25  }
0x179: {  	s29 =	simm.s32 $0x4160;
	v27 =	vld [tilespmem:$0x1FE40]  }
0x17a: {  	v53 =	vperm.xlane v35, v54;
	[tilespmem:s29+$0x0] =	vst.add.f32.msk $0xffff, v25  }
0x17b: {  	v25 =	vld [tilespmem:$0x1FE50]  }
0x17c: {  	v50 =	vld [tilespmem:$0x1FD50];
	v54 =	vadd.f32 v35, v53  }
0x17d: {  	v52 =	vld [tilespmem:$0x1FD70]  }
0x17e: {  	[tilespmem:s29+$0x0] =	vst.add.f32.msk $0xffff, v57;
	v56 =	vshra.s32 v54, $0x1;
	v30 =	vmul.f32 $5.000000000e-01, v54;
	v27 =	vmul.f32 v36, v27  }
0x17f: {  	s31 =	simm.s32 $0x4170;
	v45 =	vld [tilespmem:$0x1FD10];
	v31 =	vsub.s32 $0x5F3759DF, v56  }
0x180: {  	v57 =	vmul.f32 v31, v30;
	[tilespmem:s31+$0x0] =	vst.add.f32.msk $0xffff, v27;
	v25 =	vmul.f32 v36, v25  }
0x181: {  	s30 =	simm.s32 $0x4180;
	v27 =	vld [tilespmem:$0x1FE60]  }
0x182: {  	v29 =	vmul.f32 v31, v57;
	[tilespmem:s30+$0x0] =	vst.add.f32.msk $0xffff, v25  }
0x183: {  	v25 =	vld [tilespmem:$0x1FE70]  }
0x184: {  	[tilespmem:s31+$0x0] =	vst.add.f32.msk $0xffff, v58;
	v29 =	vsub.f32 $1.500000000e+00, v29  }
0x185: {  	v49 =	vld [tilespmem:$0x1FD40]  }
0x186: {  	[tilespmem:s30+$0x0] =	vst.add.f32.msk $0xffff, v44;
	v29 =	vmul.f32 v31, v29  }
0x187: {  	s0 =	simm.s32 $0x4190;
	v61 =	vld [tilespmem:$0x1FED0];
	v27 =	vmul.f32 v36, v27  }
0x188: {  	[tilespmem:s0+$0x0] =	vst.add.f32.msk $0xffff, v45;
	v31 =	vmul.f32 v29, v30;
	v25 =	vmul.f32 v36, v25  }
0x189: {  	s19 =	simm.s32 $0x41A0;
	[tilespmem:s0+$0x0] =	vst.add.f32.msk $0xffff, v27  }
0x18a: {  	v31 =	vmul.f32 v31, v29;
	[tilespmem:s19+$0x0] =	vst.add.f32.msk $0xffff, v25  }
0x18b: {  	v25 =	vld [tilespmem:$0x1FE90]  }
0x18c: {  	s28 =	simm.s32 $0x41B0;
	[tilespmem:s19+$0x0] =	vst.add.f32.msk $0xffff, v46;
	v31 =	vsub.f32 $1.500000000e+00, v31  }
0x18d: {  	[tilespmem:s28+$0x0] =	vst.add.f32.msk $0xffff, v47  }
0x18e: {  	s26 =	simm.s32 $0x41C0;
	v29 =	vmul.f32 v31, v29;
	v27 =	vld [tilespmem:$0x1FE80]  }
0x18f: {  	[tilespmem:s26+$0x0] =	vst.add.f32.msk $0xffff, v49  }
0x190: {  	s25 =	simm.s32 $0x41D0;
	v30 =	vmul.f32 v29, v30;
	v58 =	vmul.f32 v36, v25;
	v25 =	vld [tilespmem:$0x1FEA0]  }
0x191: {  	[tilespmem:s25+$0x0] =	vst.add.f32.msk $0xffff, v50  }
0x192: {  	s21 =	simm.s32 $0x41E0;
	v60 =	vld [tilespmem:$0x1FEB0];
	v30 =	vmul.f32 v30, v29  }
0x193: {  	s22 =	simm.s32 $0x41F0;
	[tilespmem:s21+$0x0] =	vst.add.f32.msk $0xffff, v51;
	v27 =	vmul.f32 v36, v27  }
0x194: {  	[tilespmem:s22+$0x0] =	vst.add.f32.msk $0xffff, v52;
	v30 =	vsub.f32 $1.500000000e+00, v30  }
0x195: {  	[tilespmem:s28+$0x0] =	vst.add.f32.msk $0xffff, v27;
	v27 =	vmul.f32 v36, v25  }
0x196: {  	[tilespmem:s26+$0x0] =	vst.add.f32.msk $0xffff, v58;
	v25 =	vmul.f32 v30, v29  }
0x197: {  	v29 =	vmul.f32 v36, v60;
	[tilespmem:s25+$0x0] =	vst.add.f32.msk $0xffff, v27  }
0x198: {  	v27 =	vld [tilespmem:$0x1FEC0];
	v30 =	vmul.f32 v25, v61  }
0x199: {  	s17 =	simm.s32 $0x4000;
	v62 =	vmul.f32 v25, v63;
	v63 =	vmul.f32 v25, v38;
	[tilespmem:s21+$0x0] =	vst.add.f32.msk $0xffff, v29  }
0x19a: {  	s13 =	sadd.s32 $0x2, s13;
	s18 =	simm.s32 $0x4010;
	v28 =	vmul.f32 v25, v28;
	v26 =	vmul.f32 v25, v26;
	[tilespmem:s17+$0x0] =	vst.add.f32.msk $0xffff, v30  }
0x19b: {  	p0 =	slt.u32 s13, $0xE;
	s19 =	simm.s32 $0x4020;
	v24 =	vmul.f32 v25, v24;
	v23 =	vmul.f32 v25, v23;
	[tilespmem:s18+$0x0] =	vst.add.f32.msk $0xffff, v62  }
.Ltmp2:
0x19c: {  	s30 =	simm.s32 $0x4030;
	v22 =	vmul.f32 v25, v22;
	v58 =	vmul.f32 v25, v21;
	[tilespmem:s19+$0x0] =	vst.add.f32.msk $0xffff, v63;
	(pc) =	sbr.rel @p0 .LBB2_3-.Ltmp2, $4  }
0x19d: {  	s31 =	simm.s32 $0x4040;
	v50 =	vmul.f32 v25, v4;
	v27 =	vmul.f32 v36, v27;
	[tilespmem:s30+$0x0] =	vst.add.f32.msk $0xffff, v28  }
0x19e: {  	v47 =	vmul.f32 v25, v3;
	v41 =	vmul.f32 v25, v2;
	[tilespmem:s31+$0x0] =	vst.add.f32.msk $0xffff, v26  }
0x19f: {  	v39 =	vmul.f32 v25, v1;
	v37 =	vmul.f32 v25, v0;
	[tilespmem:s22+$0x0] =	vst.add.f32.msk $0xffff, v27  }
0x1a0: {  	s14 =	sadd.s32 $0x100, s14;
	s15 =	sadd.s32 $0x400, s15;
	v35 =	vmul.f32 v25, v59;
	v36 =	vmul.f32 v25, v5;
	[tilespmem:s20+$0x0] =	vst.add.f32.msk $0xffff, v24  }
0x1a1: {  	s23 =	simm.s32 $0x4060  }
0x1a2: {  	s20 =	simm.s32 $0x4070;
	[tilespmem:s23+$0x0] =	vst.add.f32.msk $0xffff, v23  }
0x1a3: {  	s0 =	simm.s32 $0x4080;
	[tilespmem:s20+$0x0] =	vst.add.f32.msk $0xffff, v22  }
0x1a4: {  	s1 =	simm.s32 $0x4090;
	[tilespmem:s0+$0x0] =	vst.add.f32.msk $0xffff, v58  }
0x1a5: {  	s22 =	simm.s32 $0x40A0;
	[tilespmem:s1+$0x0] =	vst.add.f32.msk $0xffff, v50  }
0x1a6: {  	[tilespmem:s22+$0x0] =	vst.add.f32.msk $0xffff, v47  }
0x1a7: {  	s2 =	simm.s32 $0x40C0;
	[tilespmem:s16+$0x0] =	vst.add.f32.msk $0xffff, v41  }
0x1a8: {  	s4 =	simm.s32 $0x40D0;
	[tilespmem:s2+$0x0] =	vst.add.f32.msk $0xffff, v39  }
0x1a9: {  	s7 =	simm.s32 $0x40E0;
	[tilespmem:s4+$0x0] =	vst.add.f32.msk $0xffff, v37  }
0x1aa: {  	v0 =	vmul.f32 v25, v55;
	s2 =	simm.s32 $0x40F0;
	[tilespmem:s7+$0x0] =	vst.add.f32.msk $0xffff, v36  }
0x1ab: {  	v1 =	vmul.f32 v25, v6;
	s3 =	simm.s32 $0x4100;
	[tilespmem:s2+$0x0] =	vst.add.f32.msk $0xffff, v35  }
0x1ac: {  	v2 =	vmul.f32 v25, v7;
	s8 =	simm.s32 $0x4110;
	[tilespmem:s3+$0x0] =	vst.add.f32.msk $0xffff, v0  }
0x1ad: {  	v46 =	vmul.f32 v25, v8;
	s5 =	simm.s32 $0x4120;
	[tilespmem:s8+$0x0] =	vst.add.f32.msk $0xffff, v1  }
0x1ae: {  	s6 =	simm.s32 $0x4130;
	v47 =	vmul.f32 v25, v9;
	[tilespmem:s5+$0x0] =	vst.add.f32.msk $0xffff, v2  }
0x1af: {  	v48 =	vmul.f32 v25, v10;
	s9 =	simm.s32 $0x4140;
	[tilespmem:s6+$0x0] =	vst.add.f32.msk $0xffff, v46  }
0x1b0: {  	v49 =	vmul.f32 v25, v11;
	s10 =	simm.s32 $0x4150;
	[tilespmem:s9+$0x0] =	vst.add.f32.msk $0xffff, v47  }
0x1b1: {  	s11 =	simm.s32 $0x4160;
	v50 =	vmul.f32 v25, v12;
	[tilespmem:s10+$0x0] =	vst.add.f32.msk $0xffff, v48  }
0x1b2: {  	v51 =	vmul.f32 v25, v13;
	s30 =	simm.s32 $0x4170;
	[tilespmem:s11+$0x0] =	vst.add.f32.msk $0xffff, v49  }
0x1b3: {  	v52 =	vmul.f32 v25, v14;
	s29 =	simm.s32 $0x4180;
	[tilespmem:s30+$0x0] =	vst.add.f32.msk $0xffff, v50  }
0x1b4: {  	v53 =	vmul.f32 v25, v15;
	s21 =	simm.s32 $0x4190;
	[tilespmem:s29+$0x0] =	vst.add.f32.msk $0xffff, v51  }
0x1b5: {  	v54 =	vmul.f32 v25, v16;
	s25 =	simm.s32 $0x41A0;
	[tilespmem:s21+$0x0] =	vst.add.f32.msk $0xffff, v52  }
0x1b6: {  	v55 =	vmul.f32 v25, v17;
	s31 =	simm.s32 $0x41B0;
	[tilespmem:s25+$0x0] =	vst.add.f32.msk $0xffff, v53  }
0x1b7: {  	v56 =	vmul.f32 v25, v18;
	s28 =	simm.s32 $0x41C0;
	[tilespmem:s31+$0x0] =	vst.add.f32.msk $0xffff, v54  }
0x1b8: {  	v57 =	vmul.f32 v25, v19;
	s26 =	simm.s32 $0x41D0;
	[tilespmem:s28+$0x0] =	vst.add.f32.msk $0xffff, v55  }
0x1b9: {  	s24 =	simm.s32 $0x41E0;
	v58 =	vmul.f32 v25, v20;
	[tilespmem:s26+$0x0] =	vst.add.f32.msk $0xffff, v56  }
0x1ba: {  	s15 =	simm.s32 $0x41F0;
	[tilespmem:s24+$0x0] =	vst.add.f32.msk $0xffff, v57  }
0x1bb: {  	s12 =	rddreg [dreg:$0xa];
	[tilespmem:s15+$0x0] =	vst.add.f32.msk $0xffff, v58;
	s15 =	simm.s32 $0x2  }
0x1bc: {  	s13 =	sshll.u32 s12, $0xB;
	p0 =	seq.s32 s12, $0xF;
	s12 =	rddreg [dreg:$0x5]  }
0x1bd: {  	[dreg:$0xb] =	wrdreg s13;
	s12 =	sadd.s32 @!p0 s13, s12;
	s13 =	simm.s32 @!p0 $0x0  }
0x1be: {  	[tilespmem:s13], [sflag:$0x1] =	stream.linear.gather @!p0 [hbm4b:s12+s13], $0x2000, $0x38;
	[tilespmem:$0x4200] =	vst v63  }
0x1bf: {  	s12 =	simm.s32 $0x0;
	_ =	swait.ge [sflag:s15], $0x2000  }
0x1c0: {  	s16 =	sand.u32 $0x1000, s12;
	s14 =	sand.u32 $0x300, s12;
	[sflag:s15] =	ssyncset.done $0x0  }
0x1c1: {  	s13 =	sor.u32 s14, s16;
	[sflag:s15] =	ssyncadd.s32 $0xFFFFE000  }
0x1c2: {  	v59 =	vld [tilespmem:s13+$0x28C0];
	_ =	sdelay $0x4  }
0x1c3: {  	[tilespmem:$0x1FC20] =	vst v59  }
0x1c4: {  	v3 =	vld [tilespmem:s13+$0x28D0];
	_ =	sdelay $0x4  }
0x1c5: {  	[tilespmem:$0x1FC30] =	vst v3  }
0x1c6: {  	v60 =	vld [tilespmem:s13+$0x28E0];
	_ =	sdelay $0x4  }
0x1c7: {  	[tilespmem:$0x1FC40] =	vst v60  }
0x1c8: {  	v61 =	vld [tilespmem:s13+$0x28F0];
	_ =	sdelay $0x4  }
0x1c9: {  	[tilespmem:$0x1FC50] =	vst v61  }
0x1ca: {  	v9 =	vld [tilespmem:s13+$0x2880];
	_ =	sdelay $0x4  }
0x1cb: {  	[tilespmem:$0x1FBE0] =	vst v9  }
0x1cc: {  	v11 =	vld [tilespmem:s13+$0x2890];
	_ =	sdelay $0x4  }
0x1cd: {  	[tilespmem:$0x1FBF0] =	vst v11  }
0x1ce: {  	v12 =	vld [tilespmem:s13+$0x28A0];
	_ =	sdelay $0x4  }
0x1cf: {  	[tilespmem:$0x1FC00] =	vst v12  }
0x1d0: {  	v5 =	vld [tilespmem:s13+$0x28B0];
	_ =	sdelay $0x4  }
0x1d1: {  	[tilespmem:$0x1FC10] =	vst v5  }
0x1d2: {  	v13 =	vld [tilespmem:s13+$0x24C0];
	_ =	sdelay $0x4  }
0x1d3: {  	[tilespmem:$0x1FBC0] =	vst v13  }
0x1d4: {  	v4 =	vld [tilespmem:s13+$0x24D0];
	_ =	sdelay $0x4  }
0x1d5: {  	[tilespmem:$0x1FBD0] =	vst v4  }
0x1d6: {  	v15 =	vld [tilespmem:s13+$0x2480];
	_ =	sdelay $0x4  }
0x1d7: {  	[tilespmem:$0x1FBA0] =	vst v15  }
0x1d8: {  	v17 =	vld [tilespmem:s13+$0x2490];
	_ =	sdelay $0x4  }
0x1d9: {  	[tilespmem:$0x1FBB0] =	vst v17  }
0x1da: {  	v43 =	vld [tilespmem:s13+$0x2080]  }
0x1db: {  	v47 =	vld [tilespmem:s13+$0x2090]  }
0x1dc: {  	s16 =	sand.u32 $0x3, s12;
	v45 =	vld [tilespmem:s13+$0x20A0]  }
0x1dd: {  	s14 =	sshll.u32 s16, $0x8;
	v39 =	vld [tilespmem:s13+$0x20B0]  }
0x1de: {  	s14 =	sadd.s32 $0x0, s14;
	v40 =	vld [tilespmem:s13+$0x20C0]  }
0x1df: {  	s15 =	sadd.s32 $0x80, s14;
	v44 =	vld [tilespmem:s13+$0x20D0]  }
0x1e0: {  	s16 =	sor.u32 $0xC40, s15;
	v41 =	vld [tilespmem:s13+$0x20E0]  }
0x1e1: {  	v62 =	vld [tilespmem:s16+$0x2000]  }
0x1e2: {  	v0 =	vmul.f32 v59, v59;
	v42 =	vld [tilespmem:s13+$0x20F0]  }
0x1e3: {  	v6 =	vmul.f32 v3, v3;
	v7 =	vmul.f32 v60, v60;
	v37 =	vld [tilespmem:s13+$0x24A0]  }
0x1e4: {  	v9 =	vmul.f32 v9, v9;
	v10 =	vmul.f32 v11, v11;
	v38 =	vld [tilespmem:s13+$0x24B0]  }
0x1e5: {  	v13 =	vmul.f32 v13, v13;
	v14 =	vmul.f32 v4, v4;
	v33 =	vld [tilespmem:s13+$0x24E0]  }
0x1e6: {  	v15 =	vmul.f32 v15, v15;
	v16 =	vmul.f32 v17, v17;
	v36 =	vld [tilespmem:s13+$0x24F0];
	s16 =	sor.u32 $0xC50, s15;
	[tilespmem:$0x1FC60] =	vst v62  }
0x1e7: {  	v17 =	vmul.f32 v43, v43;
	v18 =	vmul.f32 v47, v47;
	v63 =	vld [tilespmem:s16+$0x2000]  }
0x1e8: {  	v19 =	vmul.f32 v45, v45;
	v20 =	vmul.f32 v39, v39  }
0x1e9: {  	v29 =	vmul.f32 v40, v40;
	v30 =	vmul.f32 v44, v44  }
0x1ea: {  	v31 =	vmul.f32 v41, v41;
	v32 =	vmul.f32 v42, v42  }
0x1eb: {  	v28 =	vld [tilespmem:$0x1FFC0];
	v34 =	vmul.f32 v37, v37;
	v17 =	vadd.f32 v29, v17;
	v18 =	vadd.f32 v30, v18  }
0x1ec: {  	v27 =	vld [tilespmem:$0x1FFD0];
	v3 =	vmul.f32 v38, v38;
	s16 =	sor.u32 $0xC00, s15;
	v19 =	vadd.f32 v31, v19;
	v20 =	vadd.f32 v32, v20;
	[tilespmem:$0x1FC70] =	vst v63  }
0x1ed: {  	v15 =	vadd.f32 v15, v17;
	v16 =	vadd.f32 v16, v18;
	v17 =	vmul.f32 v33, v33;
	v58 =	vld [tilespmem:s16+$0x2000];
	s16 =	sor.u32 $0xC10, s15  }
0x1ee: {  	v18 =	vadd.f32 v34, v19;
	v19 =	vadd.f32 v3, v20;
	v20 =	vmul.f32 v36, v36;
	v30 =	vld [tilespmem:s16+$0x2000];
	s16 =	sor.u32 $0xC20, s15  }
0x1ef: {  	v11 =	vmul.f32 v12, v12;
	v13 =	vadd.f32 v13, v15;
	v14 =	vadd.f32 v14, v16;
	v31 =	vld [tilespmem:s16+$0x2000];
	s16 =	sor.u32 $0xC30, s15  }
0x1f0: {  	v12 =	vmul.f32 v5, v5;
	v16 =	vadd.f32 v17, v18;
	v17 =	vadd.f32 v20, v19;
	v34 =	vld [tilespmem:s16+$0x2000];
	s16 =	sor.u32 $0xC60, s15  }
0x1f1: {  	v8 =	vmul.f32 v61, v61;
	v9 =	vadd.f32 v9, v13;
	v10 =	vadd.f32 v10, v14;
	s15 =	sor.u32 $0xC70, s15;
	v32 =	vld [tilespmem:s16+$0x2000]  }
0x1f2: {  	v15 =	vmul.f32 v62, v62;
	v11 =	vadd.f32 v11, v16;
	v12 =	vadd.f32 v12, v17;
	v35 =	vld [tilespmem:s15+$0x2000]  }
0x1f3: {  	v26 =	vld [tilespmem:$0x1FFE0];
	v18 =	vmul.f32 v63, v63;
	v0 =	vadd.f32 v0, v9;
	v6 =	vadd.f32 v6, v10  }
0x1f4: {  	v25 =	vld [tilespmem:$0x1FFF0];
	v7 =	vadd.f32 v7, v11;
	v13 =	vmul.f32 v58, v58;
	v14 =	vmul.f32 v30, v30  }
0x1f5: {  	v48 =	vld [tilespmem:s13+$0x2000];
	v8 =	vadd.f32 v8, v12;
	v9 =	vmul.f32 v31, v31;
	v10 =	vmul.f32 v34, v34  }
0x1f6: {  	v51 =	vld [tilespmem:s13+$0x2010];
	v0 =	vadd.f32 v13, v0;
	v6 =	vadd.f32 v14, v6;
	v11 =	vmul.f32 v32, v32  }
0x1f7: {  	v46 =	vld [tilespmem:s13+$0x2020];
	v7 =	vadd.f32 v9, v7;
	v9 =	vmul.f32 v35, v35;
	v8 =	vadd.f32 v10, v8  }
0x1f8: {  	v50 =	vld [tilespmem:s13+$0x2030];
	v0 =	vadd.f32 v15, v0;
	v6 =	vadd.f32 v18, v6  }
0x1f9: {  	v52 =	vld [tilespmem:s13+$0x2040];
	v7 =	vadd.f32 v11, v7;
	v8 =	vadd.f32 v9, v8  }
0x1fa: {  	v49 =	vld [tilespmem:s13+$0x2050]  }
0x1fb: {  	v54 =	vld [tilespmem:s13+$0x2420];
	v0 =	vadd.f32 v6, v0;
	v6 =	vadd.f32 v8, v7  }
0x1fc: {  	v56 =	vld [tilespmem:s13+$0x2060]  }
0x1fd: {  	v57 =	vld [tilespmem:s13+$0x2070];
	v0 =	vadd.f32 v6, v0  }
0x1fe: {  	v53 =	vld [tilespmem:s13+$0x2400]  }
0x1ff: {  	v61 =	vld [tilespmem:s13+$0x2410];
	v6 =	vperm.xlane v0, v28  }
0x200: {  	v59 =	vld [tilespmem:s13+$0x2430];
	v16 =	vmul.f32 v54, v54;
	v13 =	vmul.f32 v49, v49  }
0x201: {  	v60 =	vld [tilespmem:s13+$0x2440];
	v14 =	vmul.f32 v56, v56;
	v10 =	vmul.f32 v50, v50;
	v6 =	vadd.f32 v0, v6  }
0x202: {  	v63 =	vld [tilespmem:s13+$0x2450];
	v11 =	vmul.f32 v52, v52;
	v7 =	vmul.f32 v48, v48  }
0x203: {  	v62 =	vld [tilespmem:s13+$0x2460];
	v8 =	vmul.f32 v51, v51;
	v12 =	vperm.xlane v6, v27  }
0x204: {  	v29 =	vld [tilespmem:s13+$0x2470];
	v9 =	vmul.f32 v46, v46;
	v11 =	vadd.f32 v11, v7;
	v7 =	vmul.f32 v57, v57  }
0x205: {  	v55 =	vld [tilespmem:s13+$0x2800];
	v13 =	vadd.f32 v13, v8;
	v8 =	vmul.f32 v53, v53;
	v12 =	vadd.f32 v6, v12  }
0x206: {  	v14 =	vadd.f32 v14, v9;
	v9 =	vmul.f32 v61, v61;
	v10 =	vadd.f32 v7, v10;
	v7 =	vld [tilespmem:s13+$0x2820]  }
0x207: {  	v17 =	vmul.f32 v59, v59;
	v11 =	vadd.f32 v8, v11;
	v8 =	vld [tilespmem:s13+$0x2830];
	v15 =	vperm.xlane v12, v26  }
0x208: {  	v14 =	vadd.f32 v16, v14;
	v13 =	vadd.f32 v9, v13;
	v9 =	vld [tilespmem:s13+$0x2840]  }
0x209: {  	v18 =	vmul.f32 v60, v60;
	v16 =	vadd.f32 v17, v10;
	v10 =	vld [tilespmem:s13+$0x2850];
	v15 =	vadd.f32 v12, v15  }
0x20a: {  	v6 =	vld [tilespmem:s13+$0x2810];
	v12 =	vmul.f32 v63, v63  }
0x20b: {  	v17 =	vadd.f32 v18, v11;
	v18 =	vmul.f32 v62, v62;
	v11 =	vld [tilespmem:s13+$0x2860];
	v19 =	vperm.xlane v15, v25  }
0x20c: {  	s15 =	sor.u32 $0xC00, s14;
	v1 =	vmul.f32 v55, v55;
	v0 =	vmul.f32 v29, v29;
	v20 =	vadd.f32 v12, v13;
	v12 =	vld [tilespmem:s13+$0x2870]  }
0x20d: {  	v21 =	vadd.f32 v18, v14;
	s13 =	sor.u32 $0xC10, s14;
	v13 =	vld [tilespmem:s15+$0x2000];
	v15 =	vadd.f32 v15, v19  }
0x20e: {  	v18 =	vadd.f32 v0, v16;
	s15 =	sor.u32 $0xC20, s14;
	v14 =	vld [tilespmem:s13+$0x2000];
	v19 =	vadd.f32 v1, v17  }
0x20f: {  	s13 =	sor.u32 $0xC30, s14;
	v17 =	vmul.f32 v6, v6;
	v16 =	vshra.s32 v15, $0x1;
	v23 =	vmul.f32 $5.000000000e-01, v15;
	v15 =	vld [tilespmem:s15+$0x2000]  }
0x210: {  	v2 =	vmul.f32 v8, v8;
	v1 =	vmul.f32 v7, v7;
	s15 =	sor.u32 $0xC40, s14;
	v0 =	vsub.s32 $0x5F3759DF, v16;
	v16 =	vld [tilespmem:s13+$0x2000]  }
0x211: {  	v3 =	vmul.f32 v9, v9;
	v20 =	vadd.f32 v17, v20;
	s13 =	sor.u32 $0xC50, s14;
	v17 =	vld [tilespmem:s15+$0x2000];
	v4 =	vmul.f32 v0, v23  }
0x212: {  	v24 =	vadd.f32 v2, v18;
	v22 =	vadd.f32 v1, v21;
	v21 =	vmul.f32 v10, v10;
	s15 =	sor.u32 $0xC60, s14;
	v18 =	vld [tilespmem:s13+$0x2000]  }
0x213: {  	v5 =	vadd.f32 v3, v19;
	v1 =	vmul.f32 v11, v11;
	s14 =	sor.u32 $0xC70, s14;
	v19 =	vld [tilespmem:s15+$0x2000];
	v4 =	vmul.f32 v0, v4  }
0x214: {  	v2 =	vmul.f32 v12, v12;
	v3 =	vmul.f32 v13, v13;
	v21 =	vadd.f32 v21, v20;
	v20 =	vld [tilespmem:s14+$0x2000]  }
0x215: {  	v1 =	vadd.f32 v1, v22;
	v22 =	vmul.f32 v14, v14;
	v4 =	vsub.f32 $1.500000000e+00, v4  }
0x216: {  	v2 =	vadd.f32 v2, v24;
	v3 =	vadd.f32 v3, v5;
	v5 =	vmul.f32 v15, v15  }
0x217: {  	v21 =	vadd.f32 v22, v21;
	v0 =	vmul.f32 v0, v4;
	v4 =	vmul.f32 v16, v16  }
0x218: {  	v1 =	vadd.f32 v5, v1;
	v5 =	vmul.f32 v17, v17;
	v22 =	vmul.f32 v18, v18  }
0x219: {  	v24 =	vmul.f32 v20, v20;
	v2 =	vadd.f32 v4, v2;
	v4 =	vmul.f32 v19, v19  }
0x21a: {  	v3 =	vadd.f32 v5, v3;
	v5 =	vadd.f32 v22, v21  }
0x21b: {  	v1 =	vadd.f32 v4, v1;
	v2 =	vadd.f32 v24, v2;
	v4 =	vmul.f32 v0, v23;
	_ =	sdelay $0x1  }
0x21c: {  	v3 =	vadd.f32 v5, v3;
	v1 =	vadd.f32 v2, v1;
	v2 =	vmul.f32 v4, v0;
	_ =	sdelay $0x1  }
0x21d: {  	v1 =	vadd.f32 v1, v3;
	v2 =	vsub.f32 $1.500000000e+00, v2;
	_ =	sdelay $0x1  }
0x21e: {  	v0 =	vmul.f32 v2, v0;
	v28 =	vperm.xlane v1, v28;
	_ =	sdelay $0x1  }
0x21f: {  	v1 =	vadd.f32 v1, v28;
	v28 =	vmul.f32 v0, v23;
	_ =	sdelay $0x1  }
0x220: {  	v2 =	vmul.f32 v28, v0;
	_ =	sdelay $0x1  }
0x221: {  	v28 =	vperm.xlane v1, v27;
	v2 =	vsub.f32 $1.500000000e+00, v2;
	_ =	sdelay $0x1  }
0x222: {  	v1 =	vadd.f32 v1, v28;
	v0 =	vmul.f32 v2, v0;
	_ =	sdelay $0x1  }
0x223: {  	v28 =	vperm.xlane v1, v26;
	v43 =	vmul.f32 v0, v43  }
0x224: {  	v47 =	vmul.f32 v0, v47  }
0x225: {  	v1 =	vadd.f32 v1, v28;
	v28 =	vmul.f32 v0, v45;
	[tilespmem:s17+$0x0] =	vst.add.f32.msk $0xffff, v43  }
0x226: {  	v43 =	vmul.f32 v0, v39;
	[tilespmem:s18+$0x0] =	vst.add.f32.msk $0xffff, v47  }
0x227: {  	s15 =	simm.s32 $0x4030;
	v45 =	vmul.f32 v0, v40;
	v4 =	vperm.xlane v1, v25;
	[tilespmem:s19+$0x0] =	vst.add.f32.msk $0xffff, v28  }
0x228: {  	s13 =	simm.s32 $0x4040;
	v47 =	vmul.f32 v0, v44;
	[tilespmem:s15+$0x0] =	vst.add.f32.msk $0xffff, v43  }
0x229: {  	s14 =	simm.s32 $0x4050;
	v1 =	vadd.f32 v1, v4;
	v4 =	vmul.f32 v0, v41;
	[tilespmem:s13+$0x0] =	vst.add.f32.msk $0xffff, v45  }
0x22a: {  	[tilespmem:s14+$0x0] =	vst.add.f32.msk $0xffff, v47  }
0x22b: {  	v39 =	vmul.f32 v0, v42;
	[tilespmem:s23+$0x0] =	vst.add.f32.msk $0xffff, v4  }
0x22c: {  	v5 =	vld [tilespmem:$0x1FBA0]  }
0x22d: {  	[tilespmem:s20+$0x0] =	vst.add.f32.msk $0xffff, v39  }
0x22e: {  	v3 =	vld [tilespmem:$0x1FBB0];
	_ =	sdelay $0x3  }
0x22f: {  	v5 =	vmul.f32 v0, v5  }
0x230: {  	v3 =	vmul.f32 v0, v3  }
0x231: {  	[tilespmem:s0+$0x0] =	vst.add.f32.msk $0xffff, v5;
	v5 =	vmul.f32 v0, v37  }
0x232: {  	[tilespmem:s1+$0x0] =	vst.add.f32.msk $0xffff, v3  }
0x233: {  	v40 =	vmul.f32 v0, v38;
	[tilespmem:s22+$0x0] =	vst.add.f32.msk $0xffff, v5  }
0x234: {  	s16 =	simm.s32 $0x40B0;
	v28 =	vshra.s32 v1, $0x1;
	v1 =	vmul.f32 $5.000000000e-01, v1;
	v5 =	vld [tilespmem:$0x1FBC0]  }
0x235: {  	v2 =	vsub.s32 $0x5F3759DF, v28;
	[tilespmem:s16+$0x0] =	vst.add.f32.msk $0xffff, v40  }
0x236: {  	v4 =	vmul.f32 v2, v1;
	v3 =	vld [tilespmem:$0x1FBD0];
	_ =	sdelay $0x1  }
0x237: {  	v4 =	vmul.f32 v2, v4;
	_ =	sdelay $0x1  }
0x238: {  	v4 =	vsub.f32 $1.500000000e+00, v4;
	v5 =	vmul.f32 v0, v5  }
0x239: {  	s23 =	simm.s32 $0x40C0;
	v3 =	vmul.f32 v0, v3  }
0x23a: {  	v2 =	vmul.f32 v2, v4;
	v4 =	vmul.f32 v0, v33;
	[tilespmem:s23+$0x0] =	vst.add.f32.msk $0xffff, v5  }
0x23b: {  	[tilespmem:s4+$0x0] =	vst.add.f32.msk $0xffff, v3  }
0x23c: {  	v41 =	vmul.f32 v0, v36;
	[tilespmem:s7+$0x0] =	vst.add.f32.msk $0xffff, v4  }
0x23d: {  	v5 =	vld [tilespmem:$0x1FBE0]  }
0x23e: {  	[tilespmem:s2+$0x0] =	vst.add.f32.msk $0xffff, v41  }
0x23f: {  	v3 =	vld [tilespmem:$0x1FBF0];
	_ =	sdelay $0x2  }
0x240: {  	v5 =	vmul.f32 v0, v5;
	_ =	sdelay $0x1  }
0x241: {  	v3 =	vmul.f32 v0, v3;
	[tilespmem:s3+$0x0] =	vst.add.f32.msk $0xffff, v5  }
0x242: {  	v5 =	vld [tilespmem:$0x1FC00]  }
0x243: {  	[tilespmem:s8+$0x0] =	vst.add.f32.msk $0xffff, v3  }
0x244: {  	v3 =	vld [tilespmem:$0x1FC10];
	_ =	sdelay $0x2  }
0x245: {  	v5 =	vmul.f32 v0, v5;
	_ =	sdelay $0x1  }
0x246: {  	v3 =	vmul.f32 v0, v3;
	[tilespmem:s5+$0x0] =	vst.add.f32.msk $0xffff, v5  }
0x247: {  	v5 =	vld [tilespmem:$0x1FC20]  }
0x248: {  	[tilespmem:s6+$0x0] =	vst.add.f32.msk $0xffff, v3  }
0x249: {  	v4 =	vmul.f32 v2, v1;
	v3 =	vld [tilespmem:$0x1FC30];
	_ =	sdelay $0x1  }
0x24a: {  	v4 =	vmul.f32 v4, v2  }
0x24b: {  	v5 =	vmul.f32 v0, v5  }
0x24c: {  	v4 =	vsub.f32 $1.500000000e+00, v4  }
0x24d: {  	v3 =	vmul.f32 v0, v3;
	[tilespmem:s9+$0x0] =	vst.add.f32.msk $0xffff, v5  }
0x24e: {  	v2 =	vmul.f32 v4, v2;
	v4 =	vld [tilespmem:$0x1FC40]  }
0x24f: {  	[tilespmem:s10+$0x0] =	vst.add.f32.msk $0xffff, v3  }
0x250: {  	v3 =	vld [tilespmem:$0x1FC50];
	_ =	sdelay $0x3  }
0x251: {  	v1 =	vmul.f32 v2, v1;
	v4 =	vmul.f32 v0, v4  }
0x252: {  	v3 =	vmul.f32 v0, v3  }
0x253: {  	v1 =	vmul.f32 v1, v2;
	[tilespmem:s11+$0x0] =	vst.add.f32.msk $0xffff, v4;
	v4 =	vmul.f32 v0, v58  }
0x254: {  	v42 =	vmul.f32 v0, v30;
	[tilespmem:s30+$0x0] =	vst.add.f32.msk $0xffff, v3  }
0x255: {  	v1 =	vsub.f32 $1.500000000e+00, v1;
	[tilespmem:s29+$0x0] =	vst.add.f32.msk $0xffff, v4;
	v4 =	vmul.f32 v0, v31  }
0x256: {  	[tilespmem:s21+$0x0] =	vst.add.f32.msk $0xffff, v42  }
0x257: {  	v43 =	vmul.f32 v0, v34;
	v25 =	vmul.f32 v1, v2;
	[tilespmem:s25+$0x0] =	vst.add.f32.msk $0xffff, v4  }
0x258: {  	v4 =	vld [tilespmem:$0x1FC60]  }
0x259: {  	v45 =	vmul.f32 v25, v48;
	[tilespmem:s31+$0x0] =	vst.add.f32.msk $0xffff, v43  }
0x25a: {  	v2 =	vmul.f32 v25, v51;
	v3 =	vld [tilespmem:$0x1FC70]  }
0x25b: {  	v46 =	vmul.f32 v25, v46;
	[tilespmem:s17+$0x0] =	vst.add.f32.msk $0xffff, v45  }
0x25c: {  	v47 =	vmul.f32 v25, v50;
	[tilespmem:s18+$0x0] =	vst.add.f32.msk $0xffff, v2  }
0x25d: {  	v44 =	vmul.f32 v0, v32;
	v52 =	vmul.f32 v25, v52;
	[tilespmem:s19+$0x0] =	vst.add.f32.msk $0xffff, v46  }
0x25e: {  	v23 =	vmul.f32 v25, v56;
	[tilespmem:s15+$0x0] =	vst.add.f32.msk $0xffff, v47;
	v4 =	vmul.f32 v0, v4  }
0x25f: {  	v22 =	vmul.f32 v25, v57;
	[tilespmem:s13+$0x0] =	vst.add.f32.msk $0xffff, v52;
	v3 =	vmul.f32 v0, v3  }
0x260: {  	v50 =	vmul.f32 v25, v61;
	v41 =	vmul.f32 v25, v59;
	[tilespmem:s28+$0x0] =	vst.add.f32.msk $0xffff, v4  }
0x261: {  	v39 =	vmul.f32 v25, v60;
	v4 =	vmul.f32 v25, v49;
	[tilespmem:s26+$0x0] =	vst.add.f32.msk $0xffff, v3  }
0x262: {  	v37 =	vmul.f32 v25, v63;
	v0 =	vmul.f32 v0, v35;
	[tilespmem:s24+$0x0] =	vst.add.f32.msk $0xffff, v44  }
0x263: {  	v36 =	vmul.f32 v25, v62;
	v58 =	vmul.f32 v25, v53;
	s31 =	simm.s32 $0x41F0;
	[tilespmem:s14+$0x0] =	vst.add.f32.msk $0xffff, v4  }
0x264: {  	v47 =	vmul.f32 v25, v54;
	s15 =	simm.s32 $0x400;
	s13 =	simm.s32 $0x0;
	v35 =	vmul.f32 v25, v29;
	s14 =	simm.s32 $0x100;
	[tilespmem:s31+$0x0] =	vst.add.f32.msk $0xffff, v0  }
.LBB2_5:
0x265: {  	s0 =	simm.s32 $0x4060  }
0x266: {  	s16 =	sand.u32 $0x1000, s15;
	s17 =	sand.u32 $0x300, s14;
	s31 =	simm.s32 $0x4070;
	[tilespmem:s0+$0x0] =	vst.add.f32.msk $0xffff, v23  }
0x267: {  	s16 =	sor.u32 s17, s16;
	[tilespmem:s31+$0x0] =	vst.add.f32.msk $0xffff, v22  }
0x268: {  	v42 =	vld [tilespmem:s16+$0x28C0]  }
0x269: {  	v2 =	vld [tilespmem:s16+$0x28D0]  }
0x26a: {  	v3 =	vld [tilespmem:s16+$0x28E0]  }
0x26b: {  	v4 =	vld [tilespmem:s16+$0x28F0]  }
0x26c: {  	v5 =	vld [tilespmem:s16+$0x2880]  }
0x26d: {  	v0 =	vmul.f32 v25, v55;
	v34 =	vmul.f32 v25, v6;
	v6 =	vld [tilespmem:s16+$0x2890]  }
0x26e: {  	v38 =	vmul.f32 v25, v7;
	v40 =	vmul.f32 v25, v8;
	v7 =	vld [tilespmem:s16+$0x28A0]  }
0x26f: {  	v1 =	vmul.f32 v25, v9;
	v43 =	vmul.f32 v25, v10;
	v8 =	vld [tilespmem:s16+$0x28B0]  }
0x270: {  	v44 =	vmul.f32 v25, v11;
	v45 =	vmul.f32 v25, v12;
	v9 =	vld [tilespmem:s16+$0x24C0]  }
0x271: {  	v46 =	vmul.f32 v25, v13;
	v48 =	vmul.f32 v25, v14;
	v10 =	vld [tilespmem:s16+$0x24D0]  }
0x272: {  	v49 =	vmul.f32 v25, v15;
	v51 =	vmul.f32 v25, v16;
	v11 =	vld [tilespmem:s16+$0x2480]  }
0x273: {  	v52 =	vmul.f32 v25, v17;
	v53 =	vmul.f32 v25, v18;
	v12 =	vld [tilespmem:s16+$0x2490]  }
0x274: {  	v54 =	vmul.f32 v25, v19;
	v55 =	vmul.f32 v25, v20;
	v25 =	vld [tilespmem:s16+$0x2080]  }
0x275: {  	[tilespmem:$0x1F940] =	vst v0;
	v27 =	vld [tilespmem:s16+$0x2090]  }
0x276: {  	[tilespmem:$0x1F950] =	vst v34;
	v30 =	vld [tilespmem:s16+$0x20A0]  }
0x277: {  	[tilespmem:$0x1F9C0] =	vst v46;
	v32 =	vld [tilespmem:s16+$0x20B0]  }
0x278: {  	[tilespmem:$0x1F9E0] =	vst v49;
	v33 =	vld [tilespmem:s16+$0x20C0]  }
0x279: {  	v31 =	vld [tilespmem:s16+$0x20D0];
	[tilespmem:$0x1FB00] =	vst v4  }
0x27a: {  	v34 =	vld [tilespmem:s16+$0x20E0];
	[tilespmem:$0x1FA90] =	vst v5  }
0x27b: {  	v29 =	vld [tilespmem:s16+$0x20F0];
	[tilespmem:$0x1FAA0] =	vst v6;
	v0 =	vmul.f32 v42, v42;
	v56 =	vmul.f32 v2, v2  }
0x27c: {  	v60 =	vld [tilespmem:s16+$0x24A0];
	[tilespmem:$0x1FAB0] =	vst v7;
	v57 =	vmul.f32 v3, v3;
	v59 =	vmul.f32 v4, v4  }
0x27d: {  	v63 =	vld [tilespmem:s16+$0x24B0];
	[tilespmem:$0x1FAC0] =	vst v8;
	v4 =	vmul.f32 v5, v5;
	v5 =	vmul.f32 v6, v6  }
0x27e: {  	s12 =	sadd.s32 $0x1, s12;
	v23 =	vld [tilespmem:s16+$0x24E0];
	[tilespmem:$0x1FA60] =	vst v9;
	v6 =	vmul.f32 v7, v7;
	v7 =	vmul.f32 v8, v8  }
0x27f: {  	s0 =	sand.u32 $0x3, s12;
	v62 =	vld [tilespmem:s16+$0x24F0];
	[tilespmem:$0x1FA70] =	vst v10;
	v8 =	vmul.f32 v9, v9;
	v9 =	vmul.f32 v10, v10  }
0x280: {  	s17 =	sshll.u32 s0, $0x8;
	v46 =	vld [tilespmem:$0x1FFC0];
	[tilespmem:$0x1FA40] =	vst v11;
	v10 =	vmul.f32 v11, v11;
	v11 =	vmul.f32 v12, v12  }
0x281: {  	v49 =	vld [tilespmem:$0x1FFD0];
	s17 =	sadd.s32 s17, s15;
	[tilespmem:$0x1FA50] =	vst v12;
	v12 =	vmul.f32 v25, v25;
	v13 =	vmul.f32 v27, v27  }
0x282: {  	[tilespmem:$0x1FA10] =	vst v53;
	v53 =	vld [tilespmem:$0x1FFE0];
	s25 =	sadd.s32 $0x80, s17;
	v14 =	vmul.f32 v30, v30;
	v15 =	vmul.f32 v32, v32  }
0x283: {  	[tilespmem:$0x1FA20] =	vst v54;
	v54 =	vld [tilespmem:$0x1FFF0];
	s19 =	sor.u32 $0xC40, s25;
	v16 =	vmul.f32 v33, v33;
	v17 =	vmul.f32 v31, v31  }
0x284: {  	s26 =	sor.u32 $0xC50, s25;
	v20 =	vld [tilespmem:s19+$0x2000];
	v18 =	vmul.f32 v34, v34;
	v19 =	vmul.f32 v29, v29  }
0x285: {  	s28 =	sor.u32 $0xC00, s25;
	v21 =	vld [tilespmem:s26+$0x2000];
	v12 =	vadd.f32 v16, v12;
	v13 =	vadd.f32 v17, v13;
	v16 =	vmul.f32 v60, v60  }
0x286: {  	s2 =	sor.u32 $0xC10, s25;
	v22 =	vld [tilespmem:s28+$0x2000];
	v14 =	vadd.f32 v18, v14;
	v15 =	vadd.f32 v19, v15;
	v17 =	vmul.f32 v63, v63  }
0x287: {  	s3 =	sor.u32 $0xC20, s25;
	v18 =	vld [tilespmem:s2+$0x2000];
	v10 =	vadd.f32 v10, v12;
	v11 =	vadd.f32 v11, v13;
	v12 =	vmul.f32 v23, v23  }
0x288: {  	s4 =	sor.u32 $0xC30, s25;
	v19 =	vld [tilespmem:s3+$0x2000];
	v13 =	vadd.f32 v16, v14;
	v14 =	vadd.f32 v17, v15;
	v15 =	vmul.f32 v62, v62  }
0x289: {  	s5 =	sor.u32 $0xC60, s25;
	v17 =	vld [tilespmem:s4+$0x2000];
	v8 =	vadd.f32 v8, v10;
	v9 =	vadd.f32 v9, v11;
	v10 =	vmul.f32 v20, v20  }
0x28a: {  	[tilespmem:$0x1F960] =	vst v38;
	s25 =	sor.u32 $0xC70, s25;
	v16 =	vld [tilespmem:s5+$0x2000];
	v11 =	vadd.f32 v12, v13;
	v12 =	vadd.f32 v15, v14;
	v13 =	vmul.f32 v21, v21  }
0x28b: {  	[tilespmem:$0x1F970] =	vst v40;
	v14 =	vld [tilespmem:s25+$0x2000];
	v4 =	vadd.f32 v4, v8;
	v5 =	vadd.f32 v5, v9;
	v8 =	vmul.f32 v22, v22  }
0x28c: {  	[tilespmem:$0x1F980] =	vst v1;
	v40 =	vld [tilespmem:s16+$0x2010];
	v6 =	vadd.f32 v6, v11;
	v7 =	vadd.f32 v7, v12;
	v9 =	vmul.f32 v18, v18  }
0x28d: {  	v38 =	vld [tilespmem:s16+$0x2020];
	[tilespmem:$0x1FAE0] =	vst v2;
	v0 =	vadd.f32 v0, v4;
	v1 =	vadd.f32 v56, v5;
	v4 =	vmul.f32 v19, v19  }
0x28e: {  	v28 =	vld [tilespmem:s16+$0x2030];
	[tilespmem:$0x1FAF0] =	vst v3;
	v2 =	vadd.f32 v57, v6;
	v3 =	vadd.f32 v59, v7;
	v5 =	vmul.f32 v17, v17  }
0x28f: {  	v26 =	vld [tilespmem:s16+$0x2040];
	v6 =	vmul.f32 v16, v16;
	v0 =	vadd.f32 v8, v0;
	v1 =	vadd.f32 v9, v1  }
0x290: {  	v24 =	vld [tilespmem:s16+$0x2050];
	v2 =	vadd.f32 v4, v2;
	v3 =	vadd.f32 v5, v3;
	v4 =	vmul.f32 v14, v14  }
0x291: {  	[tilespmem:$0x1FA30] =	vst v55;
	v15 =	vld [tilespmem:s16+$0x2000];
	v0 =	vadd.f32 v10, v0;
	v1 =	vadd.f32 v13, v1  }
0x292: {  	v55 =	vld [tilespmem:s16+$0x2800];
	[tilespmem:$0x1FAD0] =	vst v42;
	v2 =	vadd.f32 v6, v2;
	v3 =	vadd.f32 v4, v3  }
0x293: {  	[tilespmem:$0x1FA80] =	vst v23;
	v23 =	vld [tilespmem:s16+$0x2060]  }
0x294: {  	[tilespmem:$0x1FB10] =	vst v22;
	v22 =	vld [tilespmem:s16+$0x2070];
	v0 =	vadd.f32 v1, v0;
	v42 =	vadd.f32 v3, v2  }
0x295: {  	[tilespmem:$0x1FB60] =	vst v21;
	v21 =	vld [tilespmem:s16+$0x2400];
	v7 =	vmul.f32 v40, v40  }
0x296: {  	v5 =	vmul.f32 v15, v15;
	v9 =	vmul.f32 v26, v26;
	v4 =	vld [tilespmem:s16+$0x2410];
	v11 =	vadd.f32 v42, v0  }
0x297: {  	v6 =	vmul.f32 v38, v38;
	v10 =	vmul.f32 v24, v24;
	v3 =	vld [tilespmem:s16+$0x2420]  }
0x298: {  	v9 =	vadd.f32 v9, v5;
	v5 =	vmul.f32 v23, v23;
	v2 =	vld [tilespmem:s16+$0x2430];
	v12 =	vperm.xlane v11, v46  }
0x299: {  	v8 =	vmul.f32 v28, v28;
	v1 =	vld [tilespmem:s16+$0x2440];
	v7 =	vadd.f32 v10, v7;
	v10 =	vmul.f32 v22, v22  }
0x29a: {  	v13 =	vadd.f32 v5, v6;
	v0 =	vld [tilespmem:s16+$0x2450];
	v11 =	vadd.f32 v11, v12  }
0x29b: {  	v59 =	vld [tilespmem:s16+$0x2470];
	v6 =	vmul.f32 v21, v21;
	v8 =	vadd.f32 v10, v8;
	v10 =	vmul.f32 v4, v4  }
0x29c: {  	[tilespmem:$0x1FB90] =	vst v15;
	v5 =	vld [tilespmem:s16+$0x2460];
	v12 =	vmul.f32 v3, v3;
	v15 =	vperm.xlane v11, v49  }
0x29d: {  	[tilespmem:$0x1FB80] =	vst v14;
	v9 =	vadd.f32 v6, v9;
	v6 =	vld [tilespmem:s16+$0x2810];
	v10 =	vadd.f32 v10, v7;
	v14 =	vmul.f32 v2, v2  }
0x29e: {  	[tilespmem:$0x1FB20] =	vst v18;
	v7 =	vld [tilespmem:s16+$0x2820];
	v12 =	vadd.f32 v12, v13;
	v13 =	vmul.f32 v1, v1;
	v15 =	vadd.f32 v11, v15  }
0x29f: {  	[tilespmem:$0x1FB70] =	vst v16;
	v14 =	vadd.f32 v14, v8;
	v16 =	vmul.f32 v0, v0;
	v8 =	vld [tilespmem:s16+$0x2830]  }
0x2a0: {  	[tilespmem:$0x1FB40] =	vst v17;
	v17 =	vmul.f32 v59, v59;
	v13 =	vadd.f32 v13, v9;
	v9 =	vld [tilespmem:s16+$0x2840];
	v18 =	vperm.xlane v15, v53  }
0x2a1: {  	v16 =	vadd.f32 v16, v10;
	v11 =	vmul.f32 v5, v5  }
0x2a2: {  	[tilespmem:$0x1FB50] =	vst v20;
	v10 =	vld [tilespmem:s16+$0x2850];
	v17 =	vadd.f32 v17, v14;
	v14 =	vmul.f32 v6, v6;
	v18 =	vadd.f32 v15, v18  }
0x2a3: {  	s21 =	sor.u32 $0xC10, s17;
	v20 =	vmul.f32 v55, v55;
	[tilespmem:$0x1FB30] =	vst v19;
	v19 =	vadd.f32 v11, v12;
	v11 =	vld [tilespmem:s16+$0x2860]  }
0x2a4: {  	v61 =	vadd.f32 v14, v16;
	v14 =	vld [tilespmem:s21+$0x2000];
	v16 =	vmul.f32 v8, v8;
	v57 =	vperm.xlane v18, v54  }
0x2a5: {  	[tilespmem:$0x1F9B0] =	vst v45;
	s24 =	sor.u32 $0xC00, s17;
	v12 =	vld [tilespmem:s16+$0x2870];
	v20 =	vadd.f32 v20, v13;
	v15 =	vmul.f32 v7, v7;
	v56 =	vmul.f32 v9, v9  }
0x2a6: {  	[tilespmem:$0x1FA00] =	vst v52;
	s20 =	sor.u32 $0xC30, s17;
	v13 =	vld [tilespmem:s24+$0x2000];
	v52 =	vadd.f32 v16, v17;
	v18 =	vadd.f32 v18, v57  }
0x2a7: {  	[tilespmem:$0x1F9F0] =	vst v51;
	s23 =	sor.u32 $0xC20, s17;
	v51 =	vmul.f32 v10, v10;
	v16 =	vld [tilespmem:s20+$0x2000];
	v19 =	vadd.f32 v15, v19;
	v56 =	vadd.f32 v56, v20  }
0x2a8: {  	[tilespmem:$0x1F9D0] =	vst v48;
	s22 =	sor.u32 $0xC40, s17;
	v15 =	vld [tilespmem:s23+$0x2000];
	v20 =	vmul.f32 v11, v11;
	v48 =	vshra.s32 v18, $0x1;
	v45 =	vmul.f32 $5.000000000e-01, v18  }
0x2a9: {  	[tilespmem:$0x1F990] =	vst v43;
	s1 =	sor.u32 $0xC60, s17;
	v17 =	vld [tilespmem:s22+$0x2000];
	v51 =	vadd.f32 v51, v61;
	v48 =	vsub.s32 $0x5F3759DF, v48  }
0x2aa: {  	[tilespmem:$0x1F9A0] =	vst v44;
	s18 =	sor.u32 $0xC50, s17;
	v43 =	vmul.f32 v12, v12;
	v61 =	vadd.f32 v20, v19;
	v19 =	vld [tilespmem:s1+$0x2000];
	v44 =	vmul.f32 v48, v45  }
0x2ab: {  	v57 =	vmul.f32 v13, v13;
	v18 =	vld [tilespmem:s18+$0x2000]  }
0x2ac: {  	s17 =	sor.u32 $0xC70, s17;
	v52 =	vadd.f32 v43, v52;
	v44 =	vmul.f32 v48, v44  }
0x2ad: {  	s3 =	simm.s32 $0x4080;
	v20 =	vld [tilespmem:s17+$0x2000];
	v56 =	vadd.f32 v57, v56;
	v57 =	vmul.f32 v16, v16;
	v43 =	vmul.f32 v15, v15  }
0x2ae: {  	s6 =	simm.s32 $0x4090;
	v42 =	vmul.f32 v14, v14;
	[tilespmem:s3+$0x0] =	vst.add.f32.msk $0xffff, v58;
	v58 =	vmul.f32 v17, v17;
	v44 =	vsub.f32 $1.500000000e+00, v44  }
0x2af: {  	[tilespmem:s6+$0x0] =	vst.add.f32.msk $0xffff, v50;
	v50 =	vadd.f32 v57, v52;
	v43 =	vadd.f32 v43, v61;
	v57 =	vmul.f32 v19, v19  }
0x2b0: {  	s16 =	simm.s32 $0x40A0;
	v42 =	vadd.f32 v42, v51;
	v61 =	vmul.f32 v18, v18;
	v44 =	vmul.f32 v48, v44  }
0x2b1: {  	[tilespmem:s16+$0x0] =	vst.add.f32.msk $0xffff, v47;
	v47 =	vadd.f32 v58, v56;
	v52 =	vadd.f32 v57, v43  }
0x2b2: {  	s2 =	simm.s32 $0x40B0;
	v58 =	vadd.f32 v61, v42;
	v61 =	vmul.f32 v20, v20;
	v57 =	vmul.f32 v44, v45  }
0x2b3: {  	s4 =	simm.s32 $0x40C0;
	[tilespmem:s2+$0x0] =	vst.add.f32.msk $0xffff, v41  }
0x2b4: {  	s8 =	simm.s32 $0x40D0;
	[tilespmem:s4+$0x0] =	vst.add.f32.msk $0xffff, v39;
	v56 =	vadd.f32 v61, v50;
	v61 =	vmul.f32 v57, v44  }
0x2b5: {  	s2 =	simm.s32 $0x40E0;
	[tilespmem:s8+$0x0] =	vst.add.f32.msk $0xffff, v37  }
0x2b6: {  	[tilespmem:s2+$0x0] =	vst.add.f32.msk $0xffff, v36;
	v36 =	vsub.f32 $1.500000000e+00, v61;
	_ =	sdelay $0x1  }
0x2b7: {  	v36 =	vmul.f32 v36, v44;
	_ =	sdelay $0x1  }
0x2b8: {  	v41 =	vadd.f32 v58, v47;
	v58 =	vadd.f32 v56, v52;
	v56 =	vmul.f32 v36, v45;
	_ =	sdelay $0x1  }
0x2b9: {  	v37 =	vmul.f32 v56, v36;
	_ =	sdelay $0x1  }
0x2ba: {  	v37 =	vsub.f32 $1.500000000e+00, v37;
	_ =	sdelay $0x1  }
0x2bb: {  	v36 =	vmul.f32 v37, v36;
	_ =	sdelay $0x1  }
0x2bc: {  	v25 =	vmul.f32 v36, v25  }
0x2bd: {  	s1 =	simm.s32 $0x4000;
	v27 =	vmul.f32 v36, v27  }
0x2be: {  	s23 =	simm.s32 $0x4010;
	[tilespmem:s1+$0x0] =	vst.add.f32.msk $0xffff, v25;
	v25 =	vmul.f32 v36, v30  }
0x2bf: {  	s7 =	simm.s32 $0x4020;
	[tilespmem:s23+$0x0] =	vst.add.f32.msk $0xffff, v27;
	v27 =	vmul.f32 v36, v32  }
0x2c0: {  	s24 =	simm.s32 $0x4030;
	[tilespmem:s7+$0x0] =	vst.add.f32.msk $0xffff, v25;
	v25 =	vmul.f32 v36, v33  }
0x2c1: {  	s7 =	simm.s32 $0x4040;
	[tilespmem:s24+$0x0] =	vst.add.f32.msk $0xffff, v27;
	v27 =	vmul.f32 v36, v31  }
0x2c2: {  	s23 =	simm.s32 $0x4050;
	[tilespmem:s7+$0x0] =	vst.add.f32.msk $0xffff, v25;
	v25 =	vmul.f32 v36, v34  }
0x2c3: {  	s24 =	simm.s32 $0x4060;
	[tilespmem:s23+$0x0] =	vst.add.f32.msk $0xffff, v27  }
0x2c4: {  	v27 =	vmul.f32 v36, v29;
	[tilespmem:s24+$0x0] =	vst.add.f32.msk $0xffff, v25  }
0x2c5: {  	s7 =	simm.s32 $0x4070;
	v25 =	vld [tilespmem:$0x1FA40]  }
0x2c6: {  	[tilespmem:s7+$0x0] =	vst.add.f32.msk $0xffff, v27  }
0x2c7: {  	v27 =	vld [tilespmem:$0x1FA50];
	_ =	sdelay $0x3  }
0x2c8: {  	v25 =	vmul.f32 v36, v25  }
0x2c9: {  	s17 =	simm.s32 $0x4080;
	v27 =	vmul.f32 v36, v27  }
0x2ca: {  	s19 =	simm.s32 $0x4090;
	[tilespmem:s17+$0x0] =	vst.add.f32.msk $0xffff, v25;
	v25 =	vmul.f32 v36, v60  }
0x2cb: {  	[tilespmem:s19+$0x0] =	vst.add.f32.msk $0xffff, v27  }
0x2cc: {  	[tilespmem:s16+$0x0] =	vst.add.f32.msk $0xffff, v25  }
0x2cd: {  	v25 =	vld [tilespmem:$0x1FA60];
	_ =	sdelay $0x2  }
0x2ce: {  	v27 =	vmul.f32 v36, v63  }
0x2cf: {  	s16 =	simm.s32 $0x40B0  }
0x2d0: {  	[tilespmem:s16+$0x0] =	vst.add.f32.msk $0xffff, v27;
	v25 =	vmul.f32 v36, v25  }
0x2d1: {  	v27 =	vld [tilespmem:$0x1FA70]  }
0x2d2: {  	[tilespmem:s4+$0x0] =	vst.add.f32.msk $0xffff, v25  }
0x2d3: {  	v25 =	vld [tilespmem:$0x1FA80];
	_ =	sdelay $0x3  }
0x2d4: {  	v27 =	vmul.f32 v36, v27  }
0x2d5: {  	v25 =	vmul.f32 v36, v25  }
0x2d6: {  	[tilespmem:s8+$0x0] =	vst.add.f32.msk $0xffff, v27  }
0x2d7: {  	[tilespmem:s2+$0x0] =	vst.add.f32.msk $0xffff, v25  }
0x2d8: {  	v25 =	vld [tilespmem:$0x1FA90];
	_ =	sdelay $0x2  }
0x2d9: {  	v51 =	vld [tilespmem:$0x1F980];
	v27 =	vmul.f32 v36, v62  }
0x2da: {  	s3 =	simm.s32 $0x40F0;
	v43 =	vld [tilespmem:$0x1F950]  }
0x2db: {  	[tilespmem:s3+$0x0] =	vst.add.f32.msk $0xffff, v27;
	v25 =	vmul.f32 v36, v25  }
0x2dc: {  	s9 =	simm.s32 $0x4100;
	v27 =	vld [tilespmem:$0x1FAA0]  }
0x2dd: {  	[tilespmem:s9+$0x0] =	vst.add.f32.msk $0xffff, v25  }
0x2de: {  	v25 =	vld [tilespmem:$0x1FAB0]  }
0x2df: {  	[tilespmem:s3+$0x0] =	vst.add.f32.msk $0xffff, v35  }
0x2e0: {  	v42 =	vld [tilespmem:$0x1F940]  }
0x2e1: {  	v48 =	vld [tilespmem:$0x1F970];
	v27 =	vmul.f32 v36, v27  }
0x2e2: {  	s5 =	simm.s32 $0x4110;
	v47 =	vld [tilespmem:$0x1F960]  }
0x2e3: {  	[tilespmem:s5+$0x0] =	vst.add.f32.msk $0xffff, v27;
	v25 =	vmul.f32 v36, v25  }
0x2e4: {  	s6 =	simm.s32 $0x4120;
	v27 =	vld [tilespmem:$0x1FAC0]  }
0x2e5: {  	[tilespmem:s6+$0x0] =	vst.add.f32.msk $0xffff, v25  }
0x2e6: {  	v25 =	vld [tilespmem:$0x1FAD0]  }
0x2e7: {  	v52 =	vld [tilespmem:$0x1F990]  }
0x2e8: {  	[tilespmem:s9+$0x0] =	vst.add.f32.msk $0xffff, v42  }
0x2e9: {  	v57 =	vld [tilespmem:$0x1F9A0];
	v27 =	vmul.f32 v36, v27  }
0x2ea: {  	s10 =	simm.s32 $0x4130;
	[tilespmem:s5+$0x0] =	vst.add.f32.msk $0xffff, v43  }
0x2eb: {  	[tilespmem:s10+$0x0] =	vst.add.f32.msk $0xffff, v27;
	v25 =	vmul.f32 v36, v25  }
0x2ec: {  	s11 =	simm.s32 $0x4140;
	v27 =	vld [tilespmem:$0x1FAE0]  }
0x2ed: {  	v35 =	vadd.f32 v58, v41;
	[tilespmem:s11+$0x0] =	vst.add.f32.msk $0xffff, v25  }
0x2ee: {  	v25 =	vld [tilespmem:$0x1FAF0]  }
0x2ef: {  	v58 =	vld [tilespmem:$0x1F9B0];
	v50 =	vperm.xlane v35, v46  }
0x2f0: {  	[tilespmem:s6+$0x0] =	vst.add.f32.msk $0xffff, v47  }
0x2f1: {  	v47 =	vld [tilespmem:$0x1F9F0];
	v35 =	vadd.f32 v35, v50;
	v27 =	vmul.f32 v36, v27  }
0x2f2: {  	s29 =	simm.s32 $0x4150;
	[tilespmem:s10+$0x0] =	vst.add.f32.msk $0xffff, v48  }
0x2f3: {  	v61 =	vperm.xlane v35, v49;
	[tilespmem:s29+$0x0] =	vst.add.f32.msk $0xffff, v27;
	v25 =	vmul.f32 v36, v25  }
0x2f4: {  	s30 =	simm.s32 $0x4160;
	v27 =	vld [tilespmem:$0x1FB00]  }
0x2f5: {  	v35 =	vadd.f32 v35, v61;
	[tilespmem:s30+$0x0] =	vst.add.f32.msk $0xffff, v25  }
0x2f6: {  	v25 =	vld [tilespmem:$0x1FB10]  }
0x2f7: {  	v46 =	vld [tilespmem:$0x1F9E0];
	v48 =	vperm.xlane v35, v53  }
0x2f8: {  	[tilespmem:s11+$0x0] =	vst.add.f32.msk $0xffff, v51  }
0x2f9: {  	v44 =	vld [tilespmem:$0x1F9C0];
	v35 =	vadd.f32 v35, v48;
	v27 =	vmul.f32 v36, v27  }
0x2fa: {  	s0 =	simm.s32 $0x4170;
	v51 =	vld [tilespmem:$0x1FA20]  }
0x2fb: {  	v53 =	vperm.xlane v35, v54;
	[tilespmem:s0+$0x0] =	vst.add.f32.msk $0xffff, v27;
	v25 =	vmul.f32 v36, v25  }
0x2fc: {  	s31 =	simm.s32 $0x4180;
	v27 =	vld [tilespmem:$0x1FB20]  }
0x2fd: {  	v54 =	vadd.f32 v35, v53;
	[tilespmem:s31+$0x0] =	vst.add.f32.msk $0xffff, v25  }
0x2fe: {  	v25 =	vld [tilespmem:$0x1FB30]  }
0x2ff: {  	[tilespmem:s29+$0x0] =	vst.add.f32.msk $0xffff, v52;
	v56 =	vshra.s32 v54, $0x1;
	v30 =	vmul.f32 $5.000000000e-01, v54  }
0x300: {  	v50 =	vld [tilespmem:$0x1FA10];
	v31 =	vsub.s32 $0x5F3759DF, v56  }
0x301: {  	[tilespmem:s30+$0x0] =	vst.add.f32.msk $0xffff, v57;
	v57 =	vmul.f32 v31, v30  }
0x302: {  	v52 =	vld [tilespmem:$0x1FA30];
	v27 =	vmul.f32 v36, v27  }
0x303: {  	s28 =	simm.s32 $0x4190;
	v45 =	vld [tilespmem:$0x1F9D0];
	v29 =	vmul.f32 v31, v57;
	v25 =	vmul.f32 v36, v25  }
0x304: {  	s26 =	simm.s32 $0x41A0;
	[tilespmem:s28+$0x0] =	vst.add.f32.msk $0xffff, v27  }
0x305: {  	v29 =	vsub.f32 $1.500000000e+00, v29;
	[tilespmem:s26+$0x0] =	vst.add.f32.msk $0xffff, v25  }
0x306: {  	v25 =	vld [tilespmem:$0x1FB50]  }
0x307: {  	[tilespmem:s0+$0x0] =	vst.add.f32.msk $0xffff, v58;
	v29 =	vmul.f32 v31, v29  }
0x308: {  	v49 =	vld [tilespmem:$0x1FA00]  }
0x309: {  	v31 =	vmul.f32 v29, v30;
	v27 =	vld [tilespmem:$0x1FB40]  }
0x30a: {  	[tilespmem:s31+$0x0] =	vst.add.f32.msk $0xffff, v44  }
0x30b: {  	v31 =	vmul.f32 v31, v29;
	v58 =	vmul.f32 v36, v25;
	v25 =	vld [tilespmem:$0x1FB60]  }
0x30c: {  	v61 =	vld [tilespmem:$0x1FB90]  }
0x30d: {  	[tilespmem:s28+$0x0] =	vst.add.f32.msk $0xffff, v45;
	v31 =	vsub.f32 $1.500000000e+00, v31  }
0x30e: {  	[tilespmem:s26+$0x0] =	vst.add.f32.msk $0xffff, v46;
	v27 =	vmul.f32 v36, v27  }
0x30f: {  	s25 =	simm.s32 $0x41B0;
	v60 =	vld [tilespmem:$0x1FB70];
	v29 =	vmul.f32 v31, v29  }
0x310: {  	s21 =	simm.s32 $0x41C0;
	[tilespmem:s25+$0x0] =	vst.add.f32.msk $0xffff, v27;
	v27 =	vmul.f32 v36, v25  }
0x311: {  	s20 =	simm.s32 $0x41D0;
	v30 =	vmul.f32 v29, v30;
	[tilespmem:s21+$0x0] =	vst.add.f32.msk $0xffff, v58  }
0x312: {  	[tilespmem:s20+$0x0] =	vst.add.f32.msk $0xffff, v27  }
0x313: {  	v30 =	vmul.f32 v30, v29;
	v27 =	vld [tilespmem:$0x1FB80]  }
0x314: {  	s13 =	sadd.s32 $0x2, s13;
	[tilespmem:s25+$0x0] =	vst.add.f32.msk $0xffff, v47  }
0x315: {  	s14 =	sadd.s32 $0x100, s14;
	p1 =	slt.u32 s13, $0xE;
	[tilespmem:s21+$0x0] =	vst.add.f32.msk $0xffff, v49;
	v30 =	vsub.f32 $1.500000000e+00, v30  }
0x316: {  	s15 =	sadd.s32 $0x400, s15;
	s22 =	simm.s32 $0x41E0;
	s18 =	simm.s32 $0x41F0;
	[tilespmem:s20+$0x0] =	vst.add.f32.msk $0xffff, v50  }
0x317: {  	[tilespmem:s22+$0x0] =	vst.add.f32.msk $0xffff, v51;
	s1 =	simm.s32 $0x4170;
	s23 =	simm.s32 $0x4040;
	s24 =	simm.s32 $0x4080;
	v25 =	vmul.f32 v30, v29;
	v29 =	vmul.f32 v36, v60  }
0x318: {  	[tilespmem:s18+$0x0] =	vst.add.f32.msk $0xffff, v52;
	s7 =	simm.s32 $0x40C0;
	s17 =	simm.s32 $0x4090;
	s19 =	simm.s32 $0x40A0;
	v27 =	vmul.f32 v36, v27  }
0x319: {  	s4 =	simm.s32 $0x40D0;
	s8 =	simm.s32 $0x40E0;
	s2 =	simm.s32 $0x40F0;
	v30 =	vmul.f32 v25, v61;
	v62 =	vmul.f32 v25, v40;
	[tilespmem:s22+$0x0] =	vst.add.f32.msk $0xffff, v29  }
0x31a: {  	s3 =	simm.s32 $0x4100;
	s9 =	simm.s32 $0x4110;
	v63 =	vmul.f32 v25, v38;
	v28 =	vmul.f32 v25, v28;
	[tilespmem:s18+$0x0] =	vst.add.f32.msk $0xffff, v27;
	s18 =	simm.s32 $0x4000  }
0x31b: {  	s5 =	simm.s32 $0x4120;
	s6 =	simm.s32 $0x4130;
	v26 =	vmul.f32 v25, v26;
	v24 =	vmul.f32 v25, v24;
	[tilespmem:s18+$0x0] =	vst.add.f32.msk $0xffff, v30;
	s18 =	simm.s32 $0x4010  }
.Ltmp3:
0x31c: {  	s10 =	simm.s32 $0x4140;
	v23 =	vmul.f32 v25, v23;
	v22 =	vmul.f32 v25, v22;
	[tilespmem:s18+$0x0] =	vst.add.f32.msk $0xffff, v62;
	s18 =	simm.s32 $0x4020;
	(pc) =	sbr.rel @p1 .LBB2_5-.Ltmp3, $4  }
0x31d: {  	s11 =	simm.s32 $0x4150;
	s29 =	simm.s32 $0x4160;
	s31 =	simm.s32 $0x4030;
	v58 =	vmul.f32 v25, v21;
	v50 =	vmul.f32 v25, v4;
	[tilespmem:s18+$0x0] =	vst.add.f32.msk $0xffff, v63  }
0x31e: {  	s30 =	simm.s32 $0x4180;
	s0 =	simm.s32 $0x4190;
	s28 =	simm.s32 $0x41A0;
	v47 =	vmul.f32 v25, v3;
	v41 =	vmul.f32 v25, v2;
	[tilespmem:s31+$0x0] =	vst.add.f32.msk $0xffff, v28  }
0x31f: {  	s26 =	simm.s32 $0x41B0;
	s25 =	simm.s32 $0x41C0;
	v39 =	vmul.f32 v25, v1;
	v37 =	vmul.f32 v25, v0;
	[tilespmem:s23+$0x0] =	vst.add.f32.msk $0xffff, v26;
	s23 =	simm.s32 $0x4050  }
0x320: {  	s21 =	simm.s32 $0x41D0;
	s20 =	simm.s32 $0x41E0;
	v35 =	vmul.f32 v25, v59;
	s22 =	simm.s32 $0x41F0;
	v36 =	vmul.f32 v25, v5;
	[tilespmem:s23+$0x0] =	vst.add.f32.msk $0xffff, v24  }
0x321: {  	v27 =	vld [tilespmem:$0x1FFF0]  }
0x322: {  	v5 =	vld [tilespmem:$0x1FFE0]  }
0x323: {  	v26 =	vld [tilespmem:$0x1FFD0]  }
0x324: {  	v28 =	vld [tilespmem:$0x1FFC0];
	s12 =	simm.s32 $0x4060  }
0x325: {  	s31 =	simm.s32 $0x4070;
	[tilespmem:s12+$0x0] =	vst.add.f32.msk $0xffff, v23  }
0x326: {  	[tilespmem:s31+$0x0] =	vst.add.f32.msk $0xffff, v22  }
0x327: {  	[tilespmem:s24+$0x0] =	vst.add.f32.msk $0xffff, v58  }
0x328: {  	[tilespmem:s17+$0x0] =	vst.add.f32.msk $0xffff, v50  }
0x329: {  	[tilespmem:s19+$0x0] =	vst.add.f32.msk $0xffff, v47  }
0x32a: {  	[tilespmem:s16+$0x0] =	vst.add.f32.msk $0xffff, v41  }
0x32b: {  	[tilespmem:s7+$0x0] =	vst.add.f32.msk $0xffff, v39  }
0x32c: {  	[tilespmem:s4+$0x0] =	vst.add.f32.msk $0xffff, v37  }
0x32d: {  	v0 =	vmul.f32 v25, v55;
	[tilespmem:s8+$0x0] =	vst.add.f32.msk $0xffff, v36  }
0x32e: {  	v1 =	vmul.f32 v25, v6;
	[tilespmem:s2+$0x0] =	vst.add.f32.msk $0xffff, v35  }
0x32f: {  	v2 =	vmul.f32 v25, v7;
	[tilespmem:s3+$0x0] =	vst.add.f32.msk $0xffff, v0  }
0x330: {  	v51 =	vmul.f32 v25, v8;
	[tilespmem:s9+$0x0] =	vst.add.f32.msk $0xffff, v1  }
0x331: {  	v52 =	vmul.f32 v25, v9;
	[tilespmem:s5+$0x0] =	vst.add.f32.msk $0xffff, v2  }
0x332: {  	v53 =	vmul.f32 v25, v10;
	[tilespmem:s6+$0x0] =	vst.add.f32.msk $0xffff, v51  }
0x333: {  	v54 =	vmul.f32 v25, v11;
	[tilespmem:s10+$0x0] =	vst.add.f32.msk $0xffff, v52  }
0x334: {  	v55 =	vmul.f32 v25, v12;
	[tilespmem:s11+$0x0] =	vst.add.f32.msk $0xffff, v53  }
0x335: {  	v56 =	vmul.f32 v25, v13;
	[tilespmem:s29+$0x0] =	vst.add.f32.msk $0xffff, v54  }
0x336: {  	v57 =	vmul.f32 v25, v14;
	[tilespmem:s1+$0x0] =	vst.add.f32.msk $0xffff, v55  }
0x337: {  	v58 =	vmul.f32 v25, v15;
	[tilespmem:s30+$0x0] =	vst.add.f32.msk $0xffff, v56  }
0x338: {  	v59 =	vmul.f32 v25, v16;
	[tilespmem:s0+$0x0] =	vst.add.f32.msk $0xffff, v57  }
0x339: {  	v60 =	vmul.f32 v25, v17;
	[tilespmem:s28+$0x0] =	vst.add.f32.msk $0xffff, v58  }
.Ltmp4:
0x33a: {  	v61 =	vmul.f32 v25, v18;
	[tilespmem:s26+$0x0] =	vst.add.f32.msk $0xffff, v59;
	(pc) =	sbr.rel @p0 .LBB2_8-.Ltmp4, $4  }
0x33b: {  	v62 =	vmul.f32 v25, v19;
	[tilespmem:s25+$0x0] =	vst.add.f32.msk $0xffff, v60  }
0x33c: {  	v63 =	vmul.f32 v25, v20;
	[tilespmem:s21+$0x0] =	vst.add.f32.msk $0xffff, v61  }
0x33d: {  	[tilespmem:s20+$0x0] =	vst.add.f32.msk $0xffff, v62  }
0x33e: {  	s4 =	simm.s32 $0x4080;
	s2 =	simm.s32 $0x40A0;
	s3 =	simm.s32 $0x4090;
	[tilespmem:s22+$0x0] =	vst.add.f32.msk $0xffff, v63  }
0x33f: {  	s12 =	rddreg [dreg:$0x6]  }
.Ltmp5:
0x340: {  	s0 =	rddreg [dreg:$0xb];
	s13 =	simm.s32 $0x0;
	(pc) =	sbr.rel .LBB2_2-.Ltmp5, $4  }
0x341: {  	s14 =	simm.s32 $0x2000;
	s31 =	rddreg [dreg:$0xa];
	s5 =	simm.s32 $0x4050  }
0x342: {  	s6 =	simm.s32 $0x4010;
	s12 =	sadd.s32 s0, s12;
	s0 =	sadd.s32 $0x1, s31  }
0x343: {  	[tilespmem:s14], [sflag:$0x2] =	stream.linear.gather [hbm4b:s12+s13], $0x2000, $0x38;
	[tilespmem:$0x4200] =	vst v63  }
0x344: {  	v25 =	vmov v5;
	s7 =	simm.s32 $0x4020;
	s8 =	simm.s32 $0x4000;
	[dreg:$0xa] =	wrdreg s0  }
.LBB2_9:
0x345: {  	_ =	sfence.sel $0x180000  }
0x346: {  	[bflag:$0x0] =	sbarrier.arrive $0xFFFF  }
0x347: {  	_ =	strace $0x90000047  }
0x348: {  	s0 =	stileid.u32;
	[bflag:$0x2] =	sbarrier.arrive $0xFFFF  }
0x349: {  	p0 =	sne.s32 s0, $0x0;
	s0 =	rddreg [dreg:$0x2]  }
0x34a: {  	s0 =	sadd.s32 @!p0 $0x100000, s0  }
0x34b: {  	[sflag:s0] =	ssyncadd.tile.s32 @!p0 $0x1;
	_ =	shalt  }
.Lfunc_end2:
_tile_overlayer_lowered:
.L_overlay_start_2:
0x34c: {  	(tag) =	ssettag $0x2  }
0x34d: {  	s0 =	rddreg [dreg:$0x0];
	s2 =	stileid.u32  }
0x34e: {  	s1 =	rddreg [dreg:$0x1];
	p0 =	sne.s32 s2, $0x0  }
0x34f: {  	s3 =	rddreg [dreg:$0x2];
	[bflag:$0x3] =	sbarrier.arrive $0xFFFF;
	s2 =	simm.s32 @!p0 $0x1C03  }
0x350: {  	[timem:s3], [sflag:s2] =	dma.local @!p0 [hbm:s0], s1  }
0x351: {  	s0 =	simm.s32 @!p0 $0x3  }
0x352: {  	_ =	swait.ge @!p0 [sflag:s0], s1  }
0x353: {  	s1 =	ssub.s32 @!p0 $0x0, s1;
	[sflag:s0] =	ssyncset.done @!p0 $0x0  }
0x354: {  	[sflag:s0] =	ssyncadd.s32 @!p0 s1  }
0x355: {  	[bflag:$0x3] =	sbarrier.arrive $0xFFFF  }
0x356: {  	_ =	shalt  }

</sc_bundles>
